<compile_context>
chip_gen: v7x
topology: tpu7x:2x2x1
jax: 0.10.2.dev20260603
libtpu: 0.0.44.dev20260713+nightly
codegen_flags: <defaults>
</compile_context>

<pallas_src>
import dataclasses
import functools

import jax
import jax.numpy as jnp
from jax import lax
from jax.experimental import pallas as pl
from jax.experimental.pallas import tpu as pltpu
from jax.experimental.pallas import tpu_sc as plsc

N = 50000
E = 800000
H = 64
G = 512

NW = 32
NPAD = 50176
NR = 392
SL = NPAD // NW
E_PAD = 802816
CH = 6272
W_AC = E_PAD // NW
NCH_AC = W_AC // CH
W_E = E_PAD // 16
NCH_E = W_E // CH
GP = 640

_mesh = plsc.VectorSubcoreMesh(core_axis_name="c", subcore_axis_name="s")
_f32 = jnp.float32

_sc_params = pltpu.CompilerParams()
if "needs_layout_passes" in pltpu.CompilerParams.__dataclass_fields__:
    _sc_params = dataclasses.replace(_sc_params, needs_layout_passes=False)


def _wid():
    return lax.axis_index("c") * 16 + lax.axis_index("s")



def _deg_body(dst_hbm, zeros_hbm, out_hbm, acc_v, dst_v0, dst_v1,
              semz, sem0, sem1):
    wid = _wid()
    base = wid * W_AC
    ones = jnp.full((16,), 1.0, dtype=_f32)
    bufs = (dst_v0, dst_v1)
    sems = (sem0, sem1)

    def start(b, off):
        pltpu.async_copy(dst_hbm.at[pl.ds(off, CH)], bufs[b], sems[b])

    def wait(b):
        pltpu.make_async_copy(dst_hbm.at[pl.ds(0, CH)], bufs[b],
                              sems[b]).wait()

    def scat(b):
        @pl.loop(0, CH, step=128)
        def _inner(i):
            for u in range(8):
                di = bufs[b][pl.ds(i + u * 16, 16)]
                plsc.addupdate_scatter(acc_v, [di], ones)

    pltpu.async_copy(zeros_hbm, acc_v, semz)
    start(0, base)
    pltpu.make_async_copy(zeros_hbm, acc_v, semz).wait()

    @pl.loop(0, NCH_AC, step=2)
    def _chunks(j):
        start(1, base + (j + 1) * CH)
        wait(0)
        scat(0)

        @pl.when(j + 2 < NCH_AC)
        def _():
            start(0, base + (j + 2) * CH)

        wait(1)
        scat(1)

    pltpu.sync_copy(acc_v, out_hbm.at[pl.ds(wid * NPAD, NPAD)])


def _sc_deg(dstp, zeros):
    fn = pl.kernel(
        _deg_body,
        out_type=jax.ShapeDtypeStruct((NW * NPAD,), _f32),
        mesh=_mesh,
        compiler_params=_sc_params,
        scratch_types=[
            pltpu.VMEM((NPAD,), _f32),
            pltpu.VMEM((CH,), jnp.int32),
            pltpu.VMEM((CH,), jnp.int32),
            pltpu.SemaphoreType.DMA,
            pltpu.SemaphoreType.DMA,
            pltpu.SemaphoreType.DMA,
        ],
    )
    return fn(dstp, zeros)



def _gs_loop(src_hbm, dst_hbm, out_hbm, t_v, acc_v, sbufs, dbufs, sems,
             wid, base, nch):
    def start(b, off):
        pltpu.async_copy(src_hbm.at[pl.ds(off, CH)], sbufs[b], sems[b])
        pltpu.async_copy(dst_hbm.at[pl.ds(off, CH)], dbufs[b], sems[b])

    def wait(b):
        pltpu.make_async_copy(src_hbm.at[pl.ds(0, CH)], sbufs[b],
                              sems[b]).wait()
        pltpu.make_async_copy(dst_hbm.at[pl.ds(0, CH)], dbufs[b],
                              sems[b]).wait()

    def scat(b):
        @pl.loop(0, CH, step=128)
        def _inner(i):
            for u in range(8):
                si = sbufs[b][pl.ds(i + u * 16, 16)]
                di = dbufs[b][pl.ds(i + u * 16, 16)]
                vals = plsc.load_gather(t_v, [si])
                plsc.addupdate_scatter(acc_v, [di], vals)

    @pl.loop(0, nch, step=2)
    def _chunks(j):
        start(1, base + (j + 1) * CH)
        wait(0)
        scat(0)

        @pl.when(j + 2 < nch)
        def _():
            start(0, base + (j + 2) * CH)

        wait(1)
        scat(1)

    pltpu.sync_copy(acc_v, out_hbm.at[pl.ds(wid * NPAD, NPAD)])



def _gs_body(src_hbm, dst_hbm, t_hbm, zeros_hbm, out_hbm,
             t_v, acc_v, src_v0, dst_v0, src_v1, dst_v1, semt, sem0, sem1):
    wid = _wid()
    base = wid * W_AC
    pltpu.async_copy(t_hbm, t_v, semt)
    pltpu.async_copy(zeros_hbm, acc_v, semt)
    pltpu.async_copy(src_hbm.at[pl.ds(base, CH)], src_v0, sem0)
    pltpu.async_copy(dst_hbm.at[pl.ds(base, CH)], dst_v0, sem0)
    pltpu.make_async_copy(t_hbm, t_v, semt).wait()
    pltpu.make_async_copy(zeros_hbm, acc_v, semt).wait()
    _gs_loop(src_hbm, dst_hbm, out_hbm, t_v, acc_v,
             (src_v0, src_v1), (dst_v0, dst_v1), (sem0, sem1),
             wid, base, NCH_AC)


def _sc_gs(srcp, dstp, t1d, zeros):
    fn = pl.kernel(
        _gs_body,
        out_type=jax.ShapeDtypeStruct((NW * NPAD,), _f32),
        mesh=_mesh,
        compiler_params=_sc_params,
        scratch_types=[
            pltpu.VMEM((NPAD,), _f32),
            pltpu.VMEM((NPAD,), _f32),
            pltpu.VMEM((CH,), jnp.int32),
            pltpu.VMEM((CH,), jnp.int32),
            pltpu.VMEM((CH,), jnp.int32),
            pltpu.VMEM((CH,), jnp.int32),
            pltpu.SemaphoreType.DMA,
            pltpu.SemaphoreType.DMA,
            pltpu.SemaphoreType.DMA,
        ],
    )
    return fn(srcp, dstp, t1d, zeros)



def _ac_body(src_hbm, dst_hbm, tatc_hbm, zeros_hbm, out_hbm,
             t_v, acc_v, src_v0, dst_v0, src_v1, dst_v1, semt, sem0, sem1):
    c = lax.axis_index("c")
    s = lax.axis_index("s")
    wid = c * 16 + s
    base = s * W_E
    pltpu.async_copy(tatc_hbm.at[pl.ds(c * NPAD, NPAD)], t_v, semt)
    pltpu.async_copy(zeros_hbm, acc_v, semt)
    pltpu.async_copy(src_hbm.at[pl.ds(base, CH)], src_v0, sem0)
    pltpu.async_copy(dst_hbm.at[pl.ds(base, CH)], dst_v0, sem0)
    pltpu.make_async_copy(tatc_hbm.at[pl.ds(0, NPAD)], t_v, semt).wait()
    pltpu.make_async_copy(zeros_hbm, acc_v, semt).wait()
    _gs_loop(src_hbm, dst_hbm, out_hbm, t_v, acc_v,
             (src_v0, src_v1), (dst_v0, dst_v1), (sem0, sem1),
             wid, base, NCH_E)


def _sc_ac(srcp, dstp, tatc, zeros):
    fn = pl.kernel(
        _ac_body,
        out_type=jax.ShapeDtypeStruct((NW * NPAD,), _f32),
        mesh=_mesh,
        compiler_params=_sc_params,
        scratch_types=[
            pltpu.VMEM((NPAD,), _f32),
            pltpu.VMEM((NPAD,), _f32),
            pltpu.VMEM((CH,), jnp.int32),
            pltpu.VMEM((CH,), jnp.int32),
            pltpu.VMEM((CH,), jnp.int32),
            pltpu.VMEM((CH,), jnp.int32),
            pltpu.SemaphoreType.DMA,
            pltpu.SemaphoreType.DMA,
            pltpu.SemaphoreType.DMA,
        ],
    )
    return fn(srcp, dstp, tatc, zeros)



def _pool_body(part_hbm, tatc_hbm, dinv_hbm, batch_hbm, out_hbm,
               p_v, ta_v, tc_v, dinv_v, b_v, accA, accC, accN,
               semp, semm):
    wid = _wid()
    lo = wid * SL
    zs = jnp.zeros((16,), dtype=_f32)

    @pl.loop(0, NW)
    def _ld(r):
        pltpu.async_copy(part_hbm.at[pl.ds(r * NPAD + lo, SL)],
                         p_v.at[pl.ds(r * SL, SL)], semp)

    pltpu.async_copy(tatc_hbm.at[pl.ds(lo, SL)], ta_v, semm)
    pltpu.async_copy(tatc_hbm.at[pl.ds(NPAD + lo, SL)], tc_v, semm)
    pltpu.async_copy(dinv_hbm.at[pl.ds(lo, SL)], dinv_v, semm)
    pltpu.async_copy(batch_hbm.at[pl.ds(lo, SL)], b_v, semm)

    @pl.loop(0, GP, step=16)
    def _z(i):
        accA[pl.ds(i, 16)] = zs
        accC[pl.ds(i, 16)] = zs
        accN[pl.ds(i, 16)] = zs

    @pl.loop(0, NW)
    def _wt(r):
        pltpu.make_async_copy(part_hbm.at[pl.ds(lo, SL)],
                              p_v.at[pl.ds(0, SL)], semp).wait()

    pltpu.make_async_copy(dinv_hbm.at[pl.ds(lo, SL)], ta_v, semm).wait()
    pltpu.make_async_copy(dinv_hbm.at[pl.ds(lo, SL)], tc_v, semm).wait()
    pltpu.make_async_copy(dinv_hbm.at[pl.ds(lo, SL)], dinv_v, semm).wait()
    pltpu.make_async_copy(batch_hbm.at[pl.ds(lo, SL)], b_v, semm).wait()
    ones = jnp.full((16,), 1.0, dtype=_f32)

    @pl.loop(0, SL, step=16)
    def _inner(i):
        sl = pl.ds(i, 16)
        Ap = p_v[pl.ds(i, 16)]
        Cp = p_v[pl.ds(16 * SL + i, 16)]
        for r in range(1, 16):
            Ap = Ap + p_v[pl.ds(r * SL + i, 16)]
            Cp = Cp + p_v[pl.ds((16 + r) * SL + i, 16)]
        dv = dinv_v[sl]
        Av = dv * (Ap + ta_v[sl])
        Cv = dv * (Cp + tc_v[sl])
        bi = b_v[sl]
        plsc.addupdate_scatter(accA, [bi], Av)
        plsc.addupdate_scatter(accC, [bi], Cv)
        plsc.addupdate_scatter(accN, [bi], ones)

    base3 = wid * 3 * GP
    pltpu.sync_copy(accA, out_hbm.at[pl.ds(base3, GP)])
    pltpu.sync_copy(accC, out_hbm.at[pl.ds(base3 + GP, GP)])
    pltpu.sync_copy(accN, out_hbm.at[pl.ds(base3 + 2 * GP, GP)])


def _sc_pool(part, tatc, dinv1d, batchp):
    fn = pl.kernel(
        _pool_body,
        out_type=jax.ShapeDtypeStruct((NW * 3 * GP,), _f32),
        mesh=_mesh,
        compiler_params=_sc_params,
        scratch_types=[
            pltpu.VMEM((NW * SL,), _f32),
            pltpu.VMEM((SL,), _f32),
            pltpu.VMEM((SL,), _f32),
            pltpu.VMEM((SL,), _f32),
            pltpu.VMEM((SL,), jnp.int32),
            pltpu.VMEM((GP,), _f32),
            pltpu.VMEM((GP,), _f32),
            pltpu.VMEM((GP,), _f32),
            pltpu.SemaphoreType.DMA,
            pltpu.SemaphoreType.DMA,
        ],
    )
    return fn(part, tatc, dinv1d, batchp)



def _tcB_body(part_ref, x_ref, dinv_ref, t_ref):
    deg = jnp.sum(part_ref[...], axis=0) + 1.0
    dinv = lax.rsqrt(deg)
    dinv_ref[...] = dinv
    t_ref[...] = x_ref[...] * dinv


def _tc_b(part3, x2):
    return pl.pallas_call(
        _tcB_body,
        out_shape=[
            jax.ShapeDtypeStruct((NR, 128), _f32),
            jax.ShapeDtypeStruct((NR, 128), _f32),
        ],
    )(part3, x2)


def _tcD_body(part_ref, t_ref, dinv_ref, tatc_ref):
    sp = jnp.sum(part_ref[...], axis=0)
    dinv = dinv_ref[...]
    s = dinv * (sp + t_ref[...])
    tatc_ref[0] = dinv * jnp.maximum(s, 0.0)
    tatc_ref[1] = dinv * jnp.maximum(-s, 0.0)


def _tc_d(part3, t2, dinv2):
    return pl.pallas_call(
        _tcD_body,
        out_shape=jax.ShapeDtypeStruct((2, NR, 128), _f32),
    )(part3, t2, dinv2)


def _dot(a, b, dims):
    return lax.dot_general(a, b, (dims, ((), ())),
                           precision=lax.Precision.HIGHEST,
                           preferred_element_type=_f32)


def _tcF_body(pp_ref, W1_ref, W2_ref, Wc1_ref, Wc2_ref, b2_ref, bc1_ref,
              bc2_ref, out_ref):
    p3 = jnp.sum(pp_ref[...], axis=0)
    sumA = p3[0:1, 0:G]
    sumC = p3[1:2, 0:G]
    cnt = p3[2:3, 0:G]
    invc = 1.0 / jnp.maximum(cnt, 1.0)
    Abar = sumA * invc
    Cbar = sumC * invc
    m = jnp.minimum(cnt, 1.0)

    u = jnp.maximum(W1_ref[...], 0.0)
    v = jnp.maximum(-W1_ref[...], 0.0)
    p = _dot(u, W2_ref[...], ((1,), (0,)))
    q = _dot(v, W2_ref[...], ((1,), (0,)))
    Pc = _dot(Wc1_ref[...], p, ((0,), (1,)))
    Qc = _dot(Wc1_ref[...], q, ((0,), (1,)))
    Rc = _dot(Wc1_ref[...], b2_ref[...], ((0,), (1,)))
    zT = Pc * Abar + Qc * Cbar + Rc * m + bc1_ref[...]
    zT = jnp.maximum(zT, 0.0)
    o = _dot(Wc2_ref[...], zT, ((0,), (0,)))
    o = o + bc2_ref[...]
    out_ref[...] = 1.0 / (1.0 + jnp.exp(-o))


def _tc_f(pp, W1, W2, Wc1, Wc2, b2, bc1, bc2):
    return pl.pallas_call(
        _tcF_body,
        out_shape=jax.ShapeDtypeStruct((1, G), _f32),
    )(pp, W1, W2, Wc1, Wc2, b2.reshape(1, H), bc1.reshape(32, 1),
      bc2.reshape(1, 1))



def kernel(x, edge_index, batch, W1, b1, W2, b2, Wc1, bc1, Wc2, bc2):
    i32 = jnp.int32
    pad = jnp.full((E_PAD - E,), N, i32)
    srcp = jnp.concatenate([edge_index[0].astype(i32), pad])
    dstp = jnp.concatenate([edge_index[1].astype(i32), pad])
    xpad = jnp.pad(x[:, 0], (0, NPAD - N))
    batchp = jnp.pad(batch.astype(i32), (0, NPAD - N), constant_values=G)
    zeros = jnp.zeros((NPAD,), _f32)

    degp = _sc_deg(dstp, zeros)
    dinv2, t2 = _tc_b(degp.reshape(NW, NR, 128), xpad.reshape(NR, 128))
    t1d = t2.reshape(NPAD)
    dinv1d = dinv2.reshape(NPAD)

    spp = _sc_gs(srcp, dstp, t1d, zeros)
    tatc3 = _tc_d(spp.reshape(NW, NR, 128), t2, dinv2)
    tatc = tatc3.reshape(2 * NPAD)

    acp = _sc_ac(srcp, dstp, tatc, zeros)
    pooled = _sc_pool(acp, tatc, dinv1d, batchp)

    out = _tc_f(pooled.reshape(NW, 3, GP), W1, W2, Wc1, Wc2, b2, bc1, bc2)
    return out.reshape(G, 1)

# --- scband reference (transcript-rebuilt; emitter-appended) ---
"""Pipeline reference for scband-gnnclassifier-5282809774869 (READ-ONLY COPY).

The authoritative reference and input builder live on the scoring server;
editing this copy changes nothing except your own understanding.
"""

import jax, jax.numpy as jnp
import numpy as np

N = 50000
E = 800000
H = 64
G = 512

def setup_inputs(seed: int = 0) -> dict:
    key = jax.random.key(seed)
    ks = jax.random.split(key, 12)
    x = jax.random.normal(ks[0], (N, 1), dtype=jnp.float32)
    edge_index = jax.random.randint(ks[1], (2, E), 0, N, dtype=jnp.int32)
    batch = jnp.sort(jax.random.randint(ks[2], (N,), 0, G, dtype=jnp.int32))
    W1 = jax.random.normal(ks[3], (1, H), dtype=jnp.float32) * (1.0 / np.sqrt(1.0))
    b1 = jnp.zeros((H,), dtype=jnp.float32)
    W2 = jax.random.normal(ks[4], (H, H), dtype=jnp.float32) * (1.0 / np.sqrt(H))
    b2 = jnp.zeros((H,), dtype=jnp.float32)
    Wc1 = jax.random.normal(ks[5], (H, 32), dtype=jnp.float32) * (1.0 / np.sqrt(H))
    bc1 = jnp.zeros((32,), dtype=jnp.float32)
    Wc2 = jax.random.normal(ks[6], (32, 1), dtype=jnp.float32) * (1.0 / np.sqrt(32.0))
    bc2 = jnp.zeros((1,), dtype=jnp.float32)
    return {"x": x, "edge_index": edge_index, "batch": batch,
            "W1": W1, "b1": b1, "W2": W2, "b2": b2,
            "Wc1": Wc1, "bc1": bc1, "Wc2": Wc2, "bc2": bc2}

def _gcn_conv(x, edge_index, W, b):
    src = edge_index[0]
    dst = edge_index[1]
    loop = jnp.arange(N, dtype=edge_index.dtype)
    src = jnp.concatenate([src, loop])
    dst = jnp.concatenate([dst, loop])
    ones = jnp.ones(src.shape[0], dtype=jnp.float32)
    deg = jnp.zeros((N,), dtype=jnp.float32).at[dst].add(ones)
    dinv = 1.0 / jnp.sqrt(jnp.maximum(deg, 1.0))
    xw = x @ W
    norm = dinv[src] * dinv[dst]
    msg = xw[src] * norm[:, None]
    out = jnp.zeros((N, W.shape[1]), dtype=jnp.float32).at[dst].add(msg)
    return out + b

def reference(x, edge_index, batch, W1, b1, W2, b2, Wc1, bc1, Wc2, bc2):
    h = _gcn_conv(x, edge_index, W1, b1)
    h = jax.nn.relu(h)
    h = _gcn_conv(h, edge_index, W2, b2)
    # global_mean_pool over graph ids
    sums = jax.ops.segment_sum(h, batch, num_segments=G)
    cnt = jax.ops.segment_sum(jnp.ones((N,), dtype=jnp.float32), batch, num_segments=G)
    pooled = sums / jnp.maximum(cnt, 1.0)[:, None]
    z = jax.nn.relu(pooled @ Wc1 + bc1)
    z = z @ Wc2 + bc2
    return jax.nn.sigmoid(z)

if __name__ == "__main__":
    import jax
    _d = setup_inputs()
    print(jax.jit(kernel)(*tuple(_d.values())))

</pallas_src>

<mosaic_0001>
#map = affine_map<(d0, d1) -> (0)>
module attributes {stable_mosaic.version = 14 : i64} {
  func.func @_deg_body(%arg0: i32, %arg1: i32, %arg2: memref<802816xi32, #tpu.memory_space<hbm>>, %arg3: memref<50176xf32, #tpu.memory_space<hbm>>, %arg4: memref<1605632xf32, #tpu.memory_space<hbm>>, %arg5: memref<50176xf32, #tpu.memory_space<vmem>>, %arg6: memref<6272xi32, #tpu.memory_space<vmem>>, %arg7: memref<6272xi32, #tpu.memory_space<vmem>>, %arg8: memref<!tpu.dma_semaphore, #tpu.memory_space<semaphore_mem>>, %arg9: memref<!tpu.dma_semaphore, #tpu.memory_space<semaphore_mem>>, %arg10: memref<!tpu.dma_semaphore, #tpu.memory_space<semaphore_mem>>) attributes {dimension_semantics = [#tpu.dimension_semantics<core_parallel>, #tpu.dimension_semantics<subcore_parallel>], iteration_bounds = array<i64: 2, 16>, scalar_prefetch = 0 : i64, scratch_operands = 6 : i64, tpu.core_type = #tpu.core_type<sc_vector_subcore>, window_params = [{transform_indices = #map}, {transform_indices = #map}, {transform_indices = #map}]} {
    %mul3A = arith.constant 16 : i32
    %mul3A_0 = arith.muli %arg0, %mul3A : i32
    %add3A = arith.addi %mul3A_0, %arg1 : i32
    %mul3A_1 = arith.constant 25088 : i32
    %mul3A_2 = arith.muli %add3A, %mul3A_1 : i32
    %broadcast_in_dim3A = arith.constant 1.000000e+00 : f32
    %broadcast_in_dim3A_3 = vector.broadcast %broadcast_in_dim3A : f32 to vector<16xf32>
    tpu.enqueue_dma source(%arg3 : memref<50176xf32, #tpu.memory_space<hbm>>) target(%arg5 : memref<50176xf32, #tpu.memory_space<vmem>>) target_semaphore(%arg8 : memref<!tpu.dma_semaphore, #tpu.memory_space<semaphore_mem>>)
    %dma_start3A = tpu.memref_slice %arg2[%mul3A_2] : memref<802816xi32, #tpu.memory_space<hbm>> -> memref<6272xi32, #tpu.memory_space<hbm>>
    %dma_start3A_4 = tpu.memref_slice %arg2[%mul3A_2] : memref<802816xi32, #tpu.memory_space<hbm>> -> memref<6272xi32, #tpu.memory_space<hbm>>
    tpu.enqueue_dma source(%dma_start3A_4 : memref<6272xi32, #tpu.memory_space<hbm>>) target(%arg6 : memref<6272xi32, #tpu.memory_space<vmem>>) target_semaphore(%arg9 : memref<!tpu.dma_semaphore, #tpu.memory_space<semaphore_mem>>)
    tpu.wait_dma2 semaphore(%arg8 : memref<!tpu.dma_semaphore, #tpu.memory_space<semaphore_mem>>) src(%arg3 : memref<50176xf32, #tpu.memory_space<hbm>>) dst(%arg5 : memref<50176xf32, #tpu.memory_space<vmem>>)
    %scan3A = arith.constant 0 : i32
    %scan3A_5 = arith.constant 2 : i32
    %scan3A_6 = arith.addi %scan3A, %scan3A_5 : i32
    %scan3A_7 = arith.constant 1 : i32
    scf.for %scan3A_11 = %scan3A to %scan3A_6 step %scan3A_7  : i32 {
      %mul3A_12 = arith.constant 2 : i32
      %mul3A_13 = arith.muli %scan3A_11, %mul3A_12 : i32
      %add3A_14 = arith.constant 0 : i32
      %add3A_15 = arith.addi %add3A_14, %mul3A_13 : i32
      %add3A_16 = arith.constant 1 : i32
      %add3A_17 = arith.addi %add3A_15, %add3A_16 : i32
      %mul3A_18 = arith.constant 6272 : i32
      %mul3A_19 = arith.muli %add3A_17, %mul3A_18 : i32
      %add3A_20 = arith.addi %mul3A_2, %mul3A_19 : i32
      %dma_start3A_21 = tpu.memref_slice %arg2[%add3A_20] : memref<802816xi32, #tpu.memory_space<hbm>> -> memref<6272xi32, #tpu.memory_space<hbm>>
      %dma_start3A_22 = tpu.memref_slice %arg2[%add3A_20] : memref<802816xi32, #tpu.memory_space<hbm>> -> memref<6272xi32, #tpu.memory_space<hbm>>
      tpu.enqueue_dma source(%dma_start3A_22 : memref<6272xi32, #tpu.memory_space<hbm>>) target(%arg7 : memref<6272xi32, #tpu.memory_space<vmem>>) target_semaphore(%arg10 : memref<!tpu.dma_semaphore, #tpu.memory_space<semaphore_mem>>)
      %dma_wait3A = arith.constant 0 : i32
      %dma_wait3A_23 = tpu.memref_slice %arg2[%dma_wait3A] : memref<802816xi32, #tpu.memory_space<hbm>> -> memref<6272xi32, #tpu.memory_space<hbm>>
      %dma_wait3A_24 = arith.constant 0 : i32
      %dma_wait3A_25 = tpu.memref_slice %arg2[%dma_wait3A_24] : memref<802816xi32, #tpu.memory_space<hbm>> -> memref<6272xi32, #tpu.memory_space<hbm>>
      tpu.wait_dma2 semaphore(%arg9 : memref<!tpu.dma_semaphore, #tpu.memory_space<semaphore_mem>>) src(%dma_wait3A_25 : memref<6272xi32, #tpu.memory_space<hbm>>) dst(%arg6 : memref<6272xi32, #tpu.memory_space<vmem>>)
      %scan3A_26 = arith.constant 0 : i32
      %scan3A_27 = arith.constant 49 : i32
      %scan3A_28 = arith.addi %scan3A_26, %scan3A_27 : i32
      %scan3A_29 = arith.constant 1 : i32
      scf.for %scan3A_44 = %scan3A_26 to %scan3A_28 step %scan3A_29  : i32 {
        %mul3A_45 = arith.constant 128 : i32
        %mul3A_46 = arith.muli %scan3A_44, %mul3A_45 : i32
        %add3A_47 = arith.constant 0 : i32
        %add3A_48 = arith.addi %add3A_47, %mul3A_46 : i32
        %add3A_49 = arith.constant 0 : i32
        %add3A_50 = arith.addi %add3A_48, %add3A_49 : i32
        %get3A = arith.index_cast %add3A_50 : i32 to index
        %get3A_51 = tpu.vector_load %arg6[%get3A] {strides = array<i32>} : memref<6272xi32, #tpu.memory_space<vmem>>, vector<16xi32>,
        tpu.vector_store_idx %arg5[%get3A_51], %broadcast_in_dim3A_3 {add = true} : memref<50176xf32, #tpu.memory_space<vmem>>[vector<16xi32>], vector<16xf32>,
        %add3A_52 = arith.constant 16 : i32
        %add3A_53 = arith.addi %add3A_48, %add3A_52 : i32
        %get3A_54 = arith.index_cast %add3A_53 : i32 to index
        %get3A_55 = tpu.vector_load %arg6[%get3A_54] {strides = array<i32>} : memref<6272xi32, #tpu.memory_space<vmem>>, vector<16xi32>,
        tpu.vector_store_idx %arg5[%get3A_55], %broadcast_in_dim3A_3 {add = true} : memref<50176xf32, #tpu.memory_space<vmem>>[vector<16xi32>], vector<16xf32>,
        %add3A_56 = arith.constant 32 : i32
        %add3A_57 = arith.addi %add3A_48, %add3A_56 : i32
        %get3A_58 = arith.index_cast %add3A_57 : i32 to index
        %get3A_59 = tpu.vector_load %arg6[%get3A_58] {strides = array<i32>} : memref<6272xi32, #tpu.memory_space<vmem>>, vector<16xi32>,
        tpu.vector_store_idx %arg5[%get3A_59], %broadcast_in_dim3A_3 {add = true} : memref<50176xf32, #tpu.memory_space<vmem>>[vector<16xi32>], vector<16xf32>,
        %add3A_60 = arith.constant 48 : i32
        %add3A_61 = arith.addi %add3A_48, %add3A_60 : i32
        %get3A_62 = arith.index_cast %add3A_61 : i32 to index
        %get3A_63 = tpu.vector_load %arg6[%get3A_62] {strides = array<i32>} : memref<6272xi32, #tpu.memory_space<vmem>>, vector<16xi32>,
        tpu.vector_store_idx %arg5[%get3A_63], %broadcast_in_dim3A_3 {add = true} : memref<50176xf32, #tpu.memory_space<vmem>>[vector<16xi32>], vector<16xf32>,
        %add3A_64 = arith.constant 64 : i32
        %add3A_65 = arith.addi %add3A_48, %add3A_64 : i32
        %get3A_66 = arith.index_cast %add3A_65 : i32 to index
        %get3A_67 = tpu.vector_load %arg6[%get3A_66] {strides = array<i32>} : memref<6272xi32, #tpu.memory_space<vmem>>, vector<16xi32>,
        tpu.vector_store_idx %arg5[%get3A_67], %broadcast_in_dim3A_3 {add = true} : memref<50176xf32, #tpu.memory_space<vmem>>[vector<16xi32>], vector<16xf32>,
        %add3A_68 = arith.constant 80 : i32
        %add3A_69 = arith.addi %add3A_48, %add3A_68 : i32
        %get3A_70 = arith.index_cast %add3A_69 : i32 to index
        %get3A_71 = tpu.vector_load %arg6[%get3A_70] {strides = array<i32>} : memref<6272xi32, #tpu.memory_space<vmem>>, vector<16xi32>,
        tpu.vector_store_idx %arg5[%get3A_71], %broadcast_in_dim3A_3 {add = true} : memref<50176xf32, #tpu.memory_space<vmem>>[vector<16xi32>], vector<16xf32>,
        %add3A_72 = arith.constant 96 : i32
        %add3A_73 = arith.addi %add3A_48, %add3A_72 : i32
        %get3A_74 = arith.index_cast %add3A_73 : i32 to index
        %get3A_75 = tpu.vector_load %arg6[%get3A_74] {strides = array<i32>} : memref<6272xi32, #tpu.memory_space<vmem>>, vector<16xi32>,
        tpu.vector_store_idx %arg5[%get3A_75], %broadcast_in_dim3A_3 {add = true} : memref<50176xf32, #tpu.memory_space<vmem>>[vector<16xi32>], vector<16xf32>,
        %add3A_76 = arith.constant 112 : i32
        %add3A_77 = arith.addi %add3A_48, %add3A_76 : i32
        %get3A_78 = arith.index_cast %add3A_77 : i32 to index
        %get3A_79 = tpu.vector_load %arg6[%get3A_78] {strides = array<i32>} : memref<6272xi32, #tpu.memory_space<vmem>>, vector<16xi32>,
        tpu.vector_store_idx %arg5[%get3A_79], %broadcast_in_dim3A_3 {add = true} : memref<50176xf32, #tpu.memory_space<vmem>>[vector<16xi32>], vector<16xf32>,
      }
      %scan3A_30 = arith.constant 49 : i32
      %add3A_31 = arith.constant 2 : i32
      %add3A_32 = arith.addi %add3A_15, %add3A_31 : i32
      %lt3A = arith.constant 4 : i32
      %lt3A_33 = arith.cmpi slt, %add3A_32, %lt3A : i32
      %convert_element_type3A = arith.extui %lt3A_33 : i1 to i32
      %cond3A = arith.constant 0 : i32
      %cond3A_34 = arith.cmpi ne, %convert_element_type3A, %cond3A : i32
      scf.if %cond3A_34 {
        %add3A_44 = arith.constant 2 : i32
        %add3A_45 = arith.addi %add3A_15, %add3A_44 : i32
        %mul3A_46 = arith.constant 6272 : i32
        %mul3A_47 = arith.muli %add3A_45, %mul3A_46 : i32
        %add3A_48 = arith.addi %mul3A_2, %mul3A_47 : i32
        %dma_start3A_49 = tpu.memref_slice %arg2[%add3A_48] : memref<802816xi32, #tpu.memory_space<hbm>> -> memref<6272xi32, #tpu.memory_space<hbm>>
        %dma_start3A_50 = tpu.memref_slice %arg2[%add3A_48] : memref<802816xi32, #tpu.memory_space<hbm>> -> memref<6272xi32, #tpu.memory_space<hbm>>
        tpu.enqueue_dma source(%dma_start3A_50 : memref<6272xi32, #tpu.memory_space<hbm>>) target(%arg6 : memref<6272xi32, #tpu.memory_space<vmem>>) target_semaphore(%arg9 : memref<!tpu.dma_semaphore, #tpu.memory_space<semaphore_mem>>)
      } else {
      }
      %dma_wait3A_35 = arith.constant 0 : i32
      %dma_wait3A_36 = tpu.memref_slice %arg2[%dma_wait3A_35] : memref<802816xi32, #tpu.memory_space<hbm>> -> memref<6272xi32, #tpu.memory_space<hbm>>
      %dma_wait3A_37 = arith.constant 0 : i32
      %dma_wait3A_38 = tpu.memref_slice %arg2[%dma_wait3A_37] : memref<802816xi32, #tpu.memory_space<hbm>> -> memref<6272xi32, #tpu.memory_space<hbm>>
      tpu.wait_dma2 semaphore(%arg10 : memref<!tpu.dma_semaphore, #tpu.memory_space<semaphore_mem>>) src(%dma_wait3A_38 : memref<6272xi32, #tpu.memory_space<hbm>>) dst(%arg7 : memref<6272xi32, #tpu.memory_space<vmem>>)
      %scan3A_39 = arith.constant 0 : i32
      %scan3A_40 = arith.constant 49 : i32
      %scan3A_41 = arith.addi %scan3A_39, %scan3A_40 : i32
      %scan3A_42 = arith.constant 1 : i32
      scf.for %scan3A_44 = %scan3A_39 to %scan3A_41 step %scan3A_42  : i32 {
        %mul3A_45 = arith.constant 128 : i32
        %mul3A_46 = arith.muli %scan3A_44, %mul3A_45 : i32
        %add3A_47 = arith.constant 0 : i32
        %add3A_48 = arith.addi %add3A_47, %mul3A_46 : i32
        %add3A_49 = arith.constant 0 : i32
        %add3A_50 = arith.addi %add3A_48, %add3A_49 : i32
        %get3A = arith.index_cast %add3A_50 : i32 to index
        %get3A_51 = tpu.vector_load %arg7[%get3A] {strides = array<i32>} : memref<6272xi32, #tpu.memory_space<vmem>>, vector<16xi32>,
        tpu.vector_store_idx %arg5[%get3A_51], %broadcast_in_dim3A_3 {add = true} : memref<50176xf32, #tpu.memory_space<vmem>>[vector<16xi32>], vector<16xf32>,
        %add3A_52 = arith.constant 16 : i32
        %add3A_53 = arith.addi %add3A_48, %add3A_52 : i32
        %get3A_54 = arith.index_cast %add3A_53 : i32 to index
        %get3A_55 = tpu.vector_load %arg7[%get3A_54] {strides = array<i32>} : memref<6272xi32, #tpu.memory_space<vmem>>, vector<16xi32>,
        tpu.vector_store_idx %arg5[%get3A_55], %broadcast_in_dim3A_3 {add = true} : memref<50176xf32, #tpu.memory_space<vmem>>[vector<16xi32>], vector<16xf32>,
        %add3A_56 = arith.constant 32 : i32
        %add3A_57 = arith.addi %add3A_48, %add3A_56 : i32
        %get3A_58 = arith.index_cast %add3A_57 : i32 to index
        %get3A_59 = tpu.vector_load %arg7[%get3A_58] {strides = array<i32>} : memref<6272xi32, #tpu.memory_space<vmem>>, vector<16xi32>,
        tpu.vector_store_idx %arg5[%get3A_59], %broadcast_in_dim3A_3 {add = true} : memref<50176xf32, #tpu.memory_space<vmem>>[vector<16xi32>], vector<16xf32>,
        %add3A_60 = arith.constant 48 : i32
        %add3A_61 = arith.addi %add3A_48, %add3A_60 : i32
        %get3A_62 = arith.index_cast %add3A_61 : i32 to index
        %get3A_63 = tpu.vector_load %arg7[%get3A_62] {strides = array<i32>} : memref<6272xi32, #tpu.memory_space<vmem>>, vector<16xi32>,
        tpu.vector_store_idx %arg5[%get3A_63], %broadcast_in_dim3A_3 {add = true} : memref<50176xf32, #tpu.memory_space<vmem>>[vector<16xi32>], vector<16xf32>,
        %add3A_64 = arith.constant 64 : i32
        %add3A_65 = arith.addi %add3A_48, %add3A_64 : i32
        %get3A_66 = arith.index_cast %add3A_65 : i32 to index
        %get3A_67 = tpu.vector_load %arg7[%get3A_66] {strides = array<i32>} : memref<6272xi32, #tpu.memory_space<vmem>>, vector<16xi32>,
        tpu.vector_store_idx %arg5[%get3A_67], %broadcast_in_dim3A_3 {add = true} : memref<50176xf32, #tpu.memory_space<vmem>>[vector<16xi32>], vector<16xf32>,
        %add3A_68 = arith.constant 80 : i32
        %add3A_69 = arith.addi %add3A_48, %add3A_68 : i32
        %get3A_70 = arith.index_cast %add3A_69 : i32 to index
        %get3A_71 = tpu.vector_load %arg7[%get3A_70] {strides = array<i32>} : memref<6272xi32, #tpu.memory_space<vmem>>, vector<16xi32>,
        tpu.vector_store_idx %arg5[%get3A_71], %broadcast_in_dim3A_3 {add = true} : memref<50176xf32, #tpu.memory_space<vmem>>[vector<16xi32>], vector<16xf32>,
        %add3A_72 = arith.constant 96 : i32
        %add3A_73 = arith.addi %add3A_48, %add3A_72 : i32
        %get3A_74 = arith.index_cast %add3A_73 : i32 to index
        %get3A_75 = tpu.vector_load %arg7[%get3A_74] {strides = array<i32>} : memref<6272xi32, #tpu.memory_space<vmem>>, vector<16xi32>,
        tpu.vector_store_idx %arg5[%get3A_75], %broadcast_in_dim3A_3 {add = true} : memref<50176xf32, #tpu.memory_space<vmem>>[vector<16xi32>], vector<16xf32>,
        %add3A_76 = arith.constant 112 : i32
        %add3A_77 = arith.addi %add3A_48, %add3A_76 : i32
        %get3A_78 = arith.index_cast %add3A_77 : i32 to index
        %get3A_79 = tpu.vector_load %arg7[%get3A_78] {strides = array<i32>} : memref<6272xi32, #tpu.memory_space<vmem>>, vector<16xi32>,
        tpu.vector_store_idx %arg5[%get3A_79], %broadcast_in_dim3A_3 {add = true} : memref<50176xf32, #tpu.memory_space<vmem>>[vector<16xi32>], vector<16xf32>,
      }
      %scan3A_43 = arith.constant 49 : i32
    }
    %scan3A_8 = arith.constant 2 : i32
    %mul3A_9 = arith.constant 50176 : i32
    %mul3A_10 = arith.muli %add3A, %mul3A_9 : i32
    "tpu.region"() ({
      %run_scoped3A = tpu.sem_alloc : memref<!tpu.dma_semaphore, #tpu.memory_space<semaphore_mem>>
      %dma_start3A_11 = tpu.memref_slice %arg4[%mul3A_10] : memref<1605632xf32, #tpu.memory_space<hbm>> -> memref<50176xf32, #tpu.memory_space<hbm>>
      %dma_start3A_12 = tpu.memref_slice %arg4[%mul3A_10] : memref<1605632xf32, #tpu.memory_space<hbm>> -> memref<50176xf32, #tpu.memory_space<hbm>>
      tpu.enqueue_dma source(%arg5 : memref<50176xf32, #tpu.memory_space<vmem>>) target(%dma_start3A_12 : memref<50176xf32, #tpu.memory_space<hbm>>) target_semaphore(%run_scoped3A : memref<!tpu.dma_semaphore, #tpu.memory_space<semaphore_mem>>)
      %dma_wait3A = tpu.memref_slice %arg4[%mul3A_10] : memref<1605632xf32, #tpu.memory_space<hbm>> -> memref<50176xf32, #tpu.memory_space<hbm>>
      %dma_wait3A_13 = tpu.memref_slice %arg4[%mul3A_10] : memref<1605632xf32, #tpu.memory_space<hbm>> -> memref<50176xf32, #tpu.memory_space<hbm>>
      tpu.wait_dma2 semaphore(%run_scoped3A : memref<!tpu.dma_semaphore, #tpu.memory_space<semaphore_mem>>) src(%arg5 : memref<50176xf32, #tpu.memory_space<vmem>>) dst(%dma_wait3A_13 : memref<50176xf32, #tpu.memory_space<hbm>>)
      tpu.yield
    }) : () -> ()
    return
  }
}

#map = affine_map<(d0, d1) -> (0)>
module attributes {stable_mosaic.version = 14 : i64} {
  func.func @_gs_body(%arg0: i32, %arg1: i32, %arg2: memref<802816xi32, #tpu.memory_space<hbm>>, %arg3: memref<802816xi32, #tpu.memory_space<hbm>>, %arg4: memref<50176xf32, #tpu.memory_space<hbm>>, %arg5: memref<50176xf32, #tpu.memory_space<hbm>>, %arg6: memref<1605632xf32, #tpu.memory_space<hbm>>, %arg7: memref<50176xf32, #tpu.memory_space<vmem>>, %arg8: memref<50176xf32, #tpu.memory_space<vmem>>, %arg9: memref<6272xi32, #tpu.memory_space<vmem>>, %arg10: memref<6272xi32, #tpu.memory_space<vmem>>, %arg11: memref<6272xi32, #tpu.memory_space<vmem>>, %arg12: memref<6272xi32, #tpu.memory_space<vmem>>, %arg13: memref<!tpu.dma_semaphore, #tpu.memory_space<semaphore_mem>>, %arg14: memref<!tpu.dma_semaphore, #tpu.memory_space<semaphore_mem>>, %arg15: memref<!tpu.dma_semaphore, #tpu.memory_space<semaphore_mem>>) attributes {dimension_semantics = [#tpu.dimension_semantics<core_parallel>, #tpu.dimension_semantics<subcore_parallel>], iteration_bounds = array<i64: 2, 16>, scalar_prefetch = 0 : i64, scratch_operands = 9 : i64, tpu.core_type = #tpu.core_type<sc_vector_subcore>, window_params = [{transform_indices = #map}, {transform_indices = #map}, {transform_indices = #map}, {transform_indices = #map}, {transform_indices = #map}]} {
    %mul3A = arith.constant 16 : i32
    %mul3A_0 = arith.muli %arg0, %mul3A : i32
    %add3A = arith.addi %mul3A_0, %arg1 : i32
    %mul3A_1 = arith.constant 25088 : i32
    %mul3A_2 = arith.muli %add3A, %mul3A_1 : i32
    tpu.enqueue_dma source(%arg4 : memref<50176xf32, #tpu.memory_space<hbm>>) target(%arg7 : memref<50176xf32, #tpu.memory_space<vmem>>) target_semaphore(%arg13 : memref<!tpu.dma_semaphore, #tpu.memory_space<semaphore_mem>>)
    tpu.enqueue_dma source(%arg5 : memref<50176xf32, #tpu.memory_space<hbm>>) target(%arg8 : memref<50176xf32, #tpu.memory_space<vmem>>) target_semaphore(%arg13 : memref<!tpu.dma_semaphore, #tpu.memory_space<semaphore_mem>>)
    %dma_start3A = tpu.memref_slice %arg2[%mul3A_2] : memref<802816xi32, #tpu.memory_space<hbm>> -> memref<6272xi32, #tpu.memory_space<hbm>>
    %dma_start3A_3 = tpu.memref_slice %arg2[%mul3A_2] : memref<802816xi32, #tpu.memory_space<hbm>> -> memref<6272xi32, #tpu.memory_space<hbm>>
    tpu.enqueue_dma source(%dma_start3A_3 : memref<6272xi32, #tpu.memory_space<hbm>>) target(%arg9 : memref<6272xi32, #tpu.memory_space<vmem>>) target_semaphore(%arg14 : memref<!tpu.dma_semaphore, #tpu.memory_space<semaphore_mem>>)
    %dma_start3A_4 = tpu.memref_slice %arg3[%mul3A_2] : memref<802816xi32, #tpu.memory_space<hbm>> -> memref<6272xi32, #tpu.memory_space<hbm>>
    %dma_start3A_5 = tpu.memref_slice %arg3[%mul3A_2] : memref<802816xi32, #tpu.memory_space<hbm>> -> memref<6272xi32, #tpu.memory_space<hbm>>
    tpu.enqueue_dma source(%dma_start3A_5 : memref<6272xi32, #tpu.memory_space<hbm>>) target(%arg10 : memref<6272xi32, #tpu.memory_space<vmem>>) target_semaphore(%arg14 : memref<!tpu.dma_semaphore, #tpu.memory_space<semaphore_mem>>)
    tpu.wait_dma2 semaphore(%arg13 : memref<!tpu.dma_semaphore, #tpu.memory_space<semaphore_mem>>) src(%arg4 : memref<50176xf32, #tpu.memory_space<hbm>>) dst(%arg7 : memref<50176xf32, #tpu.memory_space<vmem>>)
    tpu.wait_dma2 semaphore(%arg13 : memref<!tpu.dma_semaphore, #tpu.memory_space<semaphore_mem>>) src(%arg5 : memref<50176xf32, #tpu.memory_space<hbm>>) dst(%arg8 : memref<50176xf32, #tpu.memory_space<vmem>>)
    %scan3A = arith.constant 0 : i32
    %scan3A_6 = arith.constant 2 : i32
    %scan3A_7 = arith.addi %scan3A, %scan3A_6 : i32
    %scan3A_8 = arith.constant 1 : i32
    scf.for %scan3A_12 = %scan3A to %scan3A_7 step %scan3A_8  : i32 {
      %mul3A_13 = arith.constant 2 : i32
      %mul3A_14 = arith.muli %scan3A_12, %mul3A_13 : i32
      %add3A_15 = arith.constant 0 : i32
      %add3A_16 = arith.addi %add3A_15, %mul3A_14 : i32
      %add3A_17 = arith.constant 1 : i32
      %add3A_18 = arith.addi %add3A_16, %add3A_17 : i32
      %mul3A_19 = arith.constant 6272 : i32
      %mul3A_20 = arith.muli %add3A_18, %mul3A_19 : i32
      %add3A_21 = arith.addi %mul3A_2, %mul3A_20 : i32
      %dma_start3A_22 = tpu.memref_slice %arg2[%add3A_21] : memref<802816xi32, #tpu.memory_space<hbm>> -> memref<6272xi32, #tpu.memory_space<hbm>>
      %dma_start3A_23 = tpu.memref_slice %arg2[%add3A_21] : memref<802816xi32, #tpu.memory_space<hbm>> -> memref<6272xi32, #tpu.memory_space<hbm>>
      tpu.enqueue_dma source(%dma_start3A_23 : memref<6272xi32, #tpu.memory_space<hbm>>) target(%arg11 : memref<6272xi32, #tpu.memory_space<vmem>>) target_semaphore(%arg15 : memref<!tpu.dma_semaphore, #tpu.memory_space<semaphore_mem>>)
      %dma_start3A_24 = tpu.memref_slice %arg3[%add3A_21] : memref<802816xi32, #tpu.memory_space<hbm>> -> memref<6272xi32, #tpu.memory_space<hbm>>
      %dma_start3A_25 = tpu.memref_slice %arg3[%add3A_21] : memref<802816xi32, #tpu.memory_space<hbm>> -> memref<6272xi32, #tpu.memory_space<hbm>>
      tpu.enqueue_dma source(%dma_start3A_25 : memref<6272xi32, #tpu.memory_space<hbm>>) target(%arg12 : memref<6272xi32, #tpu.memory_space<vmem>>) target_semaphore(%arg15 : memref<!tpu.dma_semaphore, #tpu.memory_space<semaphore_mem>>)
      %dma_wait3A = arith.constant 0 : i32
      %dma_wait3A_26 = tpu.memref_slice %arg2[%dma_wait3A] : memref<802816xi32, #tpu.memory_space<hbm>> -> memref<6272xi32, #tpu.memory_space<hbm>>
      %dma_wait3A_27 = arith.constant 0 : i32
      %dma_wait3A_28 = tpu.memref_slice %arg2[%dma_wait3A_27] : memref<802816xi32, #tpu.memory_space<hbm>> -> memref<6272xi32, #tpu.memory_space<hbm>>
      tpu.wait_dma2 semaphore(%arg14 : memref<!tpu.dma_semaphore, #tpu.memory_space<semaphore_mem>>) src(%dma_wait3A_28 : memref<6272xi32, #tpu.memory_space<hbm>>) dst(%arg9 : memref<6272xi32, #tpu.memory_space<vmem>>)
      %dma_wait3A_29 = arith.constant 0 : i32
      %dma_wait3A_30 = tpu.memref_slice %arg3[%dma_wait3A_29] : memref<802816xi32, #tpu.memory_space<hbm>> -> memref<6272xi32, #tpu.memory_space<hbm>>
      %dma_wait3A_31 = arith.constant 0 : i32
      %dma_wait3A_32 = tpu.memref_slice %arg3[%dma_wait3A_31] : memref<802816xi32, #tpu.memory_space<hbm>> -> memref<6272xi32, #tpu.memory_space<hbm>>
      tpu.wait_dma2 semaphore(%arg14 : memref<!tpu.dma_semaphore, #tpu.memory_space<semaphore_mem>>) src(%dma_wait3A_32 : memref<6272xi32, #tpu.memory_space<hbm>>) dst(%arg10 : memref<6272xi32, #tpu.memory_space<vmem>>)
      %scan3A_33 = arith.constant 0 : i32
      %scan3A_34 = arith.constant 49 : i32
      %scan3A_35 = arith.addi %scan3A_33, %scan3A_34 : i32
      %scan3A_36 = arith.constant 1 : i32
      scf.for %scan3A_55 = %scan3A_33 to %scan3A_35 step %scan3A_36  : i32 {
        %mul3A_56 = arith.constant 128 : i32
        %mul3A_57 = arith.muli %scan3A_55, %mul3A_56 : i32
        %add3A_58 = arith.constant 0 : i32
        %add3A_59 = arith.addi %add3A_58, %mul3A_57 : i32
        %add3A_60 = arith.constant 0 : i32
        %add3A_61 = arith.addi %add3A_59, %add3A_60 : i32
        %get3A = arith.index_cast %add3A_61 : i32 to index
        %get3A_62 = tpu.vector_load %arg9[%get3A] {strides = array<i32>} : memref<6272xi32, #tpu.memory_space<vmem>>, vector<16xi32>,
        %add3A_63 = arith.constant 0 : i32
        %add3A_64 = arith.addi %add3A_59, %add3A_63 : i32
        %get3A_65 = arith.index_cast %add3A_64 : i32 to index
        %get3A_66 = tpu.vector_load %arg10[%get3A_65] {strides = array<i32>} : memref<6272xi32, #tpu.memory_space<vmem>>, vector<16xi32>,
        %gather3A = tpu.vector_load_idx %arg7[%get3A_62] : memref<50176xf32, #tpu.memory_space<vmem>>[vector<16xi32>], vector<16xf32>,
        tpu.vector_store_idx %arg8[%get3A_66], %gather3A {add = true} : memref<50176xf32, #tpu.memory_space<vmem>>[vector<16xi32>], vector<16xf32>,
        %add3A_67 = arith.constant 16 : i32
        %add3A_68 = arith.addi %add3A_59, %add3A_67 : i32
        %get3A_69 = arith.index_cast %add3A_68 : i32 to index
        %get3A_70 = tpu.vector_load %arg9[%get3A_69] {strides = array<i32>} : memref<6272xi32, #tpu.memory_space<vmem>>, vector<16xi32>,
        %add3A_71 = arith.constant 16 : i32
        %add3A_72 = arith.addi %add3A_59, %add3A_71 : i32
        %get3A_73 = arith.index_cast %add3A_72 : i32 to index
        %get3A_74 = tpu.vector_load %arg10[%get3A_73] {strides = array<i32>} : memref<6272xi32, #tpu.memory_space<vmem>>, vector<16xi32>,
        %gather3A_75 = tpu.vector_load_idx %arg7[%get3A_70] : memref<50176xf32, #tpu.memory_space<vmem>>[vector<16xi32>], vector<16xf32>,
        tpu.vector_store_idx %arg8[%get3A_74], %gather3A_75 {add = true} : memref<50176xf32, #tpu.memory_space<vmem>>[vector<16xi32>], vector<16xf32>,
        %add3A_76 = arith.constant 32 : i32
        %add3A_77 = arith.addi %add3A_59, %add3A_76 : i32
        %get3A_78 = arith.index_cast %add3A_77 : i32 to index
        %get3A_79 = tpu.vector_load %arg9[%get3A_78] {strides = array<i32>} : memref<6272xi32, #tpu.memory_space<vmem>>, vector<16xi32>,
        %add3A_80 = arith.constant 32 : i32
        %add3A_81 = arith.addi %add3A_59, %add3A_80 : i32
        %get3A_82 = arith.index_cast %add3A_81 : i32 to index
        %get3A_83 = tpu.vector_load %arg10[%get3A_82] {strides = array<i32>} : memref<6272xi32, #tpu.memory_space<vmem>>, vector<16xi32>,
        %gather3A_84 = tpu.vector_load_idx %arg7[%get3A_79] : memref<50176xf32, #tpu.memory_space<vmem>>[vector<16xi32>], vector<16xf32>,
        tpu.vector_store_idx %arg8[%get3A_83], %gather3A_84 {add = true} : memref<50176xf32, #tpu.memory_space<vmem>>[vector<16xi32>], vector<16xf32>,
        %add3A_85 = arith.constant 48 : i32
        %add3A_86 = arith.addi %add3A_59, %add3A_85 : i32
        %get3A_87 = arith.index_cast %add3A_86 : i32 to index
        %get3A_88 = tpu.vector_load %arg9[%get3A_87] {strides = array<i32>} : memref<6272xi32, #tpu.memory_space<vmem>>, vector<16xi32>,
        %add3A_89 = arith.constant 48 : i32
        %add3A_90 = arith.addi %add3A_59, %add3A_89 : i32
        %get3A_91 = arith.index_cast %add3A_90 : i32 to index
        %get3A_92 = tpu.vector_load %arg10[%get3A_91] {strides = array<i32>} : memref<6272xi32, #tpu.memory_space<vmem>>, vector<16xi32>,
        %gather3A_93 = tpu.vector_load_idx %arg7[%get3A_88] : memref<50176xf32, #tpu.memory_space<vmem>>[vector<16xi32>], vector<16xf32>,
        tpu.vector_store_idx %arg8[%get3A_92], %gather3A_93 {add = true} : memref<50176xf32, #tpu.memory_space<vmem>>[vector<16xi32>], vector<16xf32>,
        %add3A_94 = arith.constant 64 : i32
        %add3A_95 = arith.addi %add3A_59, %add3A_94 : i32
        %get3A_96 = arith.index_cast %add3A_95 : i32 to index
        %get3A_97 = tpu.vector_load %arg9[%get3A_96] {strides = array<i32>} : memref<6272xi32, #tpu.memory_space<vmem>>, vector<16xi32>,
        %add3A_98 = arith.constant 64 : i32
        %add3A_99 = arith.addi %add3A_59, %add3A_98 : i32
        %get3A_100 = arith.index_cast %add3A_99 : i32 to index
        %get3A_101 = tpu.vector_load %arg10[%get3A_100] {strides = array<i32>} : memref<6272xi32, #tpu.memory_space<vmem>>, vector<16xi32>,
        %gather3A_102 = tpu.vector_load_idx %arg7[%get3A_97] : memref<50176xf32, #tpu.memory_space<vmem>>[vector<16xi32>], vector<16xf32>,
        tpu.vector_store_idx %arg8[%get3A_101], %gather3A_102 {add = true} : memref<50176xf32, #tpu.memory_space<vmem>>[vector<16xi32>], vector<16xf32>,
        %add3A_103 = arith.constant 80 : i32
        %add3A_104 = arith.addi %add3A_59, %add3A_103 : i32
        %get3A_105 = arith.index_cast %add3A_104 : i32 to index
        %get3A_106 = tpu.vector_load %arg9[%get3A_105] {strides = array<i32>} : memref<6272xi32, #tpu.memory_space<vmem>>, vector<16xi32>,
        %add3A_107 = arith.constant 80 : i32
        %add3A_108 = arith.addi %add3A_59, %add3A_107 : i32
        %get3A_109 = arith.index_cast %add3A_108 : i32 to index
        %get3A_110 = tpu.vector_load %arg10[%get3A_109] {strides = array<i32>} : memref<6272xi32, #tpu.memory_space<vmem>>, vector<16xi32>,
        %gather3A_111 = tpu.vector_load_idx %arg7[%get3A_106] : memref<50176xf32, #tpu.memory_space<vmem>>[vector<16xi32>], vector<16xf32>,
        tpu.vector_store_idx %arg8[%get3A_110], %gather3A_111 {add = true} : memref<50176xf32, #tpu.memory_space<vmem>>[vector<16xi32>], vector<16xf32>,
        %add3A_112 = arith.constant 96 : i32
        %add3A_113 = arith.addi %add3A_59, %add3A_112 : i32
        %get3A_114 = arith.index_cast %add3A_113 : i32 to index
        %get3A_115 = tpu.vector_load %arg9[%get3A_114] {strides = array<i32>} : memref<6272xi32, #tpu.memory_space<vmem>>, vector<16xi32>,
        %add3A_116 = arith.constant 96 : i32
        %add3A_117 = arith.addi %add3A_59, %add3A_116 : i32
        %get3A_118 = arith.index_cast %add3A_117 : i32 to index
        %get3A_119 = tpu.vector_load %arg10[%get3A_118] {strides = array<i32>} : memref<6272xi32, #tpu.memory_space<vmem>>, vector<16xi32>,
        %gather3A_120 = tpu.vector_load_idx %arg7[%get3A_115] : memref<50176xf32, #tpu.memory_space<vmem>>[vector<16xi32>], vector<16xf32>,
        tpu.vector_store_idx %arg8[%get3A_119], %gather3A_120 {add = true} : memref<50176xf32, #tpu.memory_space<vmem>>[vector<16xi32>], vector<16xf32>,
        %add3A_121 = arith.constant 112 : i32
        %add3A_122 = arith.addi %add3A_59, %add3A_121 : i32
        %get3A_123 = arith.index_cast %add3A_122 : i32 to index
        %get3A_124 = tpu.vector_load %arg9[%get3A_123] {strides = array<i32>} : memref<6272xi32, #tpu.memory_space<vmem>>, vector<16xi32>,
        %add3A_125 = arith.constant 112 : i32
        %add3A_126 = arith.addi %add3A_59, %add3A_125 : i32
        %get3A_127 = arith.index_cast %add3A_126 : i32 to index
        %get3A_128 = tpu.vector_load %arg10[%get3A_127] {strides = array<i32>} : memref<6272xi32, #tpu.memory_space<vmem>>, vector<16xi32>,
        %gather3A_129 = tpu.vector_load_idx %arg7[%get3A_124] : memref<50176xf32, #tpu.memory_space<vmem>>[vector<16xi32>], vector<16xf32>,
        tpu.vector_store_idx %arg8[%get3A_128], %gather3A_129 {add = true} : memref<50176xf32, #tpu.memory_space<vmem>>[vector<16xi32>], vector<16xf32>,
      }
      %scan3A_37 = arith.constant 49 : i32
      %add3A_38 = arith.constant 2 : i32
      %add3A_39 = arith.addi %add3A_16, %add3A_38 : i32
      %lt3A = arith.constant 4 : i32
      %lt3A_40 = arith.cmpi slt, %add3A_39, %lt3A : i32
      %convert_element_type3A = arith.extui %lt3A_40 : i1 to i32
      %cond3A = arith.constant 0 : i32
      %cond3A_41 = arith.cmpi ne, %convert_element_type3A, %cond3A : i32
      scf.if %cond3A_41 {
        %add3A_55 = arith.constant 2 : i32
        %add3A_56 = arith.addi %add3A_16, %add3A_55 : i32
        %mul3A_57 = arith.constant 6272 : i32
        %mul3A_58 = arith.muli %add3A_56, %mul3A_57 : i32
        %add3A_59 = arith.addi %mul3A_2, %mul3A_58 : i32
        %dma_start3A_60 = tpu.memref_slice %arg2[%add3A_59] : memref<802816xi32, #tpu.memory_space<hbm>> -> memref<6272xi32, #tpu.memory_space<hbm>>
        %dma_start3A_61 = tpu.memref_slice %arg2[%add3A_59] : memref<802816xi32, #tpu.memory_space<hbm>> -> memref<6272xi32, #tpu.memory_space<hbm>>
        tpu.enqueue_dma source(%dma_start3A_61 : memref<6272xi32, #tpu.memory_space<hbm>>) target(%arg9 : memref<6272xi32, #tpu.memory_space<vmem>>) target_semaphore(%arg14 : memref<!tpu.dma_semaphore, #tpu.memory_space<semaphore_mem>>)
        %dma_start3A_62 = tpu.memref_slice %arg3[%add3A_59] : memref<802816xi32, #tpu.memory_space<hbm>> -> memref<6272xi32, #tpu.memory_space<hbm>>
        %dma_start3A_63 = tpu.memref_slice %arg3[%add3A_59] : memref<802816xi32, #tpu.memory_space<hbm>> -> memref<6272xi32, #tpu.memory_space<hbm>>
        tpu.enqueue_dma source(%dma_start3A_63 : memref<6272xi32, #tpu.memory_space<hbm>>) target(%arg10 : memref<6272xi32, #tpu.memory_space<vmem>>) target_semaphore(%arg14 : memref<!tpu.dma_semaphore, #tpu.memory_space<semaphore_mem>>)
      } else {
      }
      %dma_wait3A_42 = arith.constant 0 : i32
      %dma_wait3A_43 = tpu.memref_slice %arg2[%dma_wait3A_42] : memref<802816xi32, #tpu.memory_space<hbm>> -> memref<6272xi32, #tpu.memory_space<hbm>>
      %dma_wait3A_44 = arith.constant 0 : i32
      %dma_wait3A_45 = tpu.memref_slice %arg2[%dma_wait3A_44] : memref<802816xi32, #tpu.memory_space<hbm>> -> memref<6272xi32, #tpu.memory_space<hbm>>
      tpu.wait_dma2 semaphore(%arg15 : memref<!tpu.dma_semaphore, #tpu.memory_space<semaphore_mem>>) src(%dma_wait3A_45 : memref<6272xi32, #tpu.memory_space<hbm>>) dst(%arg11 : memref<6272xi32, #tpu.memory_space<vmem>>)
      %dma_wait3A_46 = arith.constant 0 : i32
      %dma_wait3A_47 = tpu.memref_slice %arg3[%dma_wait3A_46] : memref<802816xi32, #tpu.memory_space<hbm>> -> memref<6272xi32, #tpu.memory_space<hbm>>
      %dma_wait3A_48 = arith.constant 0 : i32
      %dma_wait3A_49 = tpu.memref_slice %arg3[%dma_wait3A_48] : memref<802816xi32, #tpu.memory_space<hbm>> -> memref<6272xi32, #tpu.memory_space<hbm>>
      tpu.wait_dma2 semaphore(%arg15 : memref<!tpu.dma_semaphore, #tpu.memory_space<semaphore_mem>>) src(%dma_wait3A_49 : memref<6272xi32, #tpu.memory_space<hbm>>) dst(%arg12 : memref<6272xi32, #tpu.memory_space<vmem>>)
      %scan3A_50 = arith.constant 0 : i32
      %scan3A_51 = arith.constant 49 : i32
      %scan3A_52 = arith.addi %scan3A_50, %scan3A_51 : i32
      %scan3A_53 = arith.constant 1 : i32
      scf.for %scan3A_55 = %scan3A_50 to %scan3A_52 step %scan3A_53  : i32 {
        %mul3A_56 = arith.constant 128 : i32
        %mul3A_57 = arith.muli %scan3A_55, %mul3A_56 : i32
        %add3A_58 = arith.constant 0 : i32
        %add3A_59 = arith.addi %add3A_58, %mul3A_57 : i32
        %add3A_60 = arith.constant 0 : i32
        %add3A_61 = arith.addi %add3A_59, %add3A_60 : i32
        %get3A = arith.index_cast %add3A_61 : i32 to index
        %get3A_62 = tpu.vector_load %arg11[%get3A] {strides = array<i32>} : memref<6272xi32, #tpu.memory_space<vmem>>, vector<16xi32>,
        %add3A_63 = arith.constant 0 : i32
        %add3A_64 = arith.addi %add3A_59, %add3A_63 : i32
        %get3A_65 = arith.index_cast %add3A_64 : i32 to index
        %get3A_66 = tpu.vector_load %arg12[%get3A_65] {strides = array<i32>} : memref<6272xi32, #tpu.memory_space<vmem>>, vector<16xi32>,
        %gather3A = tpu.vector_load_idx %arg7[%get3A_62] : memref<50176xf32, #tpu.memory_space<vmem>>[vector<16xi32>], vector<16xf32>,
        tpu.vector_store_idx %arg8[%get3A_66], %gather3A {add = true} : memref<50176xf32, #tpu.memory_space<vmem>>[vector<16xi32>], vector<16xf32>,
        %add3A_67 = arith.constant 16 : i32
        %add3A_68 = arith.addi %add3A_59, %add3A_67 : i32
        %get3A_69 = arith.index_cast %add3A_68 : i32 to index
        %get3A_70 = tpu.vector_load %arg11[%get3A_69] {strides = array<i32>} : memref<6272xi32, #tpu.memory_space<vmem>>, vector<16xi32>,
        %add3A_71 = arith.constant 16 : i32
        %add3A_72 = arith.addi %add3A_59, %add3A_71 : i32
        %get3A_73 = arith.index_cast %add3A_72 : i32 to index
        %get3A_74 = tpu.vector_load %arg12[%get3A_73] {strides = array<i32>} : memref<6272xi32, #tpu.memory_space<vmem>>, vector<16xi32>,
        %gather3A_75 = tpu.vector_load_idx %arg7[%get3A_70] : memref<50176xf32, #tpu.memory_space<vmem>>[vector<16xi32>], vector<16xf32>,
        tpu.vector_store_idx %arg8[%get3A_74], %gather3A_75 {add = true} : memref<50176xf32, #tpu.memory_space<vmem>>[vector<16xi32>], vector<16xf32>,
        %add3A_76 = arith.constant 32 : i32
        %add3A_77 = arith.addi %add3A_59, %add3A_76 : i32
        %get3A_78 = arith.index_cast %add3A_77 : i32 to index
        %get3A_79 = tpu.vector_load %arg11[%get3A_78] {strides = array<i32>} : memref<6272xi32, #tpu.memory_space<vmem>>, vector<16xi32>,
        %add3A_80 = arith.constant 32 : i32
        %add3A_81 = arith.addi %add3A_59, %add3A_80 : i32
        %get3A_82 = arith.index_cast %add3A_81 : i32 to index
        %get3A_83 = tpu.vector_load %arg12[%get3A_82] {strides = array<i32>} : memref<6272xi32, #tpu.memory_space<vmem>>, vector<16xi32>,
        %gather3A_84 = tpu.vector_load_idx %arg7[%get3A_79] : memref<50176xf32, #tpu.memory_space<vmem>>[vector<16xi32>], vector<16xf32>,
        tpu.vector_store_idx %arg8[%get3A_83], %gather3A_84 {add = true} : memref<50176xf32, #tpu.memory_space<vmem>>[vector<16xi32>], vector<16xf32>,
        %add3A_85 = arith.constant 48 : i32
        %add3A_86 = arith.addi %add3A_59, %add3A_85 : i32
        %get3A_87 = arith.index_cast %add3A_86 : i32 to index
        %get3A_88 = tpu.vector_load %arg11[%get3A_87] {strides = array<i32>} : memref<6272xi32, #tpu.memory_space<vmem>>, vector<16xi32>,
        %add3A_89 = arith.constant 48 : i32
        %add3A_90 = arith.addi %add3A_59, %add3A_89 : i32
        %get3A_91 = arith.index_cast %add3A_90 : i32 to index
        %get3A_92 = tpu.vector_load %arg12[%get3A_91] {strides = array<i32>} : memref<6272xi32, #tpu.memory_space<vmem>>, vector<16xi32>,
        %gather3A_93 = tpu.vector_load_idx %arg7[%get3A_88] : memref<50176xf32, #tpu.memory_space<vmem>>[vector<16xi32>], vector<16xf32>,
        tpu.vector_store_idx %arg8[%get3A_92], %gather3A_93 {add = true} : memref<50176xf32, #tpu.memory_space<vmem>>[vector<16xi32>], vector<16xf32>,
        %add3A_94 = arith.constant 64 : i32
        %add3A_95 = arith.addi %add3A_59, %add3A_94 : i32
        %get3A_96 = arith.index_cast %add3A_95 : i32 to index
        %get3A_97 = tpu.vector_load %arg11[%get3A_96] {strides = array<i32>} : memref<6272xi32, #tpu.memory_space<vmem>>, vector<16xi32>,
        %add3A_98 = arith.constant 64 : i32
        %add3A_99 = arith.addi %add3A_59, %add3A_98 : i32
        %get3A_100 = arith.index_cast %add3A_99 : i32 to index
        %get3A_101 = tpu.vector_load %arg12[%get3A_100] {strides = array<i32>} : memref<6272xi32, #tpu.memory_space<vmem>>, vector<16xi32>,
        %gather3A_102 = tpu.vector_load_idx %arg7[%get3A_97] : memref<50176xf32, #tpu.memory_space<vmem>>[vector<16xi32>], vector<16xf32>,
        tpu.vector_store_idx %arg8[%get3A_101], %gather3A_102 {add = true} : memref<50176xf32, #tpu.memory_space<vmem>>[vector<16xi32>], vector<16xf32>,
        %add3A_103 = arith.constant 80 : i32
        %add3A_104 = arith.addi %add3A_59, %add3A_103 : i32
        %get3A_105 = arith.index_cast %add3A_104 : i32 to index
        %get3A_106 = tpu.vector_load %arg11[%get3A_105] {strides = array<i32>} : memref<6272xi32, #tpu.memory_space<vmem>>, vector<16xi32>,
        %add3A_107 = arith.constant 80 : i32
        %add3A_108 = arith.addi %add3A_59, %add3A_107 : i32
        %get3A_109 = arith.index_cast %add3A_108 : i32 to index
        %get3A_110 = tpu.vector_load %arg12[%get3A_109] {strides = array<i32>} : memref<6272xi32, #tpu.memory_space<vmem>>, vector<16xi32>,
        %gather3A_111 = tpu.vector_load_idx %arg7[%get3A_106] : memref<50176xf32, #tpu.memory_space<vmem>>[vector<16xi32>], vector<16xf32>,
        tpu.vector_store_idx %arg8[%get3A_110], %gather3A_111 {add = true} : memref<50176xf32, #tpu.memory_space<vmem>>[vector<16xi32>], vector<16xf32>,
        %add3A_112 = arith.constant 96 : i32
        %add3A_113 = arith.addi %add3A_59, %add3A_112 : i32
        %get3A_114 = arith.index_cast %add3A_113 : i32 to index
        %get3A_115 = tpu.vector_load %arg11[%get3A_114] {strides = array<i32>} : memref<6272xi32, #tpu.memory_space<vmem>>, vector<16xi32>,
        %add3A_116 = arith.constant 96 : i32
        %add3A_117 = arith.addi %add3A_59, %add3A_116 : i32
        %get3A_118 = arith.index_cast %add3A_117 : i32 to index
        %get3A_119 = tpu.vector_load %arg12[%get3A_118] {strides = array<i32>} : memref<6272xi32, #tpu.memory_space<vmem>>, vector<16xi32>,
        %gather3A_120 = tpu.vector_load_idx %arg7[%get3A_115] : memref<50176xf32, #tpu.memory_space<vmem>>[vector<16xi32>], vector<16xf32>,
        tpu.vector_store_idx %arg8[%get3A_119], %gather3A_120 {add = true} : memref<50176xf32, #tpu.memory_space<vmem>>[vector<16xi32>], vector<16xf32>,
        %add3A_121 = arith.constant 112 : i32
        %add3A_122 = arith.addi %add3A_59, %add3A_121 : i32
        %get3A_123 = arith.index_cast %add3A_122 : i32 to index
        %get3A_124 = tpu.vector_load %arg11[%get3A_123] {strides = array<i32>} : memref<6272xi32, #tpu.memory_space<vmem>>, vector<16xi32>,
        %add3A_125 = arith.constant 112 : i32
        %add3A_126 = arith.addi %add3A_59, %add3A_125 : i32
        %get3A_127 = arith.index_cast %add3A_126 : i32 to index
        %get3A_128 = tpu.vector_load %arg12[%get3A_127] {strides = array<i32>} : memref<6272xi32, #tpu.memory_space<vmem>>, vector<16xi32>,
        %gather3A_129 = tpu.vector_load_idx %arg7[%get3A_124] : memref<50176xf32, #tpu.memory_space<vmem>>[vector<16xi32>], vector<16xf32>,
        tpu.vector_store_idx %arg8[%get3A_128], %gather3A_129 {add = true} : memref<50176xf32, #tpu.memory_space<vmem>>[vector<16xi32>], vector<16xf32>,
      }
      %scan3A_54 = arith.constant 49 : i32
    }
    %scan3A_9 = arith.constant 2 : i32
    %mul3A_10 = arith.constant 50176 : i32
    %mul3A_11 = arith.muli %add3A, %mul3A_10 : i32
    "tpu.region"() ({
      %run_scoped3A = tpu.sem_alloc : memref<!tpu.dma_semaphore, #tpu.memory_space<semaphore_mem>>
      %dma_start3A_12 = tpu.memref_slice %arg6[%mul3A_11] : memref<1605632xf32, #tpu.memory_space<hbm>> -> memref<50176xf32, #tpu.memory_space<hbm>>
      %dma_start3A_13 = tpu.memref_slice %arg6[%mul3A_11] : memref<1605632xf32, #tpu.memory_space<hbm>> -> memref<50176xf32, #tpu.memory_space<hbm>>
      tpu.enqueue_dma source(%arg8 : memref<50176xf32, #tpu.memory_space<vmem>>) target(%dma_start3A_13 : memref<50176xf32, #tpu.memory_space<hbm>>) target_semaphore(%run_scoped3A : memref<!tpu.dma_semaphore, #tpu.memory_space<semaphore_mem>>)
      %dma_wait3A = tpu.memref_slice %arg6[%mul3A_11] : memref<1605632xf32, #tpu.memory_space<hbm>> -> memref<50176xf32, #tpu.memory_space<hbm>>
      %dma_wait3A_14 = tpu.memref_slice %arg6[%mul3A_11] : memref<1605632xf32, #tpu.memory_space<hbm>> -> memref<50176xf32, #tpu.memory_space<hbm>>
      tpu.wait_dma2 semaphore(%run_scoped3A : memref<!tpu.dma_semaphore, #tpu.memory_space<semaphore_mem>>) src(%arg8 : memref<50176xf32, #tpu.memory_space<vmem>>) dst(%dma_wait3A_14 : memref<50176xf32, #tpu.memory_space<hbm>>)
      tpu.yield
    }) : () -> ()
    return
  }
}

#map = affine_map<(d0, d1) -> (0)>
module attributes {stable_mosaic.version = 14 : i64} {
  func.func @_ac_body(%arg0: i32, %arg1: i32, %arg2: memref<802816xi32, #tpu.memory_space<hbm>>, %arg3: memref<802816xi32, #tpu.memory_space<hbm>>, %arg4: memref<100352xf32, #tpu.memory_space<hbm>>, %arg5: memref<50176xf32, #tpu.memory_space<hbm>>, %arg6: memref<1605632xf32, #tpu.memory_space<hbm>>, %arg7: memref<50176xf32, #tpu.memory_space<vmem>>, %arg8: memref<50176xf32, #tpu.memory_space<vmem>>, %arg9: memref<6272xi32, #tpu.memory_space<vmem>>, %arg10: memref<6272xi32, #tpu.memory_space<vmem>>, %arg11: memref<6272xi32, #tpu.memory_space<vmem>>, %arg12: memref<6272xi32, #tpu.memory_space<vmem>>, %arg13: memref<!tpu.dma_semaphore, #tpu.memory_space<semaphore_mem>>, %arg14: memref<!tpu.dma_semaphore, #tpu.memory_space<semaphore_mem>>, %arg15: memref<!tpu.dma_semaphore, #tpu.memory_space<semaphore_mem>>) attributes {dimension_semantics = [#tpu.dimension_semantics<core_parallel>, #tpu.dimension_semantics<subcore_parallel>], iteration_bounds = array<i64: 2, 16>, scalar_prefetch = 0 : i64, scratch_operands = 9 : i64, tpu.core_type = #tpu.core_type<sc_vector_subcore>, window_params = [{transform_indices = #map}, {transform_indices = #map}, {transform_indices = #map}, {transform_indices = #map}, {transform_indices = #map}]} {
    %mul3A = arith.constant 16 : i32
    %mul3A_0 = arith.muli %arg0, %mul3A : i32
    %add3A = arith.addi %mul3A_0, %arg1 : i32
    %mul3A_1 = arith.constant 50176 : i32
    %mul3A_2 = arith.muli %arg1, %mul3A_1 : i32
    %mul3A_3 = arith.constant 50176 : i32
    %mul3A_4 = arith.muli %arg0, %mul3A_3 : i32
    %dma_start3A = tpu.memref_slice %arg4[%mul3A_4] : memref<100352xf32, #tpu.memory_space<hbm>> -> memref<50176xf32, #tpu.memory_space<hbm>>
    %dma_start3A_5 = tpu.memref_slice %arg4[%mul3A_4] : memref<100352xf32, #tpu.memory_space<hbm>> -> memref<50176xf32, #tpu.memory_space<hbm>>
    tpu.enqueue_dma source(%dma_start3A_5 : memref<50176xf32, #tpu.memory_space<hbm>>) target(%arg7 : memref<50176xf32, #tpu.memory_space<vmem>>) target_semaphore(%arg13 : memref<!tpu.dma_semaphore, #tpu.memory_space<semaphore_mem>>)
    tpu.enqueue_dma source(%arg5 : memref<50176xf32, #tpu.memory_space<hbm>>) target(%arg8 : memref<50176xf32, #tpu.memory_space<vmem>>) target_semaphore(%arg13 : memref<!tpu.dma_semaphore, #tpu.memory_space<semaphore_mem>>)
    %dma_start3A_6 = tpu.memref_slice %arg2[%mul3A_2] : memref<802816xi32, #tpu.memory_space<hbm>> -> memref<6272xi32, #tpu.memory_space<hbm>>
    %dma_start3A_7 = tpu.memref_slice %arg2[%mul3A_2] : memref<802816xi32, #tpu.memory_space<hbm>> -> memref<6272xi32, #tpu.memory_space<hbm>>
    tpu.enqueue_dma source(%dma_start3A_7 : memref<6272xi32, #tpu.memory_space<hbm>>) target(%arg9 : memref<6272xi32, #tpu.memory_space<vmem>>) target_semaphore(%arg14 : memref<!tpu.dma_semaphore, #tpu.memory_space<semaphore_mem>>)
    %dma_start3A_8 = tpu.memref_slice %arg3[%mul3A_2] : memref<802816xi32, #tpu.memory_space<hbm>> -> memref<6272xi32, #tpu.memory_space<hbm>>
    %dma_start3A_9 = tpu.memref_slice %arg3[%mul3A_2] : memref<802816xi32, #tpu.memory_space<hbm>> -> memref<6272xi32, #tpu.memory_space<hbm>>
    tpu.enqueue_dma source(%dma_start3A_9 : memref<6272xi32, #tpu.memory_space<hbm>>) target(%arg10 : memref<6272xi32, #tpu.memory_space<vmem>>) target_semaphore(%arg14 : memref<!tpu.dma_semaphore, #tpu.memory_space<semaphore_mem>>)
    %dma_wait3A = arith.constant 0 : i32
    %dma_wait3A_10 = tpu.memref_slice %arg4[%dma_wait3A] : memref<100352xf32, #tpu.memory_space<hbm>> -> memref<50176xf32, #tpu.memory_space<hbm>>
    %dma_wait3A_11 = arith.constant 0 : i32
    %dma_wait3A_12 = tpu.memref_slice %arg4[%dma_wait3A_11] : memref<100352xf32, #tpu.memory_space<hbm>> -> memref<50176xf32, #tpu.memory_space<hbm>>
    tpu.wait_dma2 semaphore(%arg13 : memref<!tpu.dma_semaphore, #tpu.memory_space<semaphore_mem>>) src(%dma_wait3A_12 : memref<50176xf32, #tpu.memory_space<hbm>>) dst(%arg7 : memref<50176xf32, #tpu.memory_space<vmem>>)
    tpu.wait_dma2 semaphore(%arg13 : memref<!tpu.dma_semaphore, #tpu.memory_space<semaphore_mem>>) src(%arg5 : memref<50176xf32, #tpu.memory_space<hbm>>) dst(%arg8 : memref<50176xf32, #tpu.memory_space<vmem>>)
    %scan3A = arith.constant 0 : i32
    %scan3A_13 = arith.constant 4 : i32
    %scan3A_14 = arith.addi %scan3A, %scan3A_13 : i32
    %scan3A_15 = arith.constant 1 : i32
    scf.for %scan3A_19 = %scan3A to %scan3A_14 step %scan3A_15  : i32 {
      %mul3A_20 = arith.constant 2 : i32
      %mul3A_21 = arith.muli %scan3A_19, %mul3A_20 : i32
      %add3A_22 = arith.constant 0 : i32
      %add3A_23 = arith.addi %add3A_22, %mul3A_21 : i32
      %add3A_24 = arith.constant 1 : i32
      %add3A_25 = arith.addi %add3A_23, %add3A_24 : i32
      %mul3A_26 = arith.constant 6272 : i32
      %mul3A_27 = arith.muli %add3A_25, %mul3A_26 : i32
      %add3A_28 = arith.addi %mul3A_2, %mul3A_27 : i32
      %dma_start3A_29 = tpu.memref_slice %arg2[%add3A_28] : memref<802816xi32, #tpu.memory_space<hbm>> -> memref<6272xi32, #tpu.memory_space<hbm>>
      %dma_start3A_30 = tpu.memref_slice %arg2[%add3A_28] : memref<802816xi32, #tpu.memory_space<hbm>> -> memref<6272xi32, #tpu.memory_space<hbm>>
      tpu.enqueue_dma source(%dma_start3A_30 : memref<6272xi32, #tpu.memory_space<hbm>>) target(%arg11 : memref<6272xi32, #tpu.memory_space<vmem>>) target_semaphore(%arg15 : memref<!tpu.dma_semaphore, #tpu.memory_space<semaphore_mem>>)
      %dma_start3A_31 = tpu.memref_slice %arg3[%add3A_28] : memref<802816xi32, #tpu.memory_space<hbm>> -> memref<6272xi32, #tpu.memory_space<hbm>>
      %dma_start3A_32 = tpu.memref_slice %arg3[%add3A_28] : memref<802816xi32, #tpu.memory_space<hbm>> -> memref<6272xi32, #tpu.memory_space<hbm>>
      tpu.enqueue_dma source(%dma_start3A_32 : memref<6272xi32, #tpu.memory_space<hbm>>) target(%arg12 : memref<6272xi32, #tpu.memory_space<vmem>>) target_semaphore(%arg15 : memref<!tpu.dma_semaphore, #tpu.memory_space<semaphore_mem>>)
      %dma_wait3A_33 = arith.constant 0 : i32
      %dma_wait3A_34 = tpu.memref_slice %arg2[%dma_wait3A_33] : memref<802816xi32, #tpu.memory_space<hbm>> -> memref<6272xi32, #tpu.memory_space<hbm>>
      %dma_wait3A_35 = arith.constant 0 : i32
      %dma_wait3A_36 = tpu.memref_slice %arg2[%dma_wait3A_35] : memref<802816xi32, #tpu.memory_space<hbm>> -> memref<6272xi32, #tpu.memory_space<hbm>>
      tpu.wait_dma2 semaphore(%arg14 : memref<!tpu.dma_semaphore, #tpu.memory_space<semaphore_mem>>) src(%dma_wait3A_36 : memref<6272xi32, #tpu.memory_space<hbm>>) dst(%arg9 : memref<6272xi32, #tpu.memory_space<vmem>>)
      %dma_wait3A_37 = arith.constant 0 : i32
      %dma_wait3A_38 = tpu.memref_slice %arg3[%dma_wait3A_37] : memref<802816xi32, #tpu.memory_space<hbm>> -> memref<6272xi32, #tpu.memory_space<hbm>>
      %dma_wait3A_39 = arith.constant 0 : i32
      %dma_wait3A_40 = tpu.memref_slice %arg3[%dma_wait3A_39] : memref<802816xi32, #tpu.memory_space<hbm>> -> memref<6272xi32, #tpu.memory_space<hbm>>
      tpu.wait_dma2 semaphore(%arg14 : memref<!tpu.dma_semaphore, #tpu.memory_space<semaphore_mem>>) src(%dma_wait3A_40 : memref<6272xi32, #tpu.memory_space<hbm>>) dst(%arg10 : memref<6272xi32, #tpu.memory_space<vmem>>)
      %scan3A_41 = arith.constant 0 : i32
      %scan3A_42 = arith.constant 49 : i32
      %scan3A_43 = arith.addi %scan3A_41, %scan3A_42 : i32
      %scan3A_44 = arith.constant 1 : i32
      scf.for %scan3A_63 = %scan3A_41 to %scan3A_43 step %scan3A_44  : i32 {
        %mul3A_64 = arith.constant 128 : i32
        %mul3A_65 = arith.muli %scan3A_63, %mul3A_64 : i32
        %add3A_66 = arith.constant 0 : i32
        %add3A_67 = arith.addi %add3A_66, %mul3A_65 : i32
        %add3A_68 = arith.constant 0 : i32
        %add3A_69 = arith.addi %add3A_67, %add3A_68 : i32
        %get3A = arith.index_cast %add3A_69 : i32 to index
        %get3A_70 = tpu.vector_load %arg9[%get3A] {strides = array<i32>} : memref<6272xi32, #tpu.memory_space<vmem>>, vector<16xi32>,
        %add3A_71 = arith.constant 0 : i32
        %add3A_72 = arith.addi %add3A_67, %add3A_71 : i32
        %get3A_73 = arith.index_cast %add3A_72 : i32 to index
        %get3A_74 = tpu.vector_load %arg10[%get3A_73] {strides = array<i32>} : memref<6272xi32, #tpu.memory_space<vmem>>, vector<16xi32>,
        %gather3A = tpu.vector_load_idx %arg7[%get3A_70] : memref<50176xf32, #tpu.memory_space<vmem>>[vector<16xi32>], vector<16xf32>,
        tpu.vector_store_idx %arg8[%get3A_74], %gather3A {add = true} : memref<50176xf32, #tpu.memory_space<vmem>>[vector<16xi32>], vector<16xf32>,
        %add3A_75 = arith.constant 16 : i32
        %add3A_76 = arith.addi %add3A_67, %add3A_75 : i32
        %get3A_77 = arith.index_cast %add3A_76 : i32 to index
        %get3A_78 = tpu.vector_load %arg9[%get3A_77] {strides = array<i32>} : memref<6272xi32, #tpu.memory_space<vmem>>, vector<16xi32>,
        %add3A_79 = arith.constant 16 : i32
        %add3A_80 = arith.addi %add3A_67, %add3A_79 : i32
        %get3A_81 = arith.index_cast %add3A_80 : i32 to index
        %get3A_82 = tpu.vector_load %arg10[%get3A_81] {strides = array<i32>} : memref<6272xi32, #tpu.memory_space<vmem>>, vector<16xi32>,
        %gather3A_83 = tpu.vector_load_idx %arg7[%get3A_78] : memref<50176xf32, #tpu.memory_space<vmem>>[vector<16xi32>], vector<16xf32>,
        tpu.vector_store_idx %arg8[%get3A_82], %gather3A_83 {add = true} : memref<50176xf32, #tpu.memory_space<vmem>>[vector<16xi32>], vector<16xf32>,
        %add3A_84 = arith.constant 32 : i32
        %add3A_85 = arith.addi %add3A_67, %add3A_84 : i32
        %get3A_86 = arith.index_cast %add3A_85 : i32 to index
        %get3A_87 = tpu.vector_load %arg9[%get3A_86] {strides = array<i32>} : memref<6272xi32, #tpu.memory_space<vmem>>, vector<16xi32>,
        %add3A_88 = arith.constant 32 : i32
        %add3A_89 = arith.addi %add3A_67, %add3A_88 : i32
        %get3A_90 = arith.index_cast %add3A_89 : i32 to index
        %get3A_91 = tpu.vector_load %arg10[%get3A_90] {strides = array<i32>} : memref<6272xi32, #tpu.memory_space<vmem>>, vector<16xi32>,
        %gather3A_92 = tpu.vector_load_idx %arg7[%get3A_87] : memref<50176xf32, #tpu.memory_space<vmem>>[vector<16xi32>], vector<16xf32>,
        tpu.vector_store_idx %arg8[%get3A_91], %gather3A_92 {add = true} : memref<50176xf32, #tpu.memory_space<vmem>>[vector<16xi32>], vector<16xf32>,
        %add3A_93 = arith.constant 48 : i32
        %add3A_94 = arith.addi %add3A_67, %add3A_93 : i32
        %get3A_95 = arith.index_cast %add3A_94 : i32 to index
        %get3A_96 = tpu.vector_load %arg9[%get3A_95] {strides = array<i32>} : memref<6272xi32, #tpu.memory_space<vmem>>, vector<16xi32>,
        %add3A_97 = arith.constant 48 : i32
        %add3A_98 = arith.addi %add3A_67, %add3A_97 : i32
        %get3A_99 = arith.index_cast %add3A_98 : i32 to index
        %get3A_100 = tpu.vector_load %arg10[%get3A_99] {strides = array<i32>} : memref<6272xi32, #tpu.memory_space<vmem>>, vector<16xi32>,
        %gather3A_101 = tpu.vector_load_idx %arg7[%get3A_96] : memref<50176xf32, #tpu.memory_space<vmem>>[vector<16xi32>], vector<16xf32>,
        tpu.vector_store_idx %arg8[%get3A_100], %gather3A_101 {add = true} : memref<50176xf32, #tpu.memory_space<vmem>>[vector<16xi32>], vector<16xf32>,
        %add3A_102 = arith.constant 64 : i32
        %add3A_103 = arith.addi %add3A_67, %add3A_102 : i32
        %get3A_104 = arith.index_cast %add3A_103 : i32 to index
        %get3A_105 = tpu.vector_load %arg9[%get3A_104] {strides = array<i32>} : memref<6272xi32, #tpu.memory_space<vmem>>, vector<16xi32>,
        %add3A_106 = arith.constant 64 : i32
        %add3A_107 = arith.addi %add3A_67, %add3A_106 : i32
        %get3A_108 = arith.index_cast %add3A_107 : i32 to index
        %get3A_109 = tpu.vector_load %arg10[%get3A_108] {strides = array<i32>} : memref<6272xi32, #tpu.memory_space<vmem>>, vector<16xi32>,
        %gather3A_110 = tpu.vector_load_idx %arg7[%get3A_105] : memref<50176xf32, #tpu.memory_space<vmem>>[vector<16xi32>], vector<16xf32>,
        tpu.vector_store_idx %arg8[%get3A_109], %gather3A_110 {add = true} : memref<50176xf32, #tpu.memory_space<vmem>>[vector<16xi32>], vector<16xf32>,
        %add3A_111 = arith.constant 80 : i32
        %add3A_112 = arith.addi %add3A_67, %add3A_111 : i32
        %get3A_113 = arith.index_cast %add3A_112 : i32 to index
        %get3A_114 = tpu.vector_load %arg9[%get3A_113] {strides = array<i32>} : memref<6272xi32, #tpu.memory_space<vmem>>, vector<16xi32>,
        %add3A_115 = arith.constant 80 : i32
        %add3A_116 = arith.addi %add3A_67, %add3A_115 : i32
        %get3A_117 = arith.index_cast %add3A_116 : i32 to index
        %get3A_118 = tpu.vector_load %arg10[%get3A_117] {strides = array<i32>} : memref<6272xi32, #tpu.memory_space<vmem>>, vector<16xi32>,
        %gather3A_119 = tpu.vector_load_idx %arg7[%get3A_114] : memref<50176xf32, #tpu.memory_space<vmem>>[vector<16xi32>], vector<16xf32>,
        tpu.vector_store_idx %arg8[%get3A_118], %gather3A_119 {add = true} : memref<50176xf32, #tpu.memory_space<vmem>>[vector<16xi32>], vector<16xf32>,
        %add3A_120 = arith.constant 96 : i32
        %add3A_121 = arith.addi %add3A_67, %add3A_120 : i32
        %get3A_122 = arith.index_cast %add3A_121 : i32 to index
        %get3A_123 = tpu.vector_load %arg9[%get3A_122] {strides = array<i32>} : memref<6272xi32, #tpu.memory_space<vmem>>, vector<16xi32>,
        %add3A_124 = arith.constant 96 : i32
        %add3A_125 = arith.addi %add3A_67, %add3A_124 : i32
        %get3A_126 = arith.index_cast %add3A_125 : i32 to index
        %get3A_127 = tpu.vector_load %arg10[%get3A_126] {strides = array<i32>} : memref<6272xi32, #tpu.memory_space<vmem>>, vector<16xi32>,
        %gather3A_128 = tpu.vector_load_idx %arg7[%get3A_123] : memref<50176xf32, #tpu.memory_space<vmem>>[vector<16xi32>], vector<16xf32>,
        tpu.vector_store_idx %arg8[%get3A_127], %gather3A_128 {add = true} : memref<50176xf32, #tpu.memory_space<vmem>>[vector<16xi32>], vector<16xf32>,
        %add3A_129 = arith.constant 112 : i32
        %add3A_130 = arith.addi %add3A_67, %add3A_129 : i32
        %get3A_131 = arith.index_cast %add3A_130 : i32 to index
        %get3A_132 = tpu.vector_load %arg9[%get3A_131] {strides = array<i32>} : memref<6272xi32, #tpu.memory_space<vmem>>, vector<16xi32>,
        %add3A_133 = arith.constant 112 : i32
        %add3A_134 = arith.addi %add3A_67, %add3A_133 : i32
        %get3A_135 = arith.index_cast %add3A_134 : i32 to index
        %get3A_136 = tpu.vector_load %arg10[%get3A_135] {strides = array<i32>} : memref<6272xi32, #tpu.memory_space<vmem>>, vector<16xi32>,
        %gather3A_137 = tpu.vector_load_idx %arg7[%get3A_132] : memref<50176xf32, #tpu.memory_space<vmem>>[vector<16xi32>], vector<16xf32>,
        tpu.vector_store_idx %arg8[%get3A_136], %gather3A_137 {add = true} : memref<50176xf32, #tpu.memory_space<vmem>>[vector<16xi32>], vector<16xf32>,
      }
      %scan3A_45 = arith.constant 49 : i32
      %add3A_46 = arith.constant 2 : i32
      %add3A_47 = arith.addi %add3A_23, %add3A_46 : i32
      %lt3A = arith.constant 8 : i32
      %lt3A_48 = arith.cmpi slt, %add3A_47, %lt3A : i32
      %convert_element_type3A = arith.extui %lt3A_48 : i1 to i32
      %cond3A = arith.constant 0 : i32
      %cond3A_49 = arith.cmpi ne, %convert_element_type3A, %cond3A : i32
      scf.if %cond3A_49 {
        %add3A_63 = arith.constant 2 : i32
        %add3A_64 = arith.addi %add3A_23, %add3A_63 : i32
        %mul3A_65 = arith.constant 6272 : i32
        %mul3A_66 = arith.muli %add3A_64, %mul3A_65 : i32
        %add3A_67 = arith.addi %mul3A_2, %mul3A_66 : i32
        %dma_start3A_68 = tpu.memref_slice %arg2[%add3A_67] : memref<802816xi32, #tpu.memory_space<hbm>> -> memref<6272xi32, #tpu.memory_space<hbm>>
        %dma_start3A_69 = tpu.memref_slice %arg2[%add3A_67] : memref<802816xi32, #tpu.memory_space<hbm>> -> memref<6272xi32, #tpu.memory_space<hbm>>
        tpu.enqueue_dma source(%dma_start3A_69 : memref<6272xi32, #tpu.memory_space<hbm>>) target(%arg9 : memref<6272xi32, #tpu.memory_space<vmem>>) target_semaphore(%arg14 : memref<!tpu.dma_semaphore, #tpu.memory_space<semaphore_mem>>)
        %dma_start3A_70 = tpu.memref_slice %arg3[%add3A_67] : memref<802816xi32, #tpu.memory_space<hbm>> -> memref<6272xi32, #tpu.memory_space<hbm>>
        %dma_start3A_71 = tpu.memref_slice %arg3[%add3A_67] : memref<802816xi32, #tpu.memory_space<hbm>> -> memref<6272xi32, #tpu.memory_space<hbm>>
        tpu.enqueue_dma source(%dma_start3A_71 : memref<6272xi32, #tpu.memory_space<hbm>>) target(%arg10 : memref<6272xi32, #tpu.memory_space<vmem>>) target_semaphore(%arg14 : memref<!tpu.dma_semaphore, #tpu.memory_space<semaphore_mem>>)
      } else {
      }
      %dma_wait3A_50 = arith.constant 0 : i32
      %dma_wait3A_51 = tpu.memref_slice %arg2[%dma_wait3A_50] : memref<802816xi32, #tpu.memory_space<hbm>> -> memref<6272xi32, #tpu.memory_space<hbm>>
      %dma_wait3A_52 = arith.constant 0 : i32
      %dma_wait3A_53 = tpu.memref_slice %arg2[%dma_wait3A_52] : memref<802816xi32, #tpu.memory_space<hbm>> -> memref<6272xi32, #tpu.memory_space<hbm>>
      tpu.wait_dma2 semaphore(%arg15 : memref<!tpu.dma_semaphore, #tpu.memory_space<semaphore_mem>>) src(%dma_wait3A_53 : memref<6272xi32, #tpu.memory_space<hbm>>) dst(%arg11 : memref<6272xi32, #tpu.memory_space<vmem>>)
      %dma_wait3A_54 = arith.constant 0 : i32
      %dma_wait3A_55 = tpu.memref_slice %arg3[%dma_wait3A_54] : memref<802816xi32, #tpu.memory_space<hbm>> -> memref<6272xi32, #tpu.memory_space<hbm>>
      %dma_wait3A_56 = arith.constant 0 : i32
      %dma_wait3A_57 = tpu.memref_slice %arg3[%dma_wait3A_56] : memref<802816xi32, #tpu.memory_space<hbm>> -> memref<6272xi32, #tpu.memory_space<hbm>>
      tpu.wait_dma2 semaphore(%arg15 : memref<!tpu.dma_semaphore, #tpu.memory_space<semaphore_mem>>) src(%dma_wait3A_57 : memref<6272xi32, #tpu.memory_space<hbm>>) dst(%arg12 : memref<6272xi32, #tpu.memory_space<vmem>>)
      %scan3A_58 = arith.constant 0 : i32
      %scan3A_59 = arith.constant 49 : i32
      %scan3A_60 = arith.addi %scan3A_58, %scan3A_59 : i32
      %scan3A_61 = arith.constant 1 : i32
      scf.for %scan3A_63 = %scan3A_58 to %scan3A_60 step %scan3A_61  : i32 {
        %mul3A_64 = arith.constant 128 : i32
        %mul3A_65 = arith.muli %scan3A_63, %mul3A_64 : i32
        %add3A_66 = arith.constant 0 : i32
        %add3A_67 = arith.addi %add3A_66, %mul3A_65 : i32
        %add3A_68 = arith.constant 0 : i32
        %add3A_69 = arith.addi %add3A_67, %add3A_68 : i32
        %get3A = arith.index_cast %add3A_69 : i32 to index
        %get3A_70 = tpu.vector_load %arg11[%get3A] {strides = array<i32>} : memref<6272xi32, #tpu.memory_space<vmem>>, vector<16xi32>,
        %add3A_71 = arith.constant 0 : i32
        %add3A_72 = arith.addi %add3A_67, %add3A_71 : i32
        %get3A_73 = arith.index_cast %add3A_72 : i32 to index
        %get3A_74 = tpu.vector_load %arg12[%get3A_73] {strides = array<i32>} : memref<6272xi32, #tpu.memory_space<vmem>>, vector<16xi32>,
        %gather3A = tpu.vector_load_idx %arg7[%get3A_70] : memref<50176xf32, #tpu.memory_space<vmem>>[vector<16xi32>], vector<16xf32>,
        tpu.vector_store_idx %arg8[%get3A_74], %gather3A {add = true} : memref<50176xf32, #tpu.memory_space<vmem>>[vector<16xi32>], vector<16xf32>,
        %add3A_75 = arith.constant 16 : i32
        %add3A_76 = arith.addi %add3A_67, %add3A_75 : i32
        %get3A_77 = arith.index_cast %add3A_76 : i32 to index
        %get3A_78 = tpu.vector_load %arg11[%get3A_77] {strides = array<i32>} : memref<6272xi32, #tpu.memory_space<vmem>>, vector<16xi32>,
        %add3A_79 = arith.constant 16 : i32
        %add3A_80 = arith.addi %add3A_67, %add3A_79 : i32
        %get3A_81 = arith.index_cast %add3A_80 : i32 to index
        %get3A_82 = tpu.vector_load %arg12[%get3A_81] {strides = array<i32>} : memref<6272xi32, #tpu.memory_space<vmem>>, vector<16xi32>,
        %gather3A_83 = tpu.vector_load_idx %arg7[%get3A_78] : memref<50176xf32, #tpu.memory_space<vmem>>[vector<16xi32>], vector<16xf32>,
        tpu.vector_store_idx %arg8[%get3A_82], %gather3A_83 {add = true} : memref<50176xf32, #tpu.memory_space<vmem>>[vector<16xi32>], vector<16xf32>,
        %add3A_84 = arith.constant 32 : i32
        %add3A_85 = arith.addi %add3A_67, %add3A_84 : i32
        %get3A_86 = arith.index_cast %add3A_85 : i32 to index
        %get3A_87 = tpu.vector_load %arg11[%get3A_86] {strides = array<i32>} : memref<6272xi32, #tpu.memory_space<vmem>>, vector<16xi32>,
        %add3A_88 = arith.constant 32 : i32
        %add3A_89 = arith.addi %add3A_67, %add3A_88 : i32
        %get3A_90 = arith.index_cast %add3A_89 : i32 to index
        %get3A_91 = tpu.vector_load %arg12[%get3A_90] {strides = array<i32>} : memref<6272xi32, #tpu.memory_space<vmem>>, vector<16xi32>,
        %gather3A_92 = tpu.vector_load_idx %arg7[%get3A_87] : memref<50176xf32, #tpu.memory_space<vmem>>[vector<16xi32>], vector<16xf32>,
        tpu.vector_store_idx %arg8[%get3A_91], %gather3A_92 {add = true} : memref<50176xf32, #tpu.memory_space<vmem>>[vector<16xi32>], vector<16xf32>,
        %add3A_93 = arith.constant 48 : i32
        %add3A_94 = arith.addi %add3A_67, %add3A_93 : i32
        %get3A_95 = arith.index_cast %add3A_94 : i32 to index
        %get3A_96 = tpu.vector_load %arg11[%get3A_95] {strides = array<i32>} : memref<6272xi32, #tpu.memory_space<vmem>>, vector<16xi32>,
        %add3A_97 = arith.constant 48 : i32
        %add3A_98 = arith.addi %add3A_67, %add3A_97 : i32
        %get3A_99 = arith.index_cast %add3A_98 : i32 to index
        %get3A_100 = tpu.vector_load %arg12[%get3A_99] {strides = array<i32>} : memref<6272xi32, #tpu.memory_space<vmem>>, vector<16xi32>,
        %gather3A_101 = tpu.vector_load_idx %arg7[%get3A_96] : memref<50176xf32, #tpu.memory_space<vmem>>[vector<16xi32>], vector<16xf32>,
        tpu.vector_store_idx %arg8[%get3A_100], %gather3A_101 {add = true} : memref<50176xf32, #tpu.memory_space<vmem>>[vector<16xi32>], vector<16xf32>,
        %add3A_102 = arith.constant 64 : i32
        %add3A_103 = arith.addi %add3A_67, %add3A_102 : i32
        %get3A_104 = arith.index_cast %add3A_103 : i32 to index
        %get3A_105 = tpu.vector_load %arg11[%get3A_104] {strides = array<i32>} : memref<6272xi32, #tpu.memory_space<vmem>>, vector<16xi32>,
        %add3A_106 = arith.constant 64 : i32
        %add3A_107 = arith.addi %add3A_67, %add3A_106 : i32
        %get3A_108 = arith.index_cast %add3A_107 : i32 to index
        %get3A_109 = tpu.vector_load %arg12[%get3A_108] {strides = array<i32>} : memref<6272xi32, #tpu.memory_space<vmem>>, vector<16xi32>,
        %gather3A_110 = tpu.vector_load_idx %arg7[%get3A_105] : memref<50176xf32, #tpu.memory_space<vmem>>[vector<16xi32>], vector<16xf32>,
        tpu.vector_store_idx %arg8[%get3A_109], %gather3A_110 {add = true} : memref<50176xf32, #tpu.memory_space<vmem>>[vector<16xi32>], vector<16xf32>,
        %add3A_111 = arith.constant 80 : i32
        %add3A_112 = arith.addi %add3A_67, %add3A_111 : i32
        %get3A_113 = arith.index_cast %add3A_112 : i32 to index
        %get3A_114 = tpu.vector_load %arg11[%get3A_113] {strides = array<i32>} : memref<6272xi32, #tpu.memory_space<vmem>>, vector<16xi32>,
        %add3A_115 = arith.constant 80 : i32
        %add3A_116 = arith.addi %add3A_67, %add3A_115 : i32
        %get3A_117 = arith.index_cast %add3A_116 : i32 to index
        %get3A_118 = tpu.vector_load %arg12[%get3A_117] {strides = array<i32>} : memref<6272xi32, #tpu.memory_space<vmem>>, vector<16xi32>,
        %gather3A_119 = tpu.vector_load_idx %arg7[%get3A_114] : memref<50176xf32, #tpu.memory_space<vmem>>[vector<16xi32>], vector<16xf32>,
        tpu.vector_store_idx %arg8[%get3A_118], %gather3A_119 {add = true} : memref<50176xf32, #tpu.memory_space<vmem>>[vector<16xi32>], vector<16xf32>,
        %add3A_120 = arith.constant 96 : i32
        %add3A_121 = arith.addi %add3A_67, %add3A_120 : i32
        %get3A_122 = arith.index_cast %add3A_121 : i32 to index
        %get3A_123 = tpu.vector_load %arg11[%get3A_122] {strides = array<i32>} : memref<6272xi32, #tpu.memory_space<vmem>>, vector<16xi32>,
        %add3A_124 = arith.constant 96 : i32
        %add3A_125 = arith.addi %add3A_67, %add3A_124 : i32
        %get3A_126 = arith.index_cast %add3A_125 : i32 to index
        %get3A_127 = tpu.vector_load %arg12[%get3A_126] {strides = array<i32>} : memref<6272xi32, #tpu.memory_space<vmem>>, vector<16xi32>,
        %gather3A_128 = tpu.vector_load_idx %arg7[%get3A_123] : memref<50176xf32, #tpu.memory_space<vmem>>[vector<16xi32>], vector<16xf32>,
        tpu.vector_store_idx %arg8[%get3A_127], %gather3A_128 {add = true} : memref<50176xf32, #tpu.memory_space<vmem>>[vector<16xi32>], vector<16xf32>,
        %add3A_129 = arith.constant 112 : i32
        %add3A_130 = arith.addi %add3A_67, %add3A_129 : i32
        %get3A_131 = arith.index_cast %add3A_130 : i32 to index
        %get3A_132 = tpu.vector_load %arg11[%get3A_131] {strides = array<i32>} : memref<6272xi32, #tpu.memory_space<vmem>>, vector<16xi32>,
        %add3A_133 = arith.constant 112 : i32
        %add3A_134 = arith.addi %add3A_67, %add3A_133 : i32
        %get3A_135 = arith.index_cast %add3A_134 : i32 to index
        %get3A_136 = tpu.vector_load %arg12[%get3A_135] {strides = array<i32>} : memref<6272xi32, #tpu.memory_space<vmem>>, vector<16xi32>,
        %gather3A_137 = tpu.vector_load_idx %arg7[%get3A_132] : memref<50176xf32, #tpu.memory_space<vmem>>[vector<16xi32>], vector<16xf32>,
        tpu.vector_store_idx %arg8[%get3A_136], %gather3A_137 {add = true} : memref<50176xf32, #tpu.memory_space<vmem>>[vector<16xi32>], vector<16xf32>,
      }
      %scan3A_62 = arith.constant 49 : i32
    }
    %scan3A_16 = arith.constant 4 : i32
    %mul3A_17 = arith.constant 50176 : i32
    %mul3A_18 = arith.muli %add3A, %mul3A_17 : i32
    "tpu.region"() ({
      %run_scoped3A = tpu.sem_alloc : memref<!tpu.dma_semaphore, #tpu.memory_space<semaphore_mem>>
      %dma_start3A_19 = tpu.memref_slice %arg6[%mul3A_18] : memref<1605632xf32, #tpu.memory_space<hbm>> -> memref<50176xf32, #tpu.memory_space<hbm>>
      %dma_start3A_20 = tpu.memref_slice %arg6[%mul3A_18] : memref<1605632xf32, #tpu.memory_space<hbm>> -> memref<50176xf32, #tpu.memory_space<hbm>>
      tpu.enqueue_dma source(%arg8 : memref<50176xf32, #tpu.memory_space<vmem>>) target(%dma_start3A_20 : memref<50176xf32, #tpu.memory_space<hbm>>) target_semaphore(%run_scoped3A : memref<!tpu.dma_semaphore, #tpu.memory_space<semaphore_mem>>)
      %dma_wait3A_21 = tpu.memref_slice %arg6[%mul3A_18] : memref<1605632xf32, #tpu.memory_space<hbm>> -> memref<50176xf32, #tpu.memory_space<hbm>>
      %dma_wait3A_22 = tpu.memref_slice %arg6[%mul3A_18] : memref<1605632xf32, #tpu.memory_space<hbm>> -> memref<50176xf32, #tpu.memory_space<hbm>>
      tpu.wait_dma2 semaphore(%run_scoped3A : memref<!tpu.dma_semaphore, #tpu.memory_space<semaphore_mem>>) src(%arg8 : memref<50176xf32, #tpu.memory_space<vmem>>) dst(%dma_wait3A_22 : memref<50176xf32, #tpu.memory_space<hbm>>)
      tpu.yield
    }) : () -> ()
    return
  }
}

#map = affine_map<(d0, d1) -> (0)>
module attributes {stable_mosaic.version = 14 : i64} {
  func.func @_pool_body(%arg0: i32, %arg1: i32, %arg2: memref<1605632xf32, #tpu.memory_space<hbm>>, %arg3: memref<100352xf32, #tpu.memory_space<hbm>>, %arg4: memref<50176xf32, #tpu.memory_space<hbm>>, %arg5: memref<50176xi32, #tpu.memory_space<hbm>>, %arg6: memref<61440xf32, #tpu.memory_space<hbm>>, %arg7: memref<50176xf32, #tpu.memory_space<vmem>>, %arg8: memref<1568xf32, #tpu.memory_space<vmem>>, %arg9: memref<1568xf32, #tpu.memory_space<vmem>>, %arg10: memref<1568xf32, #tpu.memory_space<vmem>>, %arg11: memref<1568xi32, #tpu.memory_space<vmem>>, %arg12: memref<640xf32, #tpu.memory_space<vmem>>, %arg13: memref<640xf32, #tpu.memory_space<vmem>>, %arg14: memref<640xf32, #tpu.memory_space<vmem>>, %arg15: memref<!tpu.dma_semaphore, #tpu.memory_space<semaphore_mem>>, %arg16: memref<!tpu.dma_semaphore, #tpu.memory_space<semaphore_mem>>) attributes {dimension_semantics = [#tpu.dimension_semantics<core_parallel>, #tpu.dimension_semantics<subcore_parallel>], iteration_bounds = array<i64: 2, 16>, scalar_prefetch = 0 : i64, scratch_operands = 10 : i64, tpu.core_type = #tpu.core_type<sc_vector_subcore>, window_params = [{transform_indices = #map}, {transform_indices = #map}, {transform_indices = #map}, {transform_indices = #map}, {transform_indices = #map}]} {
    %mul3A = arith.constant 16 : i32
    %mul3A_0 = arith.muli %arg0, %mul3A : i32
    %add3A = arith.addi %mul3A_0, %arg1 : i32
    %mul3A_1 = arith.constant 1568 : i32
    %mul3A_2 = arith.muli %add3A, %mul3A_1 : i32
    %broadcast_in_dim3A = arith.constant 0.000000e+00 : f32
    %broadcast_in_dim3A_3 = vector.broadcast %broadcast_in_dim3A : f32 to vector<16xf32>
    %scan3A = arith.constant 0 : i32
    %scan3A_4 = arith.constant 32 : i32
    %scan3A_5 = arith.addi %scan3A, %scan3A_4 : i32
    %scan3A_6 = arith.constant 1 : i32
    scf.for %scan3A_49 = %scan3A to %scan3A_5 step %scan3A_6  : i32 {
      %mul3A_50 = arith.constant 1 : i32
      %mul3A_51 = arith.muli %scan3A_49, %mul3A_50 : i32
      %add3A_52 = arith.constant 0 : i32
      %add3A_53 = arith.addi %add3A_52, %mul3A_51 : i32
      %mul3A_54 = arith.constant 50176 : i32
      %mul3A_55 = arith.muli %add3A_53, %mul3A_54 : i32
      %add3A_56 = arith.addi %mul3A_55, %mul3A_2 : i32
      %mul3A_57 = arith.constant 1568 : i32
      %mul3A_58 = arith.muli %add3A_53, %mul3A_57 : i32
      %dma_start3A_59 = tpu.memref_slice %arg7[%mul3A_58] : memref<50176xf32, #tpu.memory_space<vmem>> -> memref<1568xf32, #tpu.memory_space<vmem>>
      %dma_start3A_60 = tpu.memref_slice %arg2[%add3A_56] : memref<1605632xf32, #tpu.memory_space<hbm>> -> memref<1568xf32, #tpu.memory_space<hbm>>
      %dma_start3A_61 = tpu.memref_slice %arg7[%mul3A_58] : memref<50176xf32, #tpu.memory_space<vmem>> -> memref<1568xf32, #tpu.memory_space<vmem>>
      %dma_start3A_62 = tpu.memref_slice %arg2[%add3A_56] : memref<1605632xf32, #tpu.memory_space<hbm>> -> memref<1568xf32, #tpu.memory_space<hbm>>
      tpu.enqueue_dma source(%dma_start3A_62 : memref<1568xf32, #tpu.memory_space<hbm>>) target(%dma_start3A_61 : memref<1568xf32, #tpu.memory_space<vmem>>) target_semaphore(%arg15 : memref<!tpu.dma_semaphore, #tpu.memory_space<semaphore_mem>>)
    }
    %scan3A_7 = arith.constant 32 : i32
    %dma_start3A = tpu.memref_slice %arg3[%mul3A_2] : memref<100352xf32, #tpu.memory_space<hbm>> -> memref<1568xf32, #tpu.memory_space<hbm>>
    %dma_start3A_8 = tpu.memref_slice %arg3[%mul3A_2] : memref<100352xf32, #tpu.memory_space<hbm>> -> memref<1568xf32, #tpu.memory_space<hbm>>
    tpu.enqueue_dma source(%dma_start3A_8 : memref<1568xf32, #tpu.memory_space<hbm>>) target(%arg8 : memref<1568xf32, #tpu.memory_space<vmem>>) target_semaphore(%arg16 : memref<!tpu.dma_semaphore, #tpu.memory_space<semaphore_mem>>)
    %add3A_9 = arith.constant 50176 : i32
    %add3A_10 = arith.addi %add3A_9, %mul3A_2 : i32
    %dma_start3A_11 = tpu.memref_slice %arg3[%add3A_10] : memref<100352xf32, #tpu.memory_space<hbm>> -> memref<1568xf32, #tpu.memory_space<hbm>>
    %dma_start3A_12 = tpu.memref_slice %arg3[%add3A_10] : memref<100352xf32, #tpu.memory_space<hbm>> -> memref<1568xf32, #tpu.memory_space<hbm>>
    tpu.enqueue_dma source(%dma_start3A_12 : memref<1568xf32, #tpu.memory_space<hbm>>) target(%arg9 : memref<1568xf32, #tpu.memory_space<vmem>>) target_semaphore(%arg16 : memref<!tpu.dma_semaphore, #tpu.memory_space<semaphore_mem>>)
    %dma_start3A_13 = tpu.memref_slice %arg4[%mul3A_2] : memref<50176xf32, #tpu.memory_space<hbm>> -> memref<1568xf32, #tpu.memory_space<hbm>>
    %dma_start3A_14 = tpu.memref_slice %arg4[%mul3A_2] : memref<50176xf32, #tpu.memory_space<hbm>> -> memref<1568xf32, #tpu.memory_space<hbm>>
    tpu.enqueue_dma source(%dma_start3A_14 : memref<1568xf32, #tpu.memory_space<hbm>>) target(%arg10 : memref<1568xf32, #tpu.memory_space<vmem>>) target_semaphore(%arg16 : memref<!tpu.dma_semaphore, #tpu.memory_space<semaphore_mem>>)
    %dma_start3A_15 = tpu.memref_slice %arg5[%mul3A_2] : memref<50176xi32, #tpu.memory_space<hbm>> -> memref<1568xi32, #tpu.memory_space<hbm>>
    %dma_start3A_16 = tpu.memref_slice %arg5[%mul3A_2] : memref<50176xi32, #tpu.memory_space<hbm>> -> memref<1568xi32, #tpu.memory_space<hbm>>
    tpu.enqueue_dma source(%dma_start3A_16 : memref<1568xi32, #tpu.memory_space<hbm>>) target(%arg11 : memref<1568xi32, #tpu.memory_space<vmem>>) target_semaphore(%arg16 : memref<!tpu.dma_semaphore, #tpu.memory_space<semaphore_mem>>)
    %scan3A_17 = arith.constant 0 : i32
    %scan3A_18 = arith.constant 40 : i32
    %scan3A_19 = arith.addi %scan3A_17, %scan3A_18 : i32
    %scan3A_20 = arith.constant 1 : i32
    scf.for %scan3A_49 = %scan3A_17 to %scan3A_19 step %scan3A_20  : i32 {
      %mul3A_50 = arith.constant 16 : i32
      %mul3A_51 = arith.muli %scan3A_49, %mul3A_50 : i32
      %add3A_52 = arith.constant 0 : i32
      %add3A_53 = arith.addi %add3A_52, %mul3A_51 : i32
      %swap3A = arith.index_cast %add3A_53 : i32 to index
      %swap3A_54 = tpu.vector_load %arg12[%swap3A] {strides = array<i32>} : memref<640xf32, #tpu.memory_space<vmem>>, vector<16xf32>,
      tpu.vector_store %arg12[%swap3A], %broadcast_in_dim3A_3 {strides = array<i32>} : memref<640xf32, #tpu.memory_space<vmem>>, vector<16xf32>,
      %swap3A_55 = arith.index_cast %add3A_53 : i32 to index
      %swap3A_56 = tpu.vector_load %arg13[%swap3A_55] {strides = array<i32>} : memref<640xf32, #tpu.memory_space<vmem>>, vector<16xf32>,
      tpu.vector_store %arg13[%swap3A_55], %broadcast_in_dim3A_3 {strides = array<i32>} : memref<640xf32, #tpu.memory_space<vmem>>, vector<16xf32>,
      %swap3A_57 = arith.index_cast %add3A_53 : i32 to index
      %swap3A_58 = tpu.vector_load %arg14[%swap3A_57] {strides = array<i32>} : memref<640xf32, #tpu.memory_space<vmem>>, vector<16xf32>,
      tpu.vector_store %arg14[%swap3A_57], %broadcast_in_dim3A_3 {strides = array<i32>} : memref<640xf32, #tpu.memory_space<vmem>>, vector<16xf32>,
    }
    %scan3A_21 = arith.constant 40 : i32
    %scan3A_22 = arith.constant 0 : i32
    %scan3A_23 = arith.constant 32 : i32
    %scan3A_24 = arith.addi %scan3A_22, %scan3A_23 : i32
    %scan3A_25 = arith.constant 1 : i32
    scf.for %scan3A_49 = %scan3A_22 to %scan3A_24 step %scan3A_25  : i32 {
      %mul3A_50 = arith.constant 1 : i32
      %mul3A_51 = arith.muli %scan3A_49, %mul3A_50 : i32
      %add3A_52 = arith.constant 0 : i32
      %add3A_53 = arith.addi %add3A_52, %mul3A_51 : i32
      %dma_wait3A_54 = arith.constant 0 : i32
      %dma_wait3A_55 = tpu.memref_slice %arg7[%dma_wait3A_54] : memref<50176xf32, #tpu.memory_space<vmem>> -> memref<1568xf32, #tpu.memory_space<vmem>>
      %dma_wait3A_56 = tpu.memref_slice %arg2[%mul3A_2] : memref<1605632xf32, #tpu.memory_space<hbm>> -> memref<1568xf32, #tpu.memory_space<hbm>>
      %dma_wait3A_57 = arith.constant 0 : i32
      %dma_wait3A_58 = tpu.memref_slice %arg7[%dma_wait3A_57] : memref<50176xf32, #tpu.memory_space<vmem>> -> memref<1568xf32, #tpu.memory_space<vmem>>
      %dma_wait3A_59 = tpu.memref_slice %arg2[%mul3A_2] : memref<1605632xf32, #tpu.memory_space<hbm>> -> memref<1568xf32, #tpu.memory_space<hbm>>
      tpu.wait_dma2 semaphore(%arg15 : memref<!tpu.dma_semaphore, #tpu.memory_space<semaphore_mem>>) src(%dma_wait3A_59 : memref<1568xf32, #tpu.memory_space<hbm>>) dst(%dma_wait3A_58 : memref<1568xf32, #tpu.memory_space<vmem>>)
    }
    %scan3A_26 = arith.constant 32 : i32
    %dma_wait3A = tpu.memref_slice %arg4[%mul3A_2] : memref<50176xf32, #tpu.memory_space<hbm>> -> memref<1568xf32, #tpu.memory_space<hbm>>
    %dma_wait3A_27 = tpu.memref_slice %arg4[%mul3A_2] : memref<50176xf32, #tpu.memory_space<hbm>> -> memref<1568xf32, #tpu.memory_space<hbm>>
    tpu.wait_dma2 semaphore(%arg16 : memref<!tpu.dma_semaphore, #tpu.memory_space<semaphore_mem>>) src(%dma_wait3A_27 : memref<1568xf32, #tpu.memory_space<hbm>>) dst(%arg8 : memref<1568xf32, #tpu.memory_space<vmem>>)
    %dma_wait3A_28 = tpu.memref_slice %arg4[%mul3A_2] : memref<50176xf32, #tpu.memory_space<hbm>> -> memref<1568xf32, #tpu.memory_space<hbm>>
    %dma_wait3A_29 = tpu.memref_slice %arg4[%mul3A_2] : memref<50176xf32, #tpu.memory_space<hbm>> -> memref<1568xf32, #tpu.memory_space<hbm>>
    tpu.wait_dma2 semaphore(%arg16 : memref<!tpu.dma_semaphore, #tpu.memory_space<semaphore_mem>>) src(%dma_wait3A_29 : memref<1568xf32, #tpu.memory_space<hbm>>) dst(%arg9 : memref<1568xf32, #tpu.memory_space<vmem>>)
    %dma_wait3A_30 = tpu.memref_slice %arg4[%mul3A_2] : memref<50176xf32, #tpu.memory_space<hbm>> -> memref<1568xf32, #tpu.memory_space<hbm>>
    %dma_wait3A_31 = tpu.memref_slice %arg4[%mul3A_2] : memref<50176xf32, #tpu.memory_space<hbm>> -> memref<1568xf32, #tpu.memory_space<hbm>>
    tpu.wait_dma2 semaphore(%arg16 : memref<!tpu.dma_semaphore, #tpu.memory_space<semaphore_mem>>) src(%dma_wait3A_31 : memref<1568xf32, #tpu.memory_space<hbm>>) dst(%arg10 : memref<1568xf32, #tpu.memory_space<vmem>>)
    %dma_wait3A_32 = tpu.memref_slice %arg5[%mul3A_2] : memref<50176xi32, #tpu.memory_space<hbm>> -> memref<1568xi32, #tpu.memory_space<hbm>>
    %dma_wait3A_33 = tpu.memref_slice %arg5[%mul3A_2] : memref<50176xi32, #tpu.memory_space<hbm>> -> memref<1568xi32, #tpu.memory_space<hbm>>
    tpu.wait_dma2 semaphore(%arg16 : memref<!tpu.dma_semaphore, #tpu.memory_space<semaphore_mem>>) src(%dma_wait3A_33 : memref<1568xi32, #tpu.memory_space<hbm>>) dst(%arg11 : memref<1568xi32, #tpu.memory_space<vmem>>)
    %broadcast_in_dim3A_34 = arith.constant 1.000000e+00 : f32
    %broadcast_in_dim3A_35 = vector.broadcast %broadcast_in_dim3A_34 : f32 to vector<16xf32>
    %scan3A_36 = arith.constant 0 : i32
    %scan3A_37 = arith.constant 98 : i32
    %scan3A_38 = arith.addi %scan3A_36, %scan3A_37 : i32
    %scan3A_39 = arith.constant 1 : i32
    scf.for %scan3A_49 = %scan3A_36 to %scan3A_38 step %scan3A_39  : i32 {
      %mul3A_50 = arith.constant 16 : i32
      %mul3A_51 = arith.muli %scan3A_49, %mul3A_50 : i32
      %add3A_52 = arith.constant 0 : i32
      %add3A_53 = arith.addi %add3A_52, %mul3A_51 : i32
      %get3A = arith.index_cast %add3A_53 : i32 to index
      %get3A_54 = tpu.vector_load %arg7[%get3A] {strides = array<i32>} : memref<50176xf32, #tpu.memory_space<vmem>>, vector<16xf32>,
      %add3A_55 = arith.constant 25088 : i32
      %add3A_56 = arith.addi %add3A_55, %add3A_53 : i32
      %get3A_57 = arith.index_cast %add3A_56 : i32 to index
      %get3A_58 = tpu.vector_load %arg7[%get3A_57] {strides = array<i32>} : memref<50176xf32, #tpu.memory_space<vmem>>, vector<16xf32>,
      %add3A_59 = arith.constant 1568 : i32
      %add3A_60 = arith.addi %add3A_59, %add3A_53 : i32
      %get3A_61 = arith.index_cast %add3A_60 : i32 to index
      %get3A_62 = tpu.vector_load %arg7[%get3A_61] {strides = array<i32>} : memref<50176xf32, #tpu.memory_space<vmem>>, vector<16xf32>,
      %add3A_63 = arith.addf %get3A_54, %get3A_62 : vector<16xf32>
      %add3A_64 = arith.constant 26656 : i32
      %add3A_65 = arith.addi %add3A_64, %add3A_53 : i32
      %get3A_66 = arith.index_cast %add3A_65 : i32 to index
      %get3A_67 = tpu.vector_load %arg7[%get3A_66] {strides = array<i32>} : memref<50176xf32, #tpu.memory_space<vmem>>, vector<16xf32>,
      %add3A_68 = arith.addf %get3A_58, %get3A_67 : vector<16xf32>
      %add3A_69 = arith.constant 3136 : i32
      %add3A_70 = arith.addi %add3A_69, %add3A_53 : i32
      %get3A_71 = arith.index_cast %add3A_70 : i32 to index
      %get3A_72 = tpu.vector_load %arg7[%get3A_71] {strides = array<i32>} : memref<50176xf32, #tpu.memory_space<vmem>>, vector<16xf32>,
      %add3A_73 = arith.addf %add3A_63, %get3A_72 : vector<16xf32>
      %add3A_74 = arith.constant 28224 : i32
      %add3A_75 = arith.addi %add3A_74, %add3A_53 : i32
      %get3A_76 = arith.index_cast %add3A_75 : i32 to index
      %get3A_77 = tpu.vector_load %arg7[%get3A_76] {strides = array<i32>} : memref<50176xf32, #tpu.memory_space<vmem>>, vector<16xf32>,
      %add3A_78 = arith.addf %add3A_68, %get3A_77 : vector<16xf32>
      %add3A_79 = arith.constant 4704 : i32
      %add3A_80 = arith.addi %add3A_79, %add3A_53 : i32
      %get3A_81 = arith.index_cast %add3A_80 : i32 to index
      %get3A_82 = tpu.vector_load %arg7[%get3A_81] {strides = array<i32>} : memref<50176xf32, #tpu.memory_space<vmem>>, vector<16xf32>,
      %add3A_83 = arith.addf %add3A_73, %get3A_82 : vector<16xf32>
      %add3A_84 = arith.constant 29792 : i32
      %add3A_85 = arith.addi %add3A_84, %add3A_53 : i32
      %get3A_86 = arith.index_cast %add3A_85 : i32 to index
      %get3A_87 = tpu.vector_load %arg7[%get3A_86] {strides = array<i32>} : memref<50176xf32, #tpu.memory_space<vmem>>, vector<16xf32>,
      %add3A_88 = arith.addf %add3A_78, %get3A_87 : vector<16xf32>
      %add3A_89 = arith.constant 6272 : i32
      %add3A_90 = arith.addi %add3A_89, %add3A_53 : i32
      %get3A_91 = arith.index_cast %add3A_90 : i32 to index
      %get3A_92 = tpu.vector_load %arg7[%get3A_91] {strides = array<i32>} : memref<50176xf32, #tpu.memory_space<vmem>>, vector<16xf32>,
      %add3A_93 = arith.addf %add3A_83, %get3A_92 : vector<16xf32>
      %add3A_94 = arith.constant 31360 : i32
      %add3A_95 = arith.addi %add3A_94, %add3A_53 : i32
      %get3A_96 = arith.index_cast %add3A_95 : i32 to index
      %get3A_97 = tpu.vector_load %arg7[%get3A_96] {strides = array<i32>} : memref<50176xf32, #tpu.memory_space<vmem>>, vector<16xf32>,
      %add3A_98 = arith.addf %add3A_88, %get3A_97 : vector<16xf32>
      %add3A_99 = arith.constant 7840 : i32
      %add3A_100 = arith.addi %add3A_99, %add3A_53 : i32
      %get3A_101 = arith.index_cast %add3A_100 : i32 to index
      %get3A_102 = tpu.vector_load %arg7[%get3A_101] {strides = array<i32>} : memref<50176xf32, #tpu.memory_space<vmem>>, vector<16xf32>,
      %add3A_103 = arith.addf %add3A_93, %get3A_102 : vector<16xf32>
      %add3A_104 = arith.constant 32928 : i32
      %add3A_105 = arith.addi %add3A_104, %add3A_53 : i32
      %get3A_106 = arith.index_cast %add3A_105 : i32 to index
      %get3A_107 = tpu.vector_load %arg7[%get3A_106] {strides = array<i32>} : memref<50176xf32, #tpu.memory_space<vmem>>, vector<16xf32>,
      %add3A_108 = arith.addf %add3A_98, %get3A_107 : vector<16xf32>
      %add3A_109 = arith.constant 9408 : i32
      %add3A_110 = arith.addi %add3A_109, %add3A_53 : i32
      %get3A_111 = arith.index_cast %add3A_110 : i32 to index
      %get3A_112 = tpu.vector_load %arg7[%get3A_111] {strides = array<i32>} : memref<50176xf32, #tpu.memory_space<vmem>>, vector<16xf32>,
      %add3A_113 = arith.addf %add3A_103, %get3A_112 : vector<16xf32>
      %add3A_114 = arith.constant 34496 : i32
      %add3A_115 = arith.addi %add3A_114, %add3A_53 : i32
      %get3A_116 = arith.index_cast %add3A_115 : i32 to index
      %get3A_117 = tpu.vector_load %arg7[%get3A_116] {strides = array<i32>} : memref<50176xf32, #tpu.memory_space<vmem>>, vector<16xf32>,
      %add3A_118 = arith.addf %add3A_108, %get3A_117 : vector<16xf32>
      %add3A_119 = arith.constant 10976 : i32
      %add3A_120 = arith.addi %add3A_119, %add3A_53 : i32
      %get3A_121 = arith.index_cast %add3A_120 : i32 to index
      %get3A_122 = tpu.vector_load %arg7[%get3A_121] {strides = array<i32>} : memref<50176xf32, #tpu.memory_space<vmem>>, vector<16xf32>,
      %add3A_123 = arith.addf %add3A_113, %get3A_122 : vector<16xf32>
      %add3A_124 = arith.constant 36064 : i32
      %add3A_125 = arith.addi %add3A_124, %add3A_53 : i32
      %get3A_126 = arith.index_cast %add3A_125 : i32 to index
      %get3A_127 = tpu.vector_load %arg7[%get3A_126] {strides = array<i32>} : memref<50176xf32, #tpu.memory_space<vmem>>, vector<16xf32>,
      %add3A_128 = arith.addf %add3A_118, %get3A_127 : vector<16xf32>
      %add3A_129 = arith.constant 12544 : i32
      %add3A_130 = arith.addi %add3A_129, %add3A_53 : i32
      %get3A_131 = arith.index_cast %add3A_130 : i32 to index
      %get3A_132 = tpu.vector_load %arg7[%get3A_131] {strides = array<i32>} : memref<50176xf32, #tpu.memory_space<vmem>>, vector<16xf32>,
      %add3A_133 = arith.addf %add3A_123, %get3A_132 : vector<16xf32>
      %add3A_134 = arith.constant 37632 : i32
      %add3A_135 = arith.addi %add3A_134, %add3A_53 : i32
      %get3A_136 = arith.index_cast %add3A_135 : i32 to index
      %get3A_137 = tpu.vector_load %arg7[%get3A_136] {strides = array<i32>} : memref<50176xf32, #tpu.memory_space<vmem>>, vector<16xf32>,
      %add3A_138 = arith.addf %add3A_128, %get3A_137 : vector<16xf32>
      %add3A_139 = arith.constant 14112 : i32
      %add3A_140 = arith.addi %add3A_139, %add3A_53 : i32
      %get3A_141 = arith.index_cast %add3A_140 : i32 to index
      %get3A_142 = tpu.vector_load %arg7[%get3A_141] {strides = array<i32>} : memref<50176xf32, #tpu.memory_space<vmem>>, vector<16xf32>,
      %add3A_143 = arith.addf %add3A_133, %get3A_142 : vector<16xf32>
      %add3A_144 = arith.constant 39200 : i32
      %add3A_145 = arith.addi %add3A_144, %add3A_53 : i32
      %get3A_146 = arith.index_cast %add3A_145 : i32 to index
      %get3A_147 = tpu.vector_load %arg7[%get3A_146] {strides = array<i32>} : memref<50176xf32, #tpu.memory_space<vmem>>, vector<16xf32>,
      %add3A_148 = arith.addf %add3A_138, %get3A_147 : vector<16xf32>
      %add3A_149 = arith.constant 15680 : i32
      %add3A_150 = arith.addi %add3A_149, %add3A_53 : i32
      %get3A_151 = arith.index_cast %add3A_150 : i32 to index
      %get3A_152 = tpu.vector_load %arg7[%get3A_151] {strides = array<i32>} : memref<50176xf32, #tpu.memory_space<vmem>>, vector<16xf32>,
      %add3A_153 = arith.addf %add3A_143, %get3A_152 : vector<16xf32>
      %add3A_154 = arith.constant 40768 : i32
      %add3A_155 = arith.addi %add3A_154, %add3A_53 : i32
      %get3A_156 = arith.index_cast %add3A_155 : i32 to index
      %get3A_157 = tpu.vector_load %arg7[%get3A_156] {strides = array<i32>} : memref<50176xf32, #tpu.memory_space<vmem>>, vector<16xf32>,
      %add3A_158 = arith.addf %add3A_148, %get3A_157 : vector<16xf32>
      %add3A_159 = arith.constant 17248 : i32
      %add3A_160 = arith.addi %add3A_159, %add3A_53 : i32
      %get3A_161 = arith.index_cast %add3A_160 : i32 to index
      %get3A_162 = tpu.vector_load %arg7[%get3A_161] {strides = array<i32>} : memref<50176xf32, #tpu.memory_space<vmem>>, vector<16xf32>,
      %add3A_163 = arith.addf %add3A_153, %get3A_162 : vector<16xf32>
      %add3A_164 = arith.constant 42336 : i32
      %add3A_165 = arith.addi %add3A_164, %add3A_53 : i32
      %get3A_166 = arith.index_cast %add3A_165 : i32 to index
      %get3A_167 = tpu.vector_load %arg7[%get3A_166] {strides = array<i32>} : memref<50176xf32, #tpu.memory_space<vmem>>, vector<16xf32>,
      %add3A_168 = arith.addf %add3A_158, %get3A_167 : vector<16xf32>
      %add3A_169 = arith.constant 18816 : i32
      %add3A_170 = arith.addi %add3A_169, %add3A_53 : i32
      %get3A_171 = arith.index_cast %add3A_170 : i32 to index
      %get3A_172 = tpu.vector_load %arg7[%get3A_171] {strides = array<i32>} : memref<50176xf32, #tpu.memory_space<vmem>>, vector<16xf32>,
      %add3A_173 = arith.addf %add3A_163, %get3A_172 : vector<16xf32>
      %add3A_174 = arith.constant 43904 : i32
      %add3A_175 = arith.addi %add3A_174, %add3A_53 : i32
      %get3A_176 = arith.index_cast %add3A_175 : i32 to index
      %get3A_177 = tpu.vector_load %arg7[%get3A_176] {strides = array<i32>} : memref<50176xf32, #tpu.memory_space<vmem>>, vector<16xf32>,
      %add3A_178 = arith.addf %add3A_168, %get3A_177 : vector<16xf32>
      %add3A_179 = arith.constant 20384 : i32
      %add3A_180 = arith.addi %add3A_179, %add3A_53 : i32
      %get3A_181 = arith.index_cast %add3A_180 : i32 to index
      %get3A_182 = tpu.vector_load %arg7[%get3A_181] {strides = array<i32>} : memref<50176xf32, #tpu.memory_space<vmem>>, vector<16xf32>,
      %add3A_183 = arith.addf %add3A_173, %get3A_182 : vector<16xf32>
      %add3A_184 = arith.constant 45472 : i32
      %add3A_185 = arith.addi %add3A_184, %add3A_53 : i32
      %get3A_186 = arith.index_cast %add3A_185 : i32 to index
      %get3A_187 = tpu.vector_load %arg7[%get3A_186] {strides = array<i32>} : memref<50176xf32, #tpu.memory_space<vmem>>, vector<16xf32>,
      %add3A_188 = arith.addf %add3A_178, %get3A_187 : vector<16xf32>
      %add3A_189 = arith.constant 21952 : i32
      %add3A_190 = arith.addi %add3A_189, %add3A_53 : i32
      %get3A_191 = arith.index_cast %add3A_190 : i32 to index
      %get3A_192 = tpu.vector_load %arg7[%get3A_191] {strides = array<i32>} : memref<50176xf32, #tpu.memory_space<vmem>>, vector<16xf32>,
      %add3A_193 = arith.addf %add3A_183, %get3A_192 : vector<16xf32>
      %add3A_194 = arith.constant 47040 : i32
      %add3A_195 = arith.addi %add3A_194, %add3A_53 : i32
      %get3A_196 = arith.index_cast %add3A_195 : i32 to index
      %get3A_197 = tpu.vector_load %arg7[%get3A_196] {strides = array<i32>} : memref<50176xf32, #tpu.memory_space<vmem>>, vector<16xf32>,
      %add3A_198 = arith.addf %add3A_188, %get3A_197 : vector<16xf32>
      %add3A_199 = arith.constant 23520 : i32
      %add3A_200 = arith.addi %add3A_199, %add3A_53 : i32
      %get3A_201 = arith.index_cast %add3A_200 : i32 to index
      %get3A_202 = tpu.vector_load %arg7[%get3A_201] {strides = array<i32>} : memref<50176xf32, #tpu.memory_space<vmem>>, vector<16xf32>,
      %add3A_203 = arith.addf %add3A_193, %get3A_202 : vector<16xf32>
      %add3A_204 = arith.constant 48608 : i32
      %add3A_205 = arith.addi %add3A_204, %add3A_53 : i32
      %get3A_206 = arith.index_cast %add3A_205 : i32 to index
      %get3A_207 = tpu.vector_load %arg7[%get3A_206] {strides = array<i32>} : memref<50176xf32, #tpu.memory_space<vmem>>, vector<16xf32>,
      %add3A_208 = arith.addf %add3A_198, %get3A_207 : vector<16xf32>
      %get3A_209 = arith.index_cast %add3A_53 : i32 to index
      %get3A_210 = tpu.vector_load %arg10[%get3A_209] {strides = array<i32>} : memref<1568xf32, #tpu.memory_space<vmem>>, vector<16xf32>,
      %get3A_211 = arith.index_cast %add3A_53 : i32 to index
      %get3A_212 = tpu.vector_load %arg8[%get3A_211] {strides = array<i32>} : memref<1568xf32, #tpu.memory_space<vmem>>, vector<16xf32>,
      %add3A_213 = arith.addf %add3A_203, %get3A_212 : vector<16xf32>
      %mul3A_214 = arith.mulf %get3A_210, %add3A_213 : vector<16xf32>
      %get3A_215 = arith.index_cast %add3A_53 : i32 to index
      %get3A_216 = tpu.vector_load %arg9[%get3A_215] {strides = array<i32>} : memref<1568xf32, #tpu.memory_space<vmem>>, vector<16xf32>,
      %add3A_217 = arith.addf %add3A_208, %get3A_216 : vector<16xf32>
      %mul3A_218 = arith.mulf %get3A_210, %add3A_217 : vector<16xf32>
      %get3A_219 = arith.index_cast %add3A_53 : i32 to index
      %get3A_220 = tpu.vector_load %arg11[%get3A_219] {strides = array<i32>} : memref<1568xi32, #tpu.memory_space<vmem>>, vector<16xi32>,
      tpu.vector_store_idx %arg12[%get3A_220], %mul3A_214 {add = true} : memref<640xf32, #tpu.memory_space<vmem>>[vector<16xi32>], vector<16xf32>,
      tpu.vector_store_idx %arg13[%get3A_220], %mul3A_218 {add = true} : memref<640xf32, #tpu.memory_space<vmem>>[vector<16xi32>], vector<16xf32>,
      tpu.vector_store_idx %arg14[%get3A_220], %broadcast_in_dim3A_35 {add = true} : memref<640xf32, #tpu.memory_space<vmem>>[vector<16xi32>], vector<16xf32>,
    }
    %scan3A_40 = arith.constant 98 : i32
    %mul3A_41 = arith.constant 3 : i32
    %mul3A_42 = arith.muli %add3A, %mul3A_41 : i32
    %mul3A_43 = arith.constant 640 : i32
    %mul3A_44 = arith.muli %mul3A_42, %mul3A_43 : i32
    "tpu.region"() ({
      %run_scoped3A = tpu.sem_alloc : memref<!tpu.dma_semaphore, #tpu.memory_space<semaphore_mem>>
      %dma_start3A_49 = tpu.memref_slice %arg6[%mul3A_44] : memref<61440xf32, #tpu.memory_space<hbm>> -> memref<640xf32, #tpu.memory_space<hbm>>
      %dma_start3A_50 = tpu.memref_slice %arg6[%mul3A_44] : memref<61440xf32, #tpu.memory_space<hbm>> -> memref<640xf32, #tpu.memory_space<hbm>>
      tpu.enqueue_dma source(%arg12 : memref<640xf32, #tpu.memory_space<vmem>>) target(%dma_start3A_50 : memref<640xf32, #tpu.memory_space<hbm>>) target_semaphore(%run_scoped3A : memref<!tpu.dma_semaphore, #tpu.memory_space<semaphore_mem>>)
      %dma_wait3A_51 = tpu.memref_slice %arg6[%mul3A_44] : memref<61440xf32, #tpu.memory_space<hbm>> -> memref<640xf32, #tpu.memory_space<hbm>>
      %dma_wait3A_52 = tpu.memref_slice %arg6[%mul3A_44] : memref<61440xf32, #tpu.memory_space<hbm>> -> memref<640xf32, #tpu.memory_space<hbm>>
      tpu.wait_dma2 semaphore(%run_scoped3A : memref<!tpu.dma_semaphore, #tpu.memory_space<semaphore_mem>>) src(%arg12 : memref<640xf32, #tpu.memory_space<vmem>>) dst(%dma_wait3A_52 : memref<640xf32, #tpu.memory_space<hbm>>)
      tpu.yield
    }) : () -> ()
    %add3A_45 = arith.constant 640 : i32
    %add3A_46 = arith.addi %mul3A_44, %add3A_45 : i32
    "tpu.region"() ({
      %run_scoped3A = tpu.sem_alloc : memref<!tpu.dma_semaphore, #tpu.memory_space<semaphore_mem>>
      %dma_start3A_49 = tpu.memref_slice %arg6[%add3A_46] : memref<61440xf32, #tpu.memory_space<hbm>> -> memref<640xf32, #tpu.memory_space<hbm>>
      %dma_start3A_50 = tpu.memref_slice %arg6[%add3A_46] : memref<61440xf32, #tpu.memory_space<hbm>> -> memref<640xf32, #tpu.memory_space<hbm>>
      tpu.enqueue_dma source(%arg13 : memref<640xf32, #tpu.memory_space<vmem>>) target(%dma_start3A_50 : memref<640xf32, #tpu.memory_space<hbm>>) target_semaphore(%run_scoped3A : memref<!tpu.dma_semaphore, #tpu.memory_space<semaphore_mem>>)
      %dma_wait3A_51 = tpu.memref_slice %arg6[%add3A_46] : memref<61440xf32, #tpu.memory_space<hbm>> -> memref<640xf32, #tpu.memory_space<hbm>>
      %dma_wait3A_52 = tpu.memref_slice %arg6[%add3A_46] : memref<61440xf32, #tpu.memory_space<hbm>> -> memref<640xf32, #tpu.memory_space<hbm>>
      tpu.wait_dma2 semaphore(%run_scoped3A : memref<!tpu.dma_semaphore, #tpu.memory_space<semaphore_mem>>) src(%arg13 : memref<640xf32, #tpu.memory_space<vmem>>) dst(%dma_wait3A_52 : memref<640xf32, #tpu.memory_space<hbm>>)
      tpu.yield
    }) : () -> ()
    %add3A_47 = arith.constant 1280 : i32
    %add3A_48 = arith.addi %mul3A_44, %add3A_47 : i32
    "tpu.region"() ({
      %run_scoped3A = tpu.sem_alloc : memref<!tpu.dma_semaphore, #tpu.memory_space<semaphore_mem>>
      %dma_start3A_49 = tpu.memref_slice %arg6[%add3A_48] : memref<61440xf32, #tpu.memory_space<hbm>> -> memref<640xf32, #tpu.memory_space<hbm>>
      %dma_start3A_50 = tpu.memref_slice %arg6[%add3A_48] : memref<61440xf32, #tpu.memory_space<hbm>> -> memref<640xf32, #tpu.memory_space<hbm>>
      tpu.enqueue_dma source(%arg14 : memref<640xf32, #tpu.memory_space<vmem>>) target(%dma_start3A_50 : memref<640xf32, #tpu.memory_space<hbm>>) target_semaphore(%run_scoped3A : memref<!tpu.dma_semaphore, #tpu.memory_space<semaphore_mem>>)
      %dma_wait3A_51 = tpu.memref_slice %arg6[%add3A_48] : memref<61440xf32, #tpu.memory_space<hbm>> -> memref<640xf32, #tpu.memory_space<hbm>>
      %dma_wait3A_52 = tpu.memref_slice %arg6[%add3A_48] : memref<61440xf32, #tpu.memory_space<hbm>> -> memref<640xf32, #tpu.memory_space<hbm>>
      tpu.wait_dma2 semaphore(%run_scoped3A : memref<!tpu.dma_semaphore, #tpu.memory_space<semaphore_mem>>) src(%arg14 : memref<640xf32, #tpu.memory_space<vmem>>) dst(%dma_wait3A_52 : memref<640xf32, #tpu.memory_space<hbm>>)
      tpu.yield
    }) : () -> ()
    return
  }
}

module attributes {stable_mosaic.version = 14 : i64} {
  func.func @_tcB_body(%arg0: memref<32x392x128xf32, #tpu.memory_space<vmem>>, %arg1: memref<392x128xf32, #tpu.memory_space<vmem>>, %arg2: memref<392x128xf32, #tpu.memory_space<vmem>>, %arg3: memref<392x128xf32, #tpu.memory_space<vmem>>) attributes {dimension_semantics = [], scalar_prefetch = 0 : i64, scratch_operands = 0 : i64, tpu.core_type = #tpu.core_type<tc>} {
    %get3A = arith.constant 0 : index
    %get3A_0 = arith.constant 0 : index
    %get3A_1 = arith.constant 0 : index
    %get3A_2 = vector.load %arg0[%get3A, %get3A_0, %get3A_1] : memref<32x392x128xf32, #tpu.memory_space<vmem>>, vector<32x392x128xf32>
    %reduce_sum3A = arith.constant dense<0.000000e+00> : vector<392x128xf32>
    %reduce_sum3A_3 = vector.multi_reduction <add>, %get3A_2, %reduce_sum3A [0] : vector<32x392x128xf32> to vector<392x128xf32>
    %add3A = arith.constant 1.000000e+00 : f32
    %add3A_4 = vector.broadcast %add3A : f32 to vector<392x128xf32>
    %add3A_5 = arith.addf %reduce_sum3A_3, %add3A_4 : vector<392x128xf32>
    %rsqrt3A = math.rsqrt %add3A_5 : vector<392x128xf32>
    %swap3A = arith.constant 0 : index
    %swap3A_6 = arith.constant 0 : index
    %swap3A_7 = vector.load %arg2[%swap3A, %swap3A_6] : memref<392x128xf32, #tpu.memory_space<vmem>>, vector<392x128xf32>
    tpu.vector_store %arg2[%swap3A, %swap3A_6], %rsqrt3A {strides = array<i32>} : memref<392x128xf32, #tpu.memory_space<vmem>>, vector<392x128xf32>,
    %get3A_8 = arith.constant 0 : index
    %get3A_9 = arith.constant 0 : index
    %get3A_10 = vector.load %arg1[%get3A_8, %get3A_9] : memref<392x128xf32, #tpu.memory_space<vmem>>, vector<392x128xf32>
    %mul3A = arith.mulf %get3A_10, %rsqrt3A : vector<392x128xf32>
    %swap3A_11 = arith.constant 0 : index
    %swap3A_12 = arith.constant 0 : index
    %swap3A_13 = vector.load %arg3[%swap3A_11, %swap3A_12] : memref<392x128xf32, #tpu.memory_space<vmem>>, vector<392x128xf32>
    tpu.vector_store %arg3[%swap3A_11, %swap3A_12], %mul3A {strides = array<i32>} : memref<392x128xf32, #tpu.memory_space<vmem>>, vector<392x128xf32>,
    return
  }
}

module attributes {stable_mosaic.version = 14 : i64} {
  func.func @_tcD_body(%arg0: memref<32x392x128xf32, #tpu.memory_space<vmem>>, %arg1: memref<392x128xf32, #tpu.memory_space<vmem>>, %arg2: memref<392x128xf32, #tpu.memory_space<vmem>>, %arg3: memref<2x392x128xf32, #tpu.memory_space<vmem>>) attributes {dimension_semantics = [], scalar_prefetch = 0 : i64, scratch_operands = 0 : i64, tpu.core_type = #tpu.core_type<tc>} {
    %get3A = arith.constant 0 : index
    %get3A_0 = arith.constant 0 : index
    %get3A_1 = arith.constant 0 : index
    %get3A_2 = vector.load %arg0[%get3A, %get3A_0, %get3A_1] : memref<32x392x128xf32, #tpu.memory_space<vmem>>, vector<32x392x128xf32>
    %reduce_sum3A = arith.constant dense<0.000000e+00> : vector<392x128xf32>
    %reduce_sum3A_3 = vector.multi_reduction <add>, %get3A_2, %reduce_sum3A [0] : vector<32x392x128xf32> to vector<392x128xf32>
    %get3A_4 = arith.constant 0 : index
    %get3A_5 = arith.constant 0 : index
    %get3A_6 = vector.load %arg2[%get3A_4, %get3A_5] : memref<392x128xf32, #tpu.memory_space<vmem>>, vector<392x128xf32>
    %get3A_7 = arith.constant 0 : index
    %get3A_8 = arith.constant 0 : index
    %get3A_9 = vector.load %arg1[%get3A_7, %get3A_8] : memref<392x128xf32, #tpu.memory_space<vmem>>, vector<392x128xf32>
    %add3A = arith.addf %reduce_sum3A_3, %get3A_9 : vector<392x128xf32>
    %mul3A = arith.mulf %get3A_6, %add3A : vector<392x128xf32>
    %max3A = arith.constant 0.000000e+00 : f32
    %max3A_10 = vector.broadcast %max3A : f32 to vector<392x128xf32>
    %max3A_11 = arith.maximumf %mul3A, %max3A_10 : vector<392x128xf32>
    %mul3A_12 = arith.mulf %get3A_6, %max3A_11 : vector<392x128xf32>
    %swap3A = arith.constant 0 : index
    %swap3A_13 = arith.constant 0 : index
    %swap3A_14 = arith.constant 0 : index
    %swap3A_15 = vector.load %arg3[%swap3A, %swap3A_13, %swap3A_14] : memref<2x392x128xf32, #tpu.memory_space<vmem>>, vector<1x392x128xf32>
    %swap3A_16 = vector.shape_cast %swap3A_15 : vector<1x392x128xf32> to vector<392x128xf32>
    %swap3A_17 = vector.shape_cast %mul3A_12 : vector<392x128xf32> to vector<1x392x128xf32>
    tpu.vector_store %arg3[%swap3A, %swap3A_13, %swap3A_14], %swap3A_17 {strides = array<i32>} : memref<2x392x128xf32, #tpu.memory_space<vmem>>, vector<1x392x128xf32>,
    %neg3A = arith.constant 0.000000e+00 : f32
    %neg3A_18 = vector.broadcast %neg3A : f32 to vector<392x128xf32>
    %neg3A_19 = arith.subf %neg3A_18, %mul3A : vector<392x128xf32>
    %max3A_20 = arith.constant 0.000000e+00 : f32
    %max3A_21 = vector.broadcast %max3A_20 : f32 to vector<392x128xf32>
    %max3A_22 = arith.maximumf %neg3A_19, %max3A_21 : vector<392x128xf32>
    %mul3A_23 = arith.mulf %get3A_6, %max3A_22 : vector<392x128xf32>
    %swap3A_24 = arith.constant 1 : index
    %swap3A_25 = arith.constant 0 : index
    %swap3A_26 = arith.constant 0 : index
    %swap3A_27 = vector.load %arg3[%swap3A_24, %swap3A_25, %swap3A_26] : memref<2x392x128xf32, #tpu.memory_space<vmem>>, vector<1x392x128xf32>
    %swap3A_28 = vector.shape_cast %swap3A_27 : vector<1x392x128xf32> to vector<392x128xf32>
    %swap3A_29 = vector.shape_cast %mul3A_23 : vector<392x128xf32> to vector<1x392x128xf32>
    tpu.vector_store %arg3[%swap3A_24, %swap3A_25, %swap3A_26], %swap3A_29 {strides = array<i32>} : memref<2x392x128xf32, #tpu.memory_space<vmem>>, vector<1x392x128xf32>,
    return
  }
}

module attributes {stable_mosaic.version = 14 : i64} {
  func.func @_tcF_body(%arg0: memref<32x3x640xf32, #tpu.memory_space<vmem>>, %arg1: memref<1x64xf32, #tpu.memory_space<vmem>>, %arg2: memref<64x64xf32, #tpu.memory_space<vmem>>, %arg3: memref<64x32xf32, #tpu.memory_space<vmem>>, %arg4: memref<32x1xf32, #tpu.memory_space<vmem>>, %arg5: memref<1x64xf32, #tpu.memory_space<vmem>>, %arg6: memref<32x1xf32, #tpu.memory_space<vmem>>, %arg7: memref<1x1xf32, #tpu.memory_space<vmem>>, %arg8: memref<1x512xf32, #tpu.memory_space<vmem>>) attributes {dimension_semantics = [], scalar_prefetch = 0 : i64, scratch_operands = 0 : i64, tpu.core_type = #tpu.core_type<tc>} {
    %get3A = arith.constant 0 : index
    %get3A_0 = arith.constant 0 : index
    %get3A_1 = arith.constant 0 : index
    %get3A_2 = vector.load %arg0[%get3A, %get3A_0, %get3A_1] : memref<32x3x640xf32, #tpu.memory_space<vmem>>, vector<32x3x640xf32>
    %reduce_sum3A = arith.constant dense<0.000000e+00> : vector<3x640xf32>
    %reduce_sum3A_3 = vector.multi_reduction <add>, %get3A_2, %reduce_sum3A [0] : vector<32x3x640xf32> to vector<3x640xf32>
    %slice3A = vector.extract_strided_slice %reduce_sum3A_3 {offsets = [0, 0], sizes = [1, 512], strides = [1, 1]} : vector<3x640xf32> to vector<1x512xf32>
    %slice3A_4 = vector.extract_strided_slice %reduce_sum3A_3 {offsets = [1, 0], sizes = [1, 512], strides = [1, 1]} : vector<3x640xf32> to vector<1x512xf32>
    %slice3A_5 = vector.extract_strided_slice %reduce_sum3A_3 {offsets = [2, 0], sizes = [1, 512], strides = [1, 1]} : vector<3x640xf32> to vector<1x512xf32>
    %max3A = arith.constant 1.000000e+00 : f32
    %max3A_6 = vector.broadcast %max3A : f32 to vector<1x512xf32>
    %max3A_7 = arith.maximumf %slice3A_5, %max3A_6 : vector<1x512xf32>
    %div3A = arith.constant 1.000000e+00 : f32
    %div3A_8 = vector.broadcast %div3A : f32 to vector<1x512xf32>
    %div3A_9 = arith.divf %div3A_8, %max3A_7 : vector<1x512xf32>
    %mul3A = arith.mulf %slice3A, %div3A_9 : vector<1x512xf32>
    %mul3A_10 = arith.mulf %slice3A_4, %div3A_9 : vector<1x512xf32>
    %min3A = arith.constant 1.000000e+00 : f32
    %min3A_11 = vector.broadcast %min3A : f32 to vector<1x512xf32>
    %min3A_12 = arith.minimumf %slice3A_5, %min3A_11 : vector<1x512xf32>
    %get3A_13 = arith.constant 0 : index
    %get3A_14 = arith.constant 0 : index
    %get3A_15 = vector.load %arg1[%get3A_13, %get3A_14] : memref<1x64xf32, #tpu.memory_space<vmem>>, vector<1x64xf32>
    %max3A_16 = arith.constant 0.000000e+00 : f32
    %max3A_17 = vector.broadcast %max3A_16 : f32 to vector<1x64xf32>
    %max3A_18 = arith.maximumf %get3A_15, %max3A_17 : vector<1x64xf32>
    %get3A_19 = arith.constant 0 : index
    %get3A_20 = arith.constant 0 : index
    %get3A_21 = vector.load %arg1[%get3A_19, %get3A_20] : memref<1x64xf32, #tpu.memory_space<vmem>>, vector<1x64xf32>
    %neg3A = arith.constant 0.000000e+00 : f32
    %neg3A_22 = vector.broadcast %neg3A : f32 to vector<1x64xf32>
    %neg3A_23 = arith.subf %neg3A_22, %get3A_21 : vector<1x64xf32>
    %max3A_24 = arith.constant 0.000000e+00 : f32
    %max3A_25 = vector.broadcast %max3A_24 : f32 to vector<1x64xf32>
    %max3A_26 = arith.maximumf %neg3A_23, %max3A_25 : vector<1x64xf32>
    %get3A_27 = arith.constant 0 : index
    %get3A_28 = arith.constant 0 : index
    %get3A_29 = vector.load %arg2[%get3A_27, %get3A_28] : memref<64x64xf32, #tpu.memory_space<vmem>>, vector<64x64xf32>
    %dot_general3A = arith.constant dense<0.000000e+00> : vector<1x64xf32>
    %dot_general3A_30 = tpu.matmul %max3A_18, %get3A_29, %dot_general3A {dimension_numbers = #tpu.dot_dimension_numbers<[1], [0], [0], [1], [0, 0, 1, 1], [], []>, precision = #tpu.contract_precision<fp32>, transpose_lhs_hint = false} : vector<1x64xf32>, vector<64x64xf32>, vector<1x64xf32> -> vector<1x64xf32>
    %get3A_31 = arith.constant 0 : index
    %get3A_32 = arith.constant 0 : index
    %get3A_33 = vector.load %arg2[%get3A_31, %get3A_32] : memref<64x64xf32, #tpu.memory_space<vmem>>, vector<64x64xf32>
    %dot_general3A_34 = arith.constant dense<0.000000e+00> : vector<1x64xf32>
    %dot_general3A_35 = tpu.matmul %max3A_26, %get3A_33, %dot_general3A_34 {dimension_numbers = #tpu.dot_dimension_numbers<[1], [0], [0], [1], [0, 0, 1, 1], [], []>, precision = #tpu.contract_precision<fp32>, transpose_lhs_hint = false} : vector<1x64xf32>, vector<64x64xf32>, vector<1x64xf32> -> vector<1x64xf32>
    %get3A_36 = arith.constant 0 : index
    %get3A_37 = arith.constant 0 : index
    %get3A_38 = vector.load %arg3[%get3A_36, %get3A_37] : memref<64x32xf32, #tpu.memory_space<vmem>>, vector<64x32xf32>
    %dot_general3A_39 = arith.constant dense<0.000000e+00> : vector<32x1xf32>
    %dot_general3A_40 = tpu.matmul %get3A_38, %dot_general3A_30, %dot_general3A_39 {dimension_numbers = #tpu.dot_dimension_numbers<[0], [1], [1], [0], [0, 1, 1, 0], [], []>, precision = #tpu.contract_precision<fp32>, transpose_lhs_hint = false} : vector<64x32xf32>, vector<1x64xf32>, vector<32x1xf32> -> vector<32x1xf32>
    %get3A_41 = arith.constant 0 : index
    %get3A_42 = arith.constant 0 : index
    %get3A_43 = vector.load %arg3[%get3A_41, %get3A_42] : memref<64x32xf32, #tpu.memory_space<vmem>>, vector<64x32xf32>
    %dot_general3A_44 = arith.constant dense<0.000000e+00> : vector<32x1xf32>
    %dot_general3A_45 = tpu.matmul %get3A_43, %dot_general3A_35, %dot_general3A_44 {dimension_numbers = #tpu.dot_dimension_numbers<[0], [1], [1], [0], [0, 1, 1, 0], [], []>, precision = #tpu.contract_precision<fp32>, transpose_lhs_hint = false} : vector<64x32xf32>, vector<1x64xf32>, vector<32x1xf32> -> vector<32x1xf32>
    %get3A_46 = arith.constant 0 : index
    %get3A_47 = arith.constant 0 : index
    %get3A_48 = vector.load %arg3[%get3A_46, %get3A_47] : memref<64x32xf32, #tpu.memory_space<vmem>>, vector<64x32xf32>
    %get3A_49 = arith.constant 0 : index
    %get3A_50 = arith.constant 0 : index
    %get3A_51 = vector.load %arg5[%get3A_49, %get3A_50] : memref<1x64xf32, #tpu.memory_space<vmem>>, vector<1x64xf32>
    %dot_general3A_52 = arith.constant dense<0.000000e+00> : vector<32x1xf32>
    %dot_general3A_53 = tpu.matmul %get3A_48, %get3A_51, %dot_general3A_52 {dimension_numbers = #tpu.dot_dimension_numbers<[0], [1], [1], [0], [0, 1, 1, 0], [], []>, precision = #tpu.contract_precision<fp32>, transpose_lhs_hint = false} : vector<64x32xf32>, vector<1x64xf32>, vector<32x1xf32> -> vector<32x1xf32>
    %mul3A_54 = vector.broadcast %dot_general3A_40 : vector<32x1xf32> to vector<32x512xf32>
    %mul3A_55 = vector.broadcast %mul3A : vector<1x512xf32> to vector<32x512xf32>
    %mul3A_56 = arith.mulf %mul3A_54, %mul3A_55 : vector<32x512xf32>
    %mul3A_57 = vector.broadcast %dot_general3A_45 : vector<32x1xf32> to vector<32x512xf32>
    %mul3A_58 = vector.broadcast %mul3A_10 : vector<1x512xf32> to vector<32x512xf32>
    %mul3A_59 = arith.mulf %mul3A_57, %mul3A_58 : vector<32x512xf32>
    %add3A = arith.addf %mul3A_56, %mul3A_59 : vector<32x512xf32>
    %mul3A_60 = vector.broadcast %dot_general3A_53 : vector<32x1xf32> to vector<32x512xf32>
    %mul3A_61 = vector.broadcast %min3A_12 : vector<1x512xf32> to vector<32x512xf32>
    %mul3A_62 = arith.mulf %mul3A_60, %mul3A_61 : vector<32x512xf32>
    %add3A_63 = arith.addf %add3A, %mul3A_62 : vector<32x512xf32>
    %get3A_64 = arith.constant 0 : index
    %get3A_65 = arith.constant 0 : index
    %get3A_66 = vector.load %arg6[%get3A_64, %get3A_65] : memref<32x1xf32, #tpu.memory_space<vmem>>, vector<32x1xf32>
    %add3A_67 = vector.broadcast %get3A_66 : vector<32x1xf32> to vector<32x512xf32>
    %add3A_68 = arith.addf %add3A_63, %add3A_67 : vector<32x512xf32>
    %max3A_69 = arith.constant 0.000000e+00 : f32
    %max3A_70 = vector.broadcast %max3A_69 : f32 to vector<32x512xf32>
    %max3A_71 = arith.maximumf %add3A_68, %max3A_70 : vector<32x512xf32>
    %get3A_72 = arith.constant 0 : index
    %get3A_73 = arith.constant 0 : index
    %get3A_74 = vector.load %arg4[%get3A_72, %get3A_73] : memref<32x1xf32, #tpu.memory_space<vmem>>, vector<32x1xf32>
    %dot_general3A_75 = arith.constant dense<0.000000e+00> : vector<1x512xf32>
    %dot_general3A_76 = tpu.matmul %get3A_74, %max3A_71, %dot_general3A_75 {dimension_numbers = #tpu.dot_dimension_numbers<[0], [0], [1], [1], [0, 1, 1, 1], [], []>, precision = #tpu.contract_precision<fp32>, transpose_lhs_hint = false} : vector<32x1xf32>, vector<32x512xf32>, vector<1x512xf32> -> vector<1x512xf32>
    %get3A_77 = arith.constant 0 : index
    %get3A_78 = arith.constant 0 : index
    %get3A_79 = vector.load %arg7[%get3A_77, %get3A_78] : memref<1x1xf32, #tpu.memory_space<vmem>>, vector<1x1xf32>
    %add3A_80 = vector.broadcast %get3A_79 : vector<1x1xf32> to vector<1x512xf32>
    %add3A_81 = arith.addf %dot_general3A_76, %add3A_80 : vector<1x512xf32>
    %neg3A_82 = arith.constant 0.000000e+00 : f32
    %neg3A_83 = vector.broadcast %neg3A_82 : f32 to vector<1x512xf32>
    %neg3A_84 = arith.subf %neg3A_83, %add3A_81 : vector<1x512xf32>
    %exp3A = math.exp %neg3A_84 : vector<1x512xf32>
    %add3A_85 = arith.constant 1.000000e+00 : f32
    %add3A_86 = vector.broadcast %add3A_85 : f32 to vector<1x512xf32>
    %add3A_87 = arith.addf %add3A_86, %exp3A : vector<1x512xf32>
    %div3A_88 = arith.constant 1.000000e+00 : f32
    %div3A_89 = vector.broadcast %div3A_88 : f32 to vector<1x512xf32>
    %div3A_90 = arith.divf %div3A_89, %add3A_87 : vector<1x512xf32>
    %swap3A = arith.constant 0 : index
    %swap3A_91 = arith.constant 0 : index
    %swap3A_92 = vector.load %arg8[%swap3A, %swap3A_91] : memref<1x512xf32, #tpu.memory_space<vmem>>, vector<1x512xf32>
    tpu.vector_store %arg8[%swap3A, %swap3A_91], %div3A_90 {strides = array<i32>} : memref<1x512xf32, #tpu.memory_space<vmem>>, vector<1x512xf32>,
    return
  }
}

</mosaic_0001>

<sc_bundles>
// kernel: kernel.12.cloned.1.call-start
scs
__scs_entry_jumppad:
0x0: {  	(pc) =	sbr.rel $0x88, $3  }
0x1: {  	(tag) =	ssettag $0x0;
	lr =	simm.s32 $0x1  }
0x2: {  	[smem:$0x3F97] =	sst lr;
	_ =	strace $0xD0000000  }
0x3: {  	_ = 	snop  }
0x4: {  	_ = 	snop  }
0x5: {  	_ = 	snop  }
0x6: {  	_ = 	snop  }
0x7: {  	_ = 	snop  }
__scs_overlays_trampoline_lowered:
0x8: {  	[smem:$0x3FA6] =	sst s0  }
0x9: {  	[smem:$0x3FA7] =	sst s1  }
0xa: {  	[smem:$0x3FA8] =	sst s2  }
0xb: {  	[smem:$0x3FA9] =	sst s3  }
0xc: {  	[smem:$0x3FAA] =	sst s4  }
0xd: {  	[smem:$0x3FAB] =	sst s5  }
0xe: {  	[smem:$0x3FAC] =	sst s6  }
0xf: {  	[smem:$0x3FAD] =	sst s7  }
0x10: {  	[smem:$0x3FAE] =	sst s8  }
0x11: {  	[smem:$0x3FAF] =	sst s9;
	s0 =	simm.s32 @!p0 $0x0  }
0x12: {  	s1 =	sld [smem:$0x3F95];
	s0 =	simm.s32 @p0 $0x1  }
0x13: {  	[smem:$0x3FB0] =	sst s0;
	s0 =	simm.s32 @!p1 $0x0  }
0x14: {  	s2 =	sld [smem:$0x3F94];
	s0 =	simm.s32 @p1 $0x1  }
0x15: {  	[smem:$0x3FB1] =	sst s0;
	s0 =	simm.s32 @!p2 $0x0  }
0x16: {  	s3 =	sld [smem:$0x3FDB];
	s0 =	simm.s32 @p2 $0x1  }
0x17: {  	s4 =	simm.s32 $0x1BF5;
	[smem:$0x3FB3] =	sst s0  }
0x18: {  	s0 =	sld [smem:$0x3F96];
	_ =	swait.ge [sflag:s4], $0x0  }
0x19: {  	s7 =	sld [smem:$0x3F97]  }
0x1a: {  	s8 =	sadd.s32 $0xFFFFE003, lr  }
0x1b: {  	s9 =	sadd.s32 $0xFFFFFEF7, lr;
	s5 =	simm.s32 $0xFFFFFFFF;
	p2 =	slt.u32 s8, $0xFFFFF086  }
0x1c: {  	p1 =	slt.u32 s9, $0xF7A;
	s5 =	simm.s32 @!p2 $0x0  }
0x1d: {  	s5 =	simm.s32 @p1 $0x1;
	p0 =	seq.s32 s7, s2  }
0x1e: {  	s7 =	smul.u32 @!p0 $0xF7A, s2;
	p2 =	seq.s32 @!p0 s5, $0x0  }
0x1f: {  	s9 =	smul.u32 $0xF7A, s1;
	s8 =	simm.s32 @!p0 $0x1BF5;
	p2 =	por !p2, p0  }
0x20: {  	[sflag:s8] =	ssyncset.s32 @!p0 $0xFFFFF086;
	s6 =	sadd.s32 @!p0 s3, s7;
	s7 =	simm.s32 @!p0 $0x108  }
0x21: {  	s3 =	sadd.s32 s3, s9;
	s6 =	sadd.s32 @!p0 $0x88, s6;
	s7 =	simm.s32 @p2 $0x1082  }
0x22: {  	[simem:s7], [sflag:s8] =	dma.local @!p0 [hbm:s6], $0xF7A  }
0x23: {  	s9 =	sor.u32 $0xD0000000, s2;
	s6 =	simm.s32 $0x108;
	_ =	swait.ge @!p0 [sflag:s8], $0x0  }
0x24: {  	s3 =	sadd.s32 $0x88, s3;
	s6 =	simm.s32 @!p1 $0x1082;
	[sflag:s4] =	ssyncset.s32 $0xFFFFF086  }
0x25: {  	[simem:s6], [sflag:s4] =	dma.local [hbm:s3], $0xF7A  }
0x26: {  	[smem:$0x3F97] =	sst s1;
	(tag) =	ssettag s2;
	_ =	strace s9  }
0x27: {  	s1 =	sld [smem:$0x3FA7]  }
0x28: {  	s2 =	sld [smem:$0x3FA8]  }
0x29: {  	s4 =	sld [smem:$0x3FAA]  }
0x2a: {  	p0 =	seq.s32 s5, $0x0;
	s5 =	sld [smem:$0x3FAB]  }
0x2b: {  	s6 =	sld [smem:$0x3FAC]  }
0x2c: {  	s7 =	sld [smem:$0x3FAD]  }
0x2d: {  	s3 =	simm.s32 $0x108;
	s8 =	sld [smem:$0x3FAE]  }
0x2e: {  	s3 =	simm.s32 @!p0 $0x1082;
	s9 =	sld [smem:$0x3FAF]  }
0x2f: {  	lr =	sadd.s32 s0, s3;
	s0 =	sld [smem:$0x3FA6]  }
0x30: {  	s3 =	sld [smem:$0x3FA9]  }
0x31: {  	[smem:$0x3FB2] =	sst s10  }
0x32: {  	s10 =	sld [smem:$0x3FB0];
	_ =	sdelay $0x3  }
0x33: {  	p0 =	seq.s32 s10, $0x1;
	s10 =	sld [smem:$0x3FB2];
	_ =	sdelay $0x3  }
0x34: {  	[smem:$0x3FB2] =	sst s10  }
0x35: {  	s10 =	sld [smem:$0x3FB1];
	_ =	sdelay $0x3  }
0x36: {  	p1 =	seq.s32 s10, $0x1;
	s10 =	sld [smem:$0x3FB2];
	_ =	sdelay $0x3  }
0x37: {  	[smem:$0x3FB2] =	sst s10  }
0x38: {  	s10 =	sld [smem:$0x3FB3]  }
0x39: {  	_ = 	snop;
	(pc) =	sbr.ind lr, $3  }
0x3a: {  	_ = 	snop  }
0x3b: {  	_ = 	snop  }
0x3c: {  	p2 =	seq.s32 s10, $0x1;
	s10 =	sld [smem:$0x3FB2]  }
0x3d: {  	_ =	shalt  }
0x3e: {  	_ =	shalt  }
0x3f: {  	_ =	shalt  }
0x40: {  	_ =	shalt  }
0x41: {  	_ =	shalt  }
0x42: {  	_ =	shalt  }
0x43: {  	_ =	shalt  }
0x44: {  	_ =	shalt  }
0x45: {  	_ =	shalt  }
0x46: {  	_ =	shalt  }
0x47: {  	_ =	shalt  }
0x48: {  	_ =	shalt  }
0x49: {  	_ =	shalt  }
0x4a: {  	_ =	shalt  }
0x4b: {  	_ =	shalt  }
0x4c: {  	_ =	shalt  }
0x4d: {  	_ =	shalt  }
0x4e: {  	_ =	shalt  }
0x4f: {  	_ =	shalt  }
0x50: {  	_ =	shalt  }
0x51: {  	_ =	shalt  }
0x52: {  	_ =	shalt  }
0x53: {  	_ =	shalt  }
0x54: {  	_ =	shalt  }
0x55: {  	_ =	shalt  }
0x56: {  	_ =	shalt  }
0x57: {  	_ =	shalt  }
0x58: {  	_ =	shalt  }
0x59: {  	_ =	shalt  }
0x5a: {  	_ =	shalt  }
0x5b: {  	_ =	shalt  }
0x5c: {  	_ =	shalt  }
0x5d: {  	_ =	shalt  }
0x5e: {  	_ =	shalt  }
0x5f: {  	_ =	shalt  }
0x60: {  	_ =	shalt  }
0x61: {  	_ =	shalt  }
0x62: {  	_ =	shalt  }
0x63: {  	_ =	shalt  }
0x64: {  	_ =	shalt  }
0x65: {  	_ =	shalt  }
0x66: {  	_ =	shalt  }
0x67: {  	_ =	shalt  }
0x68: {  	_ =	shalt  }
0x69: {  	_ =	shalt  }
0x6a: {  	_ =	shalt  }
0x6b: {  	_ =	shalt  }
0x6c: {  	_ =	shalt  }
0x6d: {  	_ =	shalt  }
0x6e: {  	_ =	shalt  }
0x6f: {  	_ =	shalt  }
0x70: {  	_ =	shalt  }
0x71: {  	_ =	shalt  }
0x72: {  	_ =	shalt  }
0x73: {  	_ =	shalt  }
0x74: {  	_ =	shalt  }
0x75: {  	_ =	shalt  }
0x76: {  	_ =	shalt  }
0x77: {  	_ =	shalt  }
0x78: {  	_ =	shalt  }
0x79: {  	_ =	shalt  }
0x7a: {  	_ =	shalt  }
0x7b: {  	_ =	shalt  }
0x7c: {  	_ =	shalt  }
0x7d: {  	_ =	shalt  }
0x7e: {  	_ =	shalt  }
0x7f: {  	_ =	shalt  }
0x80: {  	_ =	shalt  }
0x81: {  	_ =	shalt  }
0x82: {  	_ =	shalt  }
0x83: {  	_ =	shalt  }
0x84: {  	_ =	shalt  }
0x85: {  	_ =	shalt  }
0x86: {  	_ =	shalt  }
0x87: {  	_ =	shalt  }
.Lfunc_end0:
.L_simem_size_0:
called_computation.1_lowered:
.L_overlay_start_0:
0x88: {  	s2 =	sld [smem:$0x3FD9]  }
0x89: {  	s3 =	sld [smem:$0x3FFE];
	_ =	sdelay $0x1  }
0x8a: {  	s1 =	srdreg.scid  }
0x8b: {  	s0 =	sand.u32 $0x1, s1  }
0x8c: {  	s16 =	sshll.u32 s0, $0xA;
	s2 =	sadd.s32 s3, s2  }
0x8d: {  	s2 =	sadd.s32 s2, s16  }
0x8e: {  	[smem:$0x3FBE] =	sst s2  }
0x8f: {  	_ = 	snop  }
0x90: {  	(tm) =	ssettm $0x1  }
0x91: {  	s17 =	sld [smem:$0x3FFB];
	_ =	sdelay $0x3  }
0x92: {  	_ =	strace s17  }
0x93: {  	s2 =	sld [smem:$0x3FFC];
	_ =	sdelay $0x3  }
0x94: {  	_ =	strace s2  }
0x95: {  	s2 =	sld [smem:$0x3FFD];
	_ =	sdelay $0x3  }
0x96: {  	_ =	strace s2  }
0x97: {  	_ =	strace $0x8FFFFFFF  }
0x98: {  	s18 =	sld [smem:$0x3FDB];
	_ =	sdelay $0x1  }
0x99: {  	s19 =	simm.s32 $_scs_section_size  }
0x9a: {  	s4 =	simm.s32 $_size__tile_overlayer_lowered;
	s5 =	simm.s32 $_tile_overlayer_lowered  }
0x9b: {  	s22 =	simm.s32 $0x1BFF;
	s21 =	sshll.u32 s5, $0x1;
	s2 =	sadd.s32 s19, s18  }
0x9c: {  	s6 =	simm.s32 $0x0;
	s20 =	sshll.u32 s4, $0x1;
	s4 =	sadd.s32 s21, s2  }
0x9d: {  	[timem:s6], [sflag:s22] =	dma.local [hbm:s4], s20  }
0x9e: {  	_ =	swait.ge [sflag:s22], s20  }
0x9f: {  	s3 =	ssub.s32 $0x0, s20;
	[sflag:s22] =	ssyncset.done $0x0  }
0xa0: {  	[sflag:s22] =	ssyncadd.s32 s3;
	_ =	sdelay $0x1  }
0xa1: {  	s23 =	simm.s32 $0x1B8B  }
0xa2: {  	_ =	swait.ge [sflag:s23], $0x1  }
0xa3: {  	[sflag:s23] =	ssyncset.done $0x0  }
0xa4: {  	s25 =	simm.s32 $0x1B8E;
	s24 =	sld [smem:$0x3FFE];
	[sflag:s23] =	ssyncadd.s32 $0xFFFFFFFF  }
0xa5: {  	s26 =	simm.s32 $execute0_lowered;
	[smem:$0x3FD2] =	sst s25  }
0xa6: {  	s4 =	sshll.u32 s26, $0x1;
	_ =	strace $0x80000049;
	[dreg:$0x1] =	wrdreg $0xFFFFFFFF  }
0xa7: {  	s28 =	simm.s32 $_size_execute0_lowered;
	s2 =	sadd.s32 s2, s4;
	[dreg:$0x0] =	wrdreg $0x0  }
0xa8: {  	s4 =	sshll.u32 s28, $0x1;
	[dreg:$0x2] =	wrdreg s2  }
0xa9: {  	[dreg:$0x3] =	wrdreg s4  }
0xaa: {  	[dreg:$0x4] =	wrdreg $0xC0  }
0xab: {  	_ =	task [dreg:s6], $0x5FFFF  }
0xac: {  	[dreg:$0x1] =	wrdreg $0xFFFFFFFF  }
0xad: {  	[dreg:$0x0] =	wrdreg $0x60  }
0xae: {  	[dreg:$0x2] =	wrdreg s24  }
0xaf: {  	[dreg:$0x3] =	wrdreg $0x9  }
0xb0: {  	_ =	task.clear_ibuf [dreg:s6], $0x4FFFF;
	_ =	strace $0x90000049  }
0xb1: {  	s29 =	simm.s32 $0x9;
	_ =	strace $0x8000004B  }
0xb2: {  	_ =	swait.ge [sflag:s29], $0x1  }
0xb3: {  	[sflag:s29] =	ssyncadd.s32 $0xFFFFFFFF  }
0xb4: {  	_ =	strace $0x9000004B  }
0xb5: {  	_ =	sfence  }
0xb6: {  	s30 =	sld [smem:$0x0];
	_ =	sdelay $0x2  }
0xb7: {  	s31 =	sshll.u32 s1, $0xD;
	s1 =	sshrl.u32 s1, $0x2  }
0xb8: {  	s3 =	sand.u32 $0x4000, s31;
	s1 =	sadd.s32 s1, s30  }
0xb9: {  	s0 =	sor.u32 s3, s0;
	s1 =	sshll.u32 s1, $0x11  }
0xba: {  	s0 =	sor.u32 s1, s0  }
0xbb: {  	s0 =	sadd.s32 $0x8F2B, s0  }
0xbc: {  	[sflag:s0] =	ssyncadd.remote.s32 $0x1  }
0xbd: {  	_ =	sfence.sel $0xFFFF  }
0xbe: {  	[dreg:$0x0] =	wrdreg $0xFFFFFFFF;
	(pc) =	sbr.abs _section_cstart, $3  }
0xbf: {  	[dreg:$0x1] =	wrdreg $0xFFFFFFFF  }
0xc0: {  	_ =	task.clear_ibuf [dreg:s6], $0x2FFFF;
	_ =	strace $0x9FFFFFFF  }
0xc1: {  	(tm) =	ssettm $0x7FFFFFFF  }
tec
execute0_lowered:
.L_overlay_start_1:
0x0: {  	(tag) =	ssettag $0x1  }
0x1: {  	s7 =	rddreg [dreg:$0x0]  }
0x2: {  	s1 =	srdreg.scid;
	s0 =	rddreg [dreg:$0x1]  }
0x3: {  	s2 =	simm.s32 $0x0;
	s14 =	simm.s32 $0xC400;
	s15 =	simm.s32 $0x18800  }
0x4: {  	s16 =	simm.s32 $0x1A080;
	s17 =	simm.s32 $0x1;
	s18 =	simm.s32 $0x1B900  }
0x5: {  	s19 =	simm.s32 $0x1D180;
	s20 =	simm.s32 $0x2;
	s21 =	simm.s32 $0x3  }
0x6: {  	s22 =	simm.s32 $0x4;
	s23 =	simm.s32 $0x0;
	s5 =	sand.u32 $0x1, s1  }
0x7: {  	s1 =	stileid.u32;
	[smem:$0x7FF] =	sst s2;
	s3 =	sshll.u32 s5, $0x4  }
0x8: {  	s4 =	sadd.s32 $0x2000, s7;
	s9 =	ssub.s32 $0x2, s5;
	s6 =	sor.u32 s1, s3  }
0x9: {  	_ =	strace $0x8000004A;
	s11 =	sshrl.u32 s9, $0x1;
	s8 =	smul.u32 $0x1880, s6  }
0xa: {  	s5 =	sadd.s32 $0x1C200, s7;
	s10 =	smul.u32 $0x6200, s6;
	s13 =	ssub.s32 s9, s11  }
0xb: {  	s3 =	sadd.s32 $0x4D200, s7;
	s6 =	sadd.s32 $0x1A800, s7;
	s13 =	smax.u32 s13, $0x1  }
0xc: {  	s12 =	sadd.s32 s8, s7;
	s30 =	sshrl.u32 s10, $0x3;
	s9 =	sadd.s32 $0x1880, s10  }
0xd: {  	s7 =	sadd.s32 s3, s30;
	s8 =	sadd.s32 s4, s30;
	s31 =	sadd.s32 $0x620, s30  }
0xe: {  	s12 =	sadd.s32 $0x65A00, s12;
	s10 =	sadd.s32 s3, s31;
	s11 =	sadd.s32 s4, s31  }
.LBB2_1:
0xf: {  	[tilespmem:s2], [sflag:$0x1] =	stream.linear.gather [hbm4b:s5+s2], $0xC400, $0x38;
	[tilespmem:$0x1EA00] =	vst v63  }
0x10: {  	_ = 	snop  }
0x11: {  	[tilespmem:s14], [sflag:$0x1] =	stream.linear.gather [hbm4b:s6+s2], $0xC400, $0x38;
	[tilespmem:$0x1EA00] =	vst v63  }
0x12: {  	_ = 	snop  }
0x13: {  	[tilespmem:s15], [sflag:$0x2] =	stream.linear.gather [hbm4b:s7+s2], $0x1880, $0x38;
	[tilespmem:$0x1EA00] =	vst v63  }
0x14: {  	_ = 	snop  }
0x15: {  	[tilespmem:s16], [sflag:$0x2] =	stream.linear.gather [hbm4b:s8+s2], $0x1880, $0x38;
	[tilespmem:$0x1EA00] =	vst v63  }
0x16: {  	_ =	swait.ge [sflag:s17], $0xC400  }
0x17: {  	[sflag:s17] =	ssyncset.done $0x0  }
0x18: {  	[sflag:s17] =	ssyncadd.s32 $0xFFFF3C00  }
0x19: {  	_ =	swait.ge [sflag:s17], $0xC400  }
0x1a: {  	[sflag:s17] =	ssyncset.done $0x0  }
0x1b: {  	p1 =	por $0x1, $0x1;
	s24 =	simm.s32 $0x0;
	[sflag:s17] =	ssyncadd.s32 $0xFFFF3C00  }
.LBB2_2:
0x1c: {  	s24 =	sadd.s32 s24, s9  }
0x1d: {  	s25 =	sshrl.u32 s24, $0x3  }
0x1e: {  	s24 =	simm.s32 $0x0;
	s26 =	sadd.s32 s3, s25  }
0x1f: {  	[tilespmem:s18], [sflag:$0x3] =	stream.linear.gather [hbm4b:s26+s24], $0x1880, $0x38;
	[tilespmem:$0x1EA00] =	vst v63  }
0x20: {  	s25 =	sadd.s32 s4, s25  }
0x21: {  	[tilespmem:s19], [sflag:$0x3] =	stream.linear.gather [hbm4b:s25+s24], $0x1880, $0x38;
	[tilespmem:$0x1EA00] =	vst v63  }
0x22: {  	_ =	swait.ge [sflag:s20], $0x1880  }
0x23: {  	[sflag:s20] =	ssyncset.done $0x0  }
0x24: {  	[sflag:s20] =	ssyncadd.s32 $0xFFFFE780  }
0x25: {  	_ =	swait.ge [sflag:s20], $0x1880  }
0x26: {  	[sflag:s20] =	ssyncset.done $0x0  }
0x27: {  	p0 =	por p1, p1;
	[sflag:s20] =	ssyncadd.s32 $0xFFFFE780  }
.LBB2_3:
0x28: {  	s25 =	sshra.s32 s24, $0x2  }
0x29: {  	v0 =	vld [tilespmem:s25+$0x18800];
	_ =	sdelay $0x4  }
0x2a: {  	v1 =	vld [tilespmem:s25+$0x1A080];
	_ =	sdelay $0x2  }
0x2b: {  	v0 =	vld.idx.msk [tilespmem:v0+s2+$0x0], $0xffff;
	_ =	sdelay $0x4  }
0x2c: {  	[tilespmem:v1+s14+$0x0] =	vst.idx.add.f32.msk $0xffff, v0  }
0x2d: {  	v0 =	vld [tilespmem:s25+$0x18810];
	_ =	sdelay $0x4  }
0x2e: {  	v1 =	vld [tilespmem:s25+$0x1A090];
	_ =	sdelay $0x2  }
0x2f: {  	v0 =	vld.idx.msk [tilespmem:v0+s2+$0x0], $0xffff;
	_ =	sdelay $0x4  }
0x30: {  	[tilespmem:v1+s14+$0x0] =	vst.idx.add.f32.msk $0xffff, v0  }
0x31: {  	v0 =	vld [tilespmem:s25+$0x18820];
	_ =	sdelay $0x4  }
0x32: {  	v1 =	vld [tilespmem:s25+$0x1A0A0];
	_ =	sdelay $0x2  }
0x33: {  	v0 =	vld.idx.msk [tilespmem:v0+s2+$0x0], $0xffff;
	_ =	sdelay $0x4  }
0x34: {  	[tilespmem:v1+s14+$0x0] =	vst.idx.add.f32.msk $0xffff, v0  }
0x35: {  	v0 =	vld [tilespmem:s25+$0x18830];
	_ =	sdelay $0x4  }
0x36: {  	v1 =	vld [tilespmem:s25+$0x1A0B0];
	_ =	sdelay $0x2  }
0x37: {  	v0 =	vld.idx.msk [tilespmem:v0+s2+$0x0], $0xffff;
	_ =	sdelay $0x4  }
0x38: {  	[tilespmem:v1+s14+$0x0] =	vst.idx.add.f32.msk $0xffff, v0  }
0x39: {  	v0 =	vld [tilespmem:s25+$0x18840];
	_ =	sdelay $0x4  }
0x3a: {  	v1 =	vld [tilespmem:s25+$0x1A0C0];
	_ =	sdelay $0x2  }
0x3b: {  	v0 =	vld.idx.msk [tilespmem:v0+s2+$0x0], $0xffff;
	_ =	sdelay $0x4  }
0x3c: {  	[tilespmem:v1+s14+$0x0] =	vst.idx.add.f32.msk $0xffff, v0  }
0x3d: {  	v0 =	vld [tilespmem:s25+$0x18850];
	_ =	sdelay $0x4  }
0x3e: {  	v1 =	vld [tilespmem:s25+$0x1A0D0];
	_ =	sdelay $0x2  }
0x3f: {  	v0 =	vld.idx.msk [tilespmem:v0+s2+$0x0], $0xffff;
	_ =	sdelay $0x4  }
0x40: {  	[tilespmem:v1+s14+$0x0] =	vst.idx.add.f32.msk $0xffff, v0  }
0x41: {  	v0 =	vld [tilespmem:s25+$0x18860];
	_ =	sdelay $0x4  }
0x42: {  	v1 =	vld [tilespmem:s25+$0x1A0E0];
	_ =	sdelay $0x2  }
0x43: {  	v0 =	vld.idx.msk [tilespmem:v0+s2+$0x0], $0xffff;
	_ =	sdelay $0x4  }
0x44: {  	[tilespmem:v1+s14+$0x0] =	vst.idx.add.f32.msk $0xffff, v0  }
0x45: {  	v0 =	vld [tilespmem:s25+$0x18870];
	_ =	sdelay $0x4  }
0x46: {  	v1 =	vld [tilespmem:s25+$0x1A0F0];
	_ =	sdelay $0x2  }
0x47: {  	p1 =	sne.s32 s24, $0x6000;
	v0 =	vld.idx.msk [tilespmem:v0+s2+$0x0], $0xffff  }
.Ltmp0:
0x48: {  	_ = 	snop;
	(pc) =	sbr.rel @p1 .LBB2_3-.Ltmp0, $2  }
0x49: {  	_ =	sdelay $0x2  }
0x4a: {  	s24 =	sadd.s32 $0x200, s24;
	[tilespmem:v1+s14+$0x0] =	vst.idx.add.f32.msk $0xffff, v0  }
0x4b: {  	s24 =	simm.s32 @p0 $0x0;
	s25 =	simm.s32 @p0 $0x18800  }
0x4c: {  	[tilespmem:s25], [sflag:$0x2] =	stream.linear.gather @p0 [hbm4b:s10+s24], $0x1880, $0x38;
	[tilespmem:$0x1EA00] =	vst v63  }
0x4d: {  	s25 =	simm.s32 @p0 $0x1A080  }
0x4e: {  	[tilespmem:s25], [sflag:$0x2] =	stream.linear.gather @p0 [hbm4b:s11+s24], $0x1880, $0x38;
	[tilespmem:$0x1EA00] =	vst v63  }
0x4f: {  	_ =	swait.ge [sflag:s21], $0x1880  }
0x50: {  	[sflag:s21] =	ssyncset.done $0x0  }
0x51: {  	[sflag:s21] =	ssyncadd.s32 $0xFFFFE780  }
0x52: {  	_ =	swait.ge [sflag:s21], $0x1880  }
0x53: {  	[sflag:s21] =	ssyncset.done $0x0  }
0x54: {  	s24 =	simm.s32 $0x0;
	[sflag:s21] =	ssyncadd.s32 $0xFFFFE780  }
.LBB2_5:
0x55: {  	s25 =	sshra.s32 s24, $0x2  }
0x56: {  	v0 =	vld [tilespmem:s25+$0x1B900];
	_ =	sdelay $0x4  }
0x57: {  	v1 =	vld [tilespmem:s25+$0x1D180];
	_ =	sdelay $0x2  }
0x58: {  	v0 =	vld.idx.msk [tilespmem:v0+s2+$0x0], $0xffff;
	_ =	sdelay $0x4  }
0x59: {  	[tilespmem:v1+s14+$0x0] =	vst.idx.add.f32.msk $0xffff, v0  }
0x5a: {  	v0 =	vld [tilespmem:s25+$0x1B910];
	_ =	sdelay $0x4  }
0x5b: {  	v1 =	vld [tilespmem:s25+$0x1D190];
	_ =	sdelay $0x2  }
0x5c: {  	v0 =	vld.idx.msk [tilespmem:v0+s2+$0x0], $0xffff;
	_ =	sdelay $0x4  }
0x5d: {  	[tilespmem:v1+s14+$0x0] =	vst.idx.add.f32.msk $0xffff, v0  }
0x5e: {  	v0 =	vld [tilespmem:s25+$0x1B920];
	_ =	sdelay $0x4  }
0x5f: {  	v1 =	vld [tilespmem:s25+$0x1D1A0];
	_ =	sdelay $0x2  }
0x60: {  	v0 =	vld.idx.msk [tilespmem:v0+s2+$0x0], $0xffff;
	_ =	sdelay $0x4  }
0x61: {  	[tilespmem:v1+s14+$0x0] =	vst.idx.add.f32.msk $0xffff, v0  }
0x62: {  	v0 =	vld [tilespmem:s25+$0x1B930];
	_ =	sdelay $0x4  }
0x63: {  	v1 =	vld [tilespmem:s25+$0x1D1B0];
	_ =	sdelay $0x2  }
0x64: {  	v0 =	vld.idx.msk [tilespmem:v0+s2+$0x0], $0xffff;
	_ =	sdelay $0x4  }
0x65: {  	[tilespmem:v1+s14+$0x0] =	vst.idx.add.f32.msk $0xffff, v0  }
0x66: {  	v0 =	vld [tilespmem:s25+$0x1B940];
	_ =	sdelay $0x4  }
0x67: {  	v1 =	vld [tilespmem:s25+$0x1D1C0];
	_ =	sdelay $0x2  }
0x68: {  	v0 =	vld.idx.msk [tilespmem:v0+s2+$0x0], $0xffff;
	_ =	sdelay $0x4  }
0x69: {  	[tilespmem:v1+s14+$0x0] =	vst.idx.add.f32.msk $0xffff, v0  }
0x6a: {  	v0 =	vld [tilespmem:s25+$0x1B950];
	_ =	sdelay $0x4  }
0x6b: {  	v1 =	vld [tilespmem:s25+$0x1D1D0];
	_ =	sdelay $0x2  }
0x6c: {  	v0 =	vld.idx.msk [tilespmem:v0+s2+$0x0], $0xffff;
	_ =	sdelay $0x4  }
0x6d: {  	[tilespmem:v1+s14+$0x0] =	vst.idx.add.f32.msk $0xffff, v0  }
0x6e: {  	v0 =	vld [tilespmem:s25+$0x1B960];
	_ =	sdelay $0x4  }
0x6f: {  	v1 =	vld [tilespmem:s25+$0x1D1E0];
	_ =	sdelay $0x2  }
0x70: {  	v0 =	vld.idx.msk [tilespmem:v0+s2+$0x0], $0xffff;
	_ =	sdelay $0x4  }
0x71: {  	[tilespmem:v1+s14+$0x0] =	vst.idx.add.f32.msk $0xffff, v0  }
0x72: {  	v0 =	vld [tilespmem:s25+$0x1B970];
	_ =	sdelay $0x4  }
0x73: {  	v1 =	vld [tilespmem:s25+$0x1D1F0];
	_ =	sdelay $0x2  }
0x74: {  	p1 =	sne.s32 s24, $0x6000;
	v0 =	vld.idx.msk [tilespmem:v0+s2+$0x0], $0xffff  }
.Ltmp1:
0x75: {  	_ = 	snop;
	(pc) =	sbr.rel @p1 .LBB2_5-.Ltmp1, $2  }
0x76: {  	_ =	sdelay $0x2  }
0x77: {  	s24 =	sadd.s32 $0x200, s24;
	[tilespmem:v1+s14+$0x0] =	vst.idx.add.f32.msk $0xffff, v0  }
.Ltmp2:
0x78: {  	(pc) =	sbr.rel @p0 .LBB2_2-.Ltmp2, $2  }
0x79: {  	_ =	sdelay $0x2  }
0x7a: {  	s24 =	simm.s32 $0x3100;
	p1 =	por $0x0, $0x0  }
0x7b: {  	s23 =	sadd.s32 $0x1, s23  }
0x7c: {  	p0 =	sne.s32 s23, s13  }
.Ltmp3:
0x7d: {  	_ = 	snop;
	(pc) =	sbr.rel @p0 .LBB2_1-.Ltmp3, $4  }
0x7e: {  	[hbm4b:s12+s2] =	stream.linear.scatter [tilespmem:s14], [sflag:$0x4], $0xC400, $0x38;
	[tilespmem:$0x1EA00] =	vst v63  }
0x7f: {  	_ =	swait.ge [sflag:s22], $0xC400  }
0x80: {  	[sflag:s22] =	ssyncset.done $0x0  }
0x81: {  	[sflag:s22] =	ssyncadd.s32 $0xFFFF3C00  }
0x82: {  	_ =	sfence.sel $0x180000  }
0x83: {  	[bflag:$0x0] =	sbarrier.arrive $0xFFFF  }
0x84: {  	p0 =	sne.s32 s1, $0x0;
	_ =	strace $0x9000004A  }
0x85: {  	s0 =	sadd.s32 @!p0 $0x100000, s0;
	[bflag:$0x2] =	sbarrier.arrive $0xFFFF  }
0x86: {  	[sflag:s0] =	ssyncadd.tile.s32 @!p0 $0x1;
	_ =	shalt  }
.Lfunc_end2:
_tile_overlayer_lowered:
.L_overlay_start_2:
0x87: {  	(tag) =	ssettag $0x2  }
0x88: {  	s0 =	rddreg [dreg:$0x0];
	s2 =	stileid.u32  }
0x89: {  	s1 =	rddreg [dreg:$0x1];
	p0 =	sne.s32 s2, $0x0  }
0x8a: {  	s3 =	rddreg [dreg:$0x2];
	[bflag:$0x3] =	sbarrier.arrive $0xFFFF;
	s2 =	simm.s32 @!p0 $0x1C04  }
0x8b: {  	[timem:s3], [sflag:s2] =	dma.local @!p0 [hbm:s0], s1  }
0x8c: {  	s0 =	simm.s32 @!p0 $0x4  }
0x8d: {  	_ =	swait.ge @!p0 [sflag:s0], s1  }
0x8e: {  	s1 =	ssub.s32 @!p0 $0x0, s1;
	[sflag:s0] =	ssyncset.done @!p0 $0x0  }
0x8f: {  	[sflag:s0] =	ssyncadd.s32 @!p0 s1  }
0x90: {  	[bflag:$0x3] =	sbarrier.arrive $0xFFFF  }
0x91: {  	_ =	shalt  }

// kernel: kernel.15.cloned.1.call-start
scs
__scs_entry_jumppad:
0x0: {  	(pc) =	sbr.rel $0x88, $3  }
0x1: {  	(tag) =	ssettag $0x0;
	lr =	simm.s32 $0x1  }
0x2: {  	[smem:$0x3F97] =	sst lr;
	_ =	strace $0xD0000000  }
0x3: {  	_ = 	snop  }
0x4: {  	_ = 	snop  }
0x5: {  	_ = 	snop  }
0x6: {  	_ = 	snop  }
0x7: {  	_ = 	snop  }
__scs_overlays_trampoline_lowered:
0x8: {  	[smem:$0x3FA6] =	sst s0  }
0x9: {  	[smem:$0x3FA7] =	sst s1  }
0xa: {  	[smem:$0x3FA8] =	sst s2  }
0xb: {  	[smem:$0x3FA9] =	sst s3  }
0xc: {  	[smem:$0x3FAA] =	sst s4  }
0xd: {  	[smem:$0x3FAB] =	sst s5  }
0xe: {  	[smem:$0x3FAC] =	sst s6  }
0xf: {  	[smem:$0x3FAD] =	sst s7  }
0x10: {  	[smem:$0x3FAE] =	sst s8  }
0x11: {  	[smem:$0x3FAF] =	sst s9;
	s0 =	simm.s32 @!p0 $0x0  }
0x12: {  	s1 =	sld [smem:$0x3F95];
	s0 =	simm.s32 @p0 $0x1  }
0x13: {  	[smem:$0x3FB0] =	sst s0;
	s0 =	simm.s32 @!p1 $0x0  }
0x14: {  	s2 =	sld [smem:$0x3F94];
	s0 =	simm.s32 @p1 $0x1  }
0x15: {  	[smem:$0x3FB1] =	sst s0;
	s0 =	simm.s32 @!p2 $0x0  }
0x16: {  	s3 =	sld [smem:$0x3FDB];
	s0 =	simm.s32 @p2 $0x1  }
0x17: {  	s4 =	simm.s32 $0x1BF5;
	[smem:$0x3FB3] =	sst s0  }
0x18: {  	s0 =	sld [smem:$0x3F96];
	_ =	swait.ge [sflag:s4], $0x0  }
0x19: {  	s7 =	sld [smem:$0x3F97]  }
0x1a: {  	s8 =	sadd.s32 $0xFFFFE003, lr  }
0x1b: {  	s9 =	sadd.s32 $0xFFFFFEF7, lr;
	s5 =	simm.s32 $0xFFFFFFFF;
	p2 =	slt.u32 s8, $0xFFFFF086  }
0x1c: {  	p1 =	slt.u32 s9, $0xF7A;
	s5 =	simm.s32 @!p2 $0x0  }
0x1d: {  	s5 =	simm.s32 @p1 $0x1;
	p0 =	seq.s32 s7, s2  }
0x1e: {  	s7 =	smul.u32 @!p0 $0xF7A, s2;
	p2 =	seq.s32 @!p0 s5, $0x0  }
0x1f: {  	s9 =	smul.u32 $0xF7A, s1;
	s8 =	simm.s32 @!p0 $0x1BF5;
	p2 =	por !p2, p0  }
0x20: {  	[sflag:s8] =	ssyncset.s32 @!p0 $0xFFFFF086;
	s6 =	sadd.s32 @!p0 s3, s7;
	s7 =	simm.s32 @!p0 $0x108  }
0x21: {  	s3 =	sadd.s32 s3, s9;
	s6 =	sadd.s32 @!p0 $0x88, s6;
	s7 =	simm.s32 @p2 $0x1082  }
0x22: {  	[simem:s7], [sflag:s8] =	dma.local @!p0 [hbm:s6], $0xF7A  }
0x23: {  	s9 =	sor.u32 $0xD0000000, s2;
	s6 =	simm.s32 $0x108;
	_ =	swait.ge @!p0 [sflag:s8], $0x0  }
0x24: {  	s3 =	sadd.s32 $0x88, s3;
	s6 =	simm.s32 @!p1 $0x1082;
	[sflag:s4] =	ssyncset.s32 $0xFFFFF086  }
0x25: {  	[simem:s6], [sflag:s4] =	dma.local [hbm:s3], $0xF7A  }
0x26: {  	[smem:$0x3F97] =	sst s1;
	(tag) =	ssettag s2;
	_ =	strace s9  }
0x27: {  	s1 =	sld [smem:$0x3FA7]  }
0x28: {  	s2 =	sld [smem:$0x3FA8]  }
0x29: {  	s4 =	sld [smem:$0x3FAA]  }
0x2a: {  	p0 =	seq.s32 s5, $0x0;
	s5 =	sld [smem:$0x3FAB]  }
0x2b: {  	s6 =	sld [smem:$0x3FAC]  }
0x2c: {  	s7 =	sld [smem:$0x3FAD]  }
0x2d: {  	s3 =	simm.s32 $0x108;
	s8 =	sld [smem:$0x3FAE]  }
0x2e: {  	s3 =	simm.s32 @!p0 $0x1082;
	s9 =	sld [smem:$0x3FAF]  }
0x2f: {  	lr =	sadd.s32 s0, s3;
	s0 =	sld [smem:$0x3FA6]  }
0x30: {  	s3 =	sld [smem:$0x3FA9]  }
0x31: {  	[smem:$0x3FB2] =	sst s10  }
0x32: {  	s10 =	sld [smem:$0x3FB0];
	_ =	sdelay $0x3  }
0x33: {  	p0 =	seq.s32 s10, $0x1;
	s10 =	sld [smem:$0x3FB2];
	_ =	sdelay $0x3  }
0x34: {  	[smem:$0x3FB2] =	sst s10  }
0x35: {  	s10 =	sld [smem:$0x3FB1];
	_ =	sdelay $0x3  }
0x36: {  	p1 =	seq.s32 s10, $0x1;
	s10 =	sld [smem:$0x3FB2];
	_ =	sdelay $0x3  }
0x37: {  	[smem:$0x3FB2] =	sst s10  }
0x38: {  	s10 =	sld [smem:$0x3FB3]  }
0x39: {  	_ = 	snop;
	(pc) =	sbr.ind lr, $3  }
0x3a: {  	_ = 	snop  }
0x3b: {  	_ = 	snop  }
0x3c: {  	p2 =	seq.s32 s10, $0x1;
	s10 =	sld [smem:$0x3FB2]  }
0x3d: {  	_ =	shalt  }
0x3e: {  	_ =	shalt  }
0x3f: {  	_ =	shalt  }
0x40: {  	_ =	shalt  }
0x41: {  	_ =	shalt  }
0x42: {  	_ =	shalt  }
0x43: {  	_ =	shalt  }
0x44: {  	_ =	shalt  }
0x45: {  	_ =	shalt  }
0x46: {  	_ =	shalt  }
0x47: {  	_ =	shalt  }
0x48: {  	_ =	shalt  }
0x49: {  	_ =	shalt  }
0x4a: {  	_ =	shalt  }
0x4b: {  	_ =	shalt  }
0x4c: {  	_ =	shalt  }
0x4d: {  	_ =	shalt  }
0x4e: {  	_ =	shalt  }
0x4f: {  	_ =	shalt  }
0x50: {  	_ =	shalt  }
0x51: {  	_ =	shalt  }
0x52: {  	_ =	shalt  }
0x53: {  	_ =	shalt  }
0x54: {  	_ =	shalt  }
0x55: {  	_ =	shalt  }
0x56: {  	_ =	shalt  }
0x57: {  	_ =	shalt  }
0x58: {  	_ =	shalt  }
0x59: {  	_ =	shalt  }
0x5a: {  	_ =	shalt  }
0x5b: {  	_ =	shalt  }
0x5c: {  	_ =	shalt  }
0x5d: {  	_ =	shalt  }
0x5e: {  	_ =	shalt  }
0x5f: {  	_ =	shalt  }
0x60: {  	_ =	shalt  }
0x61: {  	_ =	shalt  }
0x62: {  	_ =	shalt  }
0x63: {  	_ =	shalt  }
0x64: {  	_ =	shalt  }
0x65: {  	_ =	shalt  }
0x66: {  	_ =	shalt  }
0x67: {  	_ =	shalt  }
0x68: {  	_ =	shalt  }
0x69: {  	_ =	shalt  }
0x6a: {  	_ =	shalt  }
0x6b: {  	_ =	shalt  }
0x6c: {  	_ =	shalt  }
0x6d: {  	_ =	shalt  }
0x6e: {  	_ =	shalt  }
0x6f: {  	_ =	shalt  }
0x70: {  	_ =	shalt  }
0x71: {  	_ =	shalt  }
0x72: {  	_ =	shalt  }
0x73: {  	_ =	shalt  }
0x74: {  	_ =	shalt  }
0x75: {  	_ =	shalt  }
0x76: {  	_ =	shalt  }
0x77: {  	_ =	shalt  }
0x78: {  	_ =	shalt  }
0x79: {  	_ =	shalt  }
0x7a: {  	_ =	shalt  }
0x7b: {  	_ =	shalt  }
0x7c: {  	_ =	shalt  }
0x7d: {  	_ =	shalt  }
0x7e: {  	_ =	shalt  }
0x7f: {  	_ =	shalt  }
0x80: {  	_ =	shalt  }
0x81: {  	_ =	shalt  }
0x82: {  	_ =	shalt  }
0x83: {  	_ =	shalt  }
0x84: {  	_ =	shalt  }
0x85: {  	_ =	shalt  }
0x86: {  	_ =	shalt  }
0x87: {  	_ =	shalt  }
.Lfunc_end0:
.L_simem_size_0:
called_computation.2_lowered:
.L_overlay_start_0:
0x88: {  	s2 =	sld [smem:$0x3FD9]  }
0x89: {  	s3 =	sld [smem:$0x3FFE];
	_ =	sdelay $0x1  }
0x8a: {  	s1 =	srdreg.scid  }
0x8b: {  	s0 =	sand.u32 $0x1, s1  }
0x8c: {  	s16 =	sshll.u32 s0, $0xA;
	s2 =	sadd.s32 s3, s2  }
0x8d: {  	s2 =	sadd.s32 s2, s16  }
0x8e: {  	[smem:$0x3FBE] =	sst s2  }
0x8f: {  	_ = 	snop  }
0x90: {  	(tm) =	ssettm $0x1  }
0x91: {  	s17 =	sld [smem:$0x3FFB];
	_ =	sdelay $0x3  }
0x92: {  	_ =	strace s17  }
0x93: {  	s2 =	sld [smem:$0x3FFC];
	_ =	sdelay $0x3  }
0x94: {  	_ =	strace s2  }
0x95: {  	s2 =	sld [smem:$0x3FFD];
	_ =	sdelay $0x3  }
0x96: {  	_ =	strace s2  }
0x97: {  	_ =	strace $0x8FFFFFFF  }
0x98: {  	s18 =	sld [smem:$0x3FDB];
	_ =	sdelay $0x1  }
0x99: {  	s19 =	simm.s32 $_scs_section_size  }
0x9a: {  	s4 =	simm.s32 $_size__tile_overlayer_lowered;
	s5 =	simm.s32 $_tile_overlayer_lowered  }
0x9b: {  	s22 =	simm.s32 $0x1BFF;
	s21 =	sshll.u32 s5, $0x1;
	s2 =	sadd.s32 s19, s18  }
0x9c: {  	s6 =	simm.s32 $0x0;
	s20 =	sshll.u32 s4, $0x1;
	s4 =	sadd.s32 s21, s2  }
0x9d: {  	[timem:s6], [sflag:s22] =	dma.local [hbm:s4], s20  }
0x9e: {  	_ =	swait.ge [sflag:s22], s20  }
0x9f: {  	s3 =	ssub.s32 $0x0, s20;
	[sflag:s22] =	ssyncset.done $0x0  }
0xa0: {  	[sflag:s22] =	ssyncadd.s32 s3;
	_ =	sdelay $0x1  }
0xa1: {  	s23 =	simm.s32 $0x1B8B  }
0xa2: {  	_ =	swait.ge [sflag:s23], $0x1  }
0xa3: {  	[sflag:s23] =	ssyncset.done $0x0  }
0xa4: {  	s25 =	simm.s32 $0x1B8E;
	s24 =	sld [smem:$0x3FFE];
	[sflag:s23] =	ssyncadd.s32 $0xFFFFFFFF  }
0xa5: {  	s26 =	simm.s32 $execute0_lowered;
	[smem:$0x3FD2] =	sst s25  }
0xa6: {  	s4 =	sshll.u32 s26, $0x1;
	_ =	strace $0x8000004C;
	[dreg:$0x1] =	wrdreg $0xFFFFFFFF  }
0xa7: {  	s28 =	simm.s32 $_size_execute0_lowered;
	s2 =	sadd.s32 s2, s4;
	[dreg:$0x0] =	wrdreg $0x0  }
0xa8: {  	s4 =	sshll.u32 s28, $0x1;
	[dreg:$0x2] =	wrdreg s2  }
0xa9: {  	[dreg:$0x3] =	wrdreg s4  }
0xaa: {  	[dreg:$0x4] =	wrdreg $0xC0  }
0xab: {  	_ =	task [dreg:s6], $0x5FFFF  }
0xac: {  	[dreg:$0x1] =	wrdreg $0xFFFFFFFF  }
0xad: {  	[dreg:$0x0] =	wrdreg $0x60  }
0xae: {  	[dreg:$0x2] =	wrdreg s24  }
0xaf: {  	[dreg:$0x3] =	wrdreg $0x9  }
0xb0: {  	_ =	task.clear_ibuf [dreg:s6], $0x4FFFF;
	_ =	strace $0x9000004C  }
0xb1: {  	s29 =	simm.s32 $0x9;
	_ =	strace $0x8000004E  }
0xb2: {  	_ =	swait.ge [sflag:s29], $0x1  }
0xb3: {  	[sflag:s29] =	ssyncadd.s32 $0xFFFFFFFF  }
0xb4: {  	_ =	strace $0x9000004E  }
0xb5: {  	_ =	sfence  }
0xb6: {  	s30 =	sld [smem:$0x0];
	_ =	sdelay $0x2  }
0xb7: {  	s31 =	sshll.u32 s1, $0xD;
	s1 =	sshrl.u32 s1, $0x2  }
0xb8: {  	s3 =	sand.u32 $0x4000, s31;
	s1 =	sadd.s32 s1, s30  }
0xb9: {  	s0 =	sor.u32 s3, s0;
	s1 =	sshll.u32 s1, $0x11  }
0xba: {  	s0 =	sor.u32 s1, s0  }
0xbb: {  	s0 =	sadd.s32 $0x8F2B, s0  }
0xbc: {  	[sflag:s0] =	ssyncadd.remote.s32 $0x1  }
0xbd: {  	_ =	sfence.sel $0xFFFF  }
0xbe: {  	[dreg:$0x0] =	wrdreg $0xFFFFFFFF;
	(pc) =	sbr.abs _section_cstart, $3  }
0xbf: {  	[dreg:$0x1] =	wrdreg $0xFFFFFFFF  }
0xc0: {  	_ =	task.clear_ibuf [dreg:s6], $0x2FFFF;
	_ =	strace $0x9FFFFFFF  }
0xc1: {  	(tm) =	ssettm $0x7FFFFFFF  }
tec
execute0_lowered:
.L_overlay_start_1:
0x0: {  	(tag) =	ssettag $0x1  }
0x1: {  	s6 =	rddreg [dreg:$0x0]  }
0x2: {  	s1 =	srdreg.scid;
	s0 =	rddreg [dreg:$0x1]  }
0x3: {  	s2 =	simm.s32 $0x0;
	s13 =	simm.s32 $0xC400;
	s14 =	simm.s32 $0x18800  }
0x4: {  	s15 =	simm.s32 $0x1A080;
	s16 =	simm.s32 $0x1;
	s17 =	simm.s32 $0x1B900  }
0x5: {  	s18 =	simm.s32 $0x1D180;
	s19 =	simm.s32 $0x2;
	s20 =	simm.s32 $0x3  }
0x6: {  	s21 =	simm.s32 $0x4;
	s22 =	simm.s32 $0x0;
	s7 =	sand.u32 $0x1, s1  }
0x7: {  	s1 =	stileid.u32;
	[smem:$0x7FF] =	sst s2;
	s4 =	sadd.s32 $0x2000, s6  }
0x8: {  	s3 =	sshll.u32 s7, $0x4;
	s5 =	smul.u32 $0x1880, s7;
	_ =	strace $0x8000004D  }
0x9: {  	s10 =	smul.u32 $0xC400, s1;
	s7 =	ssub.s32 $0x2, s7;
	s3 =	sor.u32 s1, s3  }
0xa: {  	s30 =	sshrl.u32 s7, $0x1;
	s8 =	smul.u32 $0x1880, s3;
	s3 =	sadd.s32 $0x4D200, s6  }
0xb: {  	s9 =	sadd.s32 s5, s6;
	s31 =	sshrl.u32 s10, $0x3;
	s12 =	ssub.s32 s7, s30  }
0xc: {  	s5 =	sadd.s32 $0x1A800, s6;
	s7 =	sadd.s32 s3, s31;
	s12 =	smax.u32 s12, $0x1  }
0xd: {  	s11 =	sadd.s32 s8, s6;
	s6 =	sadd.s32 $0x1F600, s9;
	s8 =	sadd.s32 s4, s31  }
0xe: {  	s9 =	sadd.s32 $0x1880, s10;
	s10 =	sadd.s32 $0x3100, s10;
	s11 =	sadd.s32 $0x65A00, s11  }
.LBB2_1:
0xf: {  	[tilespmem:s2], [sflag:$0x1] =	stream.linear.gather [hbm4b:s6+s2], $0xC400, $0x38;
	[tilespmem:$0x1EA00] =	vst v63  }
0x10: {  	_ = 	snop  }
0x11: {  	[tilespmem:s13], [sflag:$0x1] =	stream.linear.gather [hbm4b:s5+s2], $0xC400, $0x38;
	[tilespmem:$0x1EA00] =	vst v63  }
0x12: {  	_ = 	snop  }
0x13: {  	[tilespmem:s14], [sflag:$0x2] =	stream.linear.gather [hbm4b:s7+s2], $0x1880, $0x38;
	[tilespmem:$0x1EA00] =	vst v63  }
0x14: {  	_ = 	snop  }
0x15: {  	[tilespmem:s15], [sflag:$0x2] =	stream.linear.gather [hbm4b:s8+s2], $0x1880, $0x38;
	[tilespmem:$0x1EA00] =	vst v63  }
0x16: {  	_ =	swait.ge [sflag:s16], $0xC400  }
0x17: {  	[sflag:s16] =	ssyncset.done $0x0  }
0x18: {  	[sflag:s16] =	ssyncadd.s32 $0xFFFF3C00  }
0x19: {  	_ =	swait.ge [sflag:s16], $0xC400  }
0x1a: {  	[sflag:s16] =	ssyncset.done $0x0  }
0x1b: {  	s23 =	simm.s32 $0x0;
	[sflag:s16] =	ssyncadd.s32 $0xFFFF3C00  }
.LBB2_2:
0x1c: {  	s24 =	smul.u32 $0x3100, s23;
	_ =	sdelay $0x1  }
0x1d: {  	s25 =	sadd.s32 s24, s9  }
0x1e: {  	s26 =	sshrl.u32 s25, $0x3  }
0x1f: {  	s25 =	simm.s32 $0x0;
	s28 =	sadd.s32 s3, s26  }
0x20: {  	[tilespmem:s17], [sflag:$0x3] =	stream.linear.gather [hbm4b:s28+s25], $0x1880, $0x38;
	[tilespmem:$0x1EA00] =	vst v63  }
0x21: {  	s26 =	sadd.s32 s4, s26  }
0x22: {  	[tilespmem:s18], [sflag:$0x3] =	stream.linear.gather [hbm4b:s26+s25], $0x1880, $0x38;
	[tilespmem:$0x1EA00] =	vst v63  }
0x23: {  	_ =	swait.ge [sflag:s19], $0x1880  }
0x24: {  	[sflag:s19] =	ssyncset.done $0x0  }
0x25: {  	[sflag:s19] =	ssyncadd.s32 $0xFFFFE780  }
0x26: {  	_ =	swait.ge [sflag:s19], $0x1880  }
0x27: {  	[sflag:s19] =	ssyncset.done $0x0  }
0x28: {  	[sflag:s19] =	ssyncadd.s32 $0xFFFFE780  }
.LBB2_3:
0x29: {  	s26 =	sshra.s32 s25, $0x2  }
0x2a: {  	v0 =	vld [tilespmem:s26+$0x18800];
	_ =	sdelay $0x4  }
0x2b: {  	v1 =	vld [tilespmem:s26+$0x1A080];
	_ =	sdelay $0x2  }
0x2c: {  	v0 =	vld.idx.msk [tilespmem:v0+s2+$0x0], $0xffff;
	_ =	sdelay $0x4  }
0x2d: {  	[tilespmem:v1+s13+$0x0] =	vst.idx.add.f32.msk $0xffff, v0  }
0x2e: {  	v0 =	vld [tilespmem:s26+$0x18810];
	_ =	sdelay $0x4  }
0x2f: {  	v1 =	vld [tilespmem:s26+$0x1A090];
	_ =	sdelay $0x2  }
0x30: {  	v0 =	vld.idx.msk [tilespmem:v0+s2+$0x0], $0xffff;
	_ =	sdelay $0x4  }
0x31: {  	[tilespmem:v1+s13+$0x0] =	vst.idx.add.f32.msk $0xffff, v0  }
0x32: {  	v0 =	vld [tilespmem:s26+$0x18820];
	_ =	sdelay $0x4  }
0x33: {  	v1 =	vld [tilespmem:s26+$0x1A0A0];
	_ =	sdelay $0x2  }
0x34: {  	v0 =	vld.idx.msk [tilespmem:v0+s2+$0x0], $0xffff;
	_ =	sdelay $0x4  }
0x35: {  	[tilespmem:v1+s13+$0x0] =	vst.idx.add.f32.msk $0xffff, v0  }
0x36: {  	v0 =	vld [tilespmem:s26+$0x18830];
	_ =	sdelay $0x4  }
0x37: {  	v1 =	vld [tilespmem:s26+$0x1A0B0];
	_ =	sdelay $0x2  }
0x38: {  	v0 =	vld.idx.msk [tilespmem:v0+s2+$0x0], $0xffff;
	_ =	sdelay $0x4  }
0x39: {  	[tilespmem:v1+s13+$0x0] =	vst.idx.add.f32.msk $0xffff, v0  }
0x3a: {  	v0 =	vld [tilespmem:s26+$0x18840];
	_ =	sdelay $0x4  }
0x3b: {  	v1 =	vld [tilespmem:s26+$0x1A0C0];
	_ =	sdelay $0x2  }
0x3c: {  	v0 =	vld.idx.msk [tilespmem:v0+s2+$0x0], $0xffff;
	_ =	sdelay $0x4  }
0x3d: {  	[tilespmem:v1+s13+$0x0] =	vst.idx.add.f32.msk $0xffff, v0  }
0x3e: {  	v0 =	vld [tilespmem:s26+$0x18850];
	_ =	sdelay $0x4  }
0x3f: {  	v1 =	vld [tilespmem:s26+$0x1A0D0];
	_ =	sdelay $0x2  }
0x40: {  	v0 =	vld.idx.msk [tilespmem:v0+s2+$0x0], $0xffff;
	_ =	sdelay $0x4  }
0x41: {  	[tilespmem:v1+s13+$0x0] =	vst.idx.add.f32.msk $0xffff, v0  }
0x42: {  	v0 =	vld [tilespmem:s26+$0x18860];
	_ =	sdelay $0x4  }
0x43: {  	v1 =	vld [tilespmem:s26+$0x1A0E0];
	_ =	sdelay $0x2  }
0x44: {  	v0 =	vld.idx.msk [tilespmem:v0+s2+$0x0], $0xffff;
	_ =	sdelay $0x4  }
0x45: {  	[tilespmem:v1+s13+$0x0] =	vst.idx.add.f32.msk $0xffff, v0  }
0x46: {  	v0 =	vld [tilespmem:s26+$0x18870];
	_ =	sdelay $0x4  }
0x47: {  	v1 =	vld [tilespmem:s26+$0x1A0F0];
	_ =	sdelay $0x2  }
0x48: {  	p0 =	sne.s32 s25, $0x6000;
	v0 =	vld.idx.msk [tilespmem:v0+s2+$0x0], $0xffff  }
.Ltmp0:
0x49: {  	_ = 	snop;
	(pc) =	sbr.rel @p0 .LBB2_3-.Ltmp0, $2  }
0x4a: {  	_ =	sdelay $0x2  }
0x4b: {  	s25 =	sadd.s32 $0x200, s25;
	[tilespmem:v1+s13+$0x0] =	vst.idx.add.f32.msk $0xffff, v0  }
0x4c: {  	p0 =	seq.s32 s23, $0x3  }
0x4d: {  	s24 =	sadd.s32 @!p0 s24, s10  }
0x4e: {  	s24 =	sshrl.u32 @!p0 s24, $0x3  }
0x4f: {  	s26 =	simm.s32 @!p0 $0x0;
	s28 =	simm.s32 @!p0 $0x18800;
	s25 =	sadd.s32 @!p0 s3, s24  }
0x50: {  	[tilespmem:s28], [sflag:$0x2] =	stream.linear.gather @!p0 [hbm4b:s25+s26], $0x1880, $0x38;
	[tilespmem:$0x1EA00] =	vst v63  }
0x51: {  	s24 =	sadd.s32 @!p0 s4, s24;
	s25 =	simm.s32 @!p0 $0x1A080  }
0x52: {  	[tilespmem:s25], [sflag:$0x2] =	stream.linear.gather @!p0 [hbm4b:s24+s26], $0x1880, $0x38;
	[tilespmem:$0x1EA00] =	vst v63  }
0x53: {  	_ =	swait.ge [sflag:s20], $0x1880  }
0x54: {  	[sflag:s20] =	ssyncset.done $0x0  }
0x55: {  	[sflag:s20] =	ssyncadd.s32 $0xFFFFE780  }
0x56: {  	_ =	swait.ge [sflag:s20], $0x1880  }
0x57: {  	[sflag:s20] =	ssyncset.done $0x0  }
0x58: {  	s24 =	simm.s32 $0x0;
	[sflag:s20] =	ssyncadd.s32 $0xFFFFE780  }
.LBB2_5:
0x59: {  	s25 =	sshra.s32 s24, $0x2  }
0x5a: {  	v0 =	vld [tilespmem:s25+$0x1B900];
	_ =	sdelay $0x4  }
0x5b: {  	v1 =	vld [tilespmem:s25+$0x1D180];
	_ =	sdelay $0x2  }
0x5c: {  	v0 =	vld.idx.msk [tilespmem:v0+s2+$0x0], $0xffff;
	_ =	sdelay $0x4  }
0x5d: {  	[tilespmem:v1+s13+$0x0] =	vst.idx.add.f32.msk $0xffff, v0  }
0x5e: {  	v0 =	vld [tilespmem:s25+$0x1B910];
	_ =	sdelay $0x4  }
0x5f: {  	v1 =	vld [tilespmem:s25+$0x1D190];
	_ =	sdelay $0x2  }
0x60: {  	v0 =	vld.idx.msk [tilespmem:v0+s2+$0x0], $0xffff;
	_ =	sdelay $0x4  }
0x61: {  	[tilespmem:v1+s13+$0x0] =	vst.idx.add.f32.msk $0xffff, v0  }
0x62: {  	v0 =	vld [tilespmem:s25+$0x1B920];
	_ =	sdelay $0x4  }
0x63: {  	v1 =	vld [tilespmem:s25+$0x1D1A0];
	_ =	sdelay $0x2  }
0x64: {  	v0 =	vld.idx.msk [tilespmem:v0+s2+$0x0], $0xffff;
	_ =	sdelay $0x4  }
0x65: {  	[tilespmem:v1+s13+$0x0] =	vst.idx.add.f32.msk $0xffff, v0  }
0x66: {  	v0 =	vld [tilespmem:s25+$0x1B930];
	_ =	sdelay $0x4  }
0x67: {  	v1 =	vld [tilespmem:s25+$0x1D1B0];
	_ =	sdelay $0x2  }
0x68: {  	v0 =	vld.idx.msk [tilespmem:v0+s2+$0x0], $0xffff;
	_ =	sdelay $0x4  }
0x69: {  	[tilespmem:v1+s13+$0x0] =	vst.idx.add.f32.msk $0xffff, v0  }
0x6a: {  	v0 =	vld [tilespmem:s25+$0x1B940];
	_ =	sdelay $0x4  }
0x6b: {  	v1 =	vld [tilespmem:s25+$0x1D1C0];
	_ =	sdelay $0x2  }
0x6c: {  	v0 =	vld.idx.msk [tilespmem:v0+s2+$0x0], $0xffff;
	_ =	sdelay $0x4  }
0x6d: {  	[tilespmem:v1+s13+$0x0] =	vst.idx.add.f32.msk $0xffff, v0  }
0x6e: {  	v0 =	vld [tilespmem:s25+$0x1B950];
	_ =	sdelay $0x4  }
0x6f: {  	v1 =	vld [tilespmem:s25+$0x1D1D0];
	_ =	sdelay $0x2  }
0x70: {  	v0 =	vld.idx.msk [tilespmem:v0+s2+$0x0], $0xffff;
	_ =	sdelay $0x4  }
0x71: {  	[tilespmem:v1+s13+$0x0] =	vst.idx.add.f32.msk $0xffff, v0  }
0x72: {  	v0 =	vld [tilespmem:s25+$0x1B960];
	_ =	sdelay $0x4  }
0x73: {  	v1 =	vld [tilespmem:s25+$0x1D1E0];
	_ =	sdelay $0x2  }
0x74: {  	v0 =	vld.idx.msk [tilespmem:v0+s2+$0x0], $0xffff;
	_ =	sdelay $0x4  }
0x75: {  	[tilespmem:v1+s13+$0x0] =	vst.idx.add.f32.msk $0xffff, v0  }
0x76: {  	v0 =	vld [tilespmem:s25+$0x1B970];
	_ =	sdelay $0x4  }
0x77: {  	v1 =	vld [tilespmem:s25+$0x1D1F0];
	_ =	sdelay $0x2  }
0x78: {  	p0 =	sne.s32 s24, $0x6000;
	v0 =	vld.idx.msk [tilespmem:v0+s2+$0x0], $0xffff  }
.Ltmp1:
0x79: {  	_ = 	snop;
	(pc) =	sbr.rel @p0 .LBB2_5-.Ltmp1, $2  }
0x7a: {  	_ =	sdelay $0x2  }
0x7b: {  	s24 =	sadd.s32 $0x200, s24;
	[tilespmem:v1+s13+$0x0] =	vst.idx.add.f32.msk $0xffff, v0  }
0x7c: {  	s23 =	sadd.s32 $0x1, s23  }
0x7d: {  	p0 =	sne.s32 s23, $0x4  }
.Ltmp2:
0x7e: {  	_ = 	snop;
	(pc) =	sbr.rel @p0 .LBB2_2-.Ltmp2, $1  }
0x7f: {  	_ =	sdelay $0x3  }
0x80: {  	s22 =	sadd.s32 $0x1, s22  }
0x81: {  	p0 =	sne.s32 s22, s12  }
.Ltmp3:
0x82: {  	_ = 	snop;
	(pc) =	sbr.rel @p0 .LBB2_1-.Ltmp3, $4  }
0x83: {  	[hbm4b:s11+s2] =	stream.linear.scatter [tilespmem:s13], [sflag:$0x4], $0xC400, $0x38;
	[tilespmem:$0x1EA00] =	vst v63  }
0x84: {  	_ =	swait.ge [sflag:s21], $0xC400  }
0x85: {  	[sflag:s21] =	ssyncset.done $0x0  }
0x86: {  	[sflag:s21] =	ssyncadd.s32 $0xFFFF3C00  }
0x87: {  	_ =	sfence.sel $0x180000  }
0x88: {  	[bflag:$0x0] =	sbarrier.arrive $0xFFFF  }
0x89: {  	p0 =	sne.s32 s1, $0x0;
	_ =	strace $0x9000004D  }
0x8a: {  	s0 =	sadd.s32 @!p0 $0x100000, s0;
	[bflag:$0x2] =	sbarrier.arrive $0xFFFF  }
0x8b: {  	[sflag:s0] =	ssyncadd.tile.s32 @!p0 $0x1;
	_ =	shalt  }
.Lfunc_end2:
_tile_overlayer_lowered:
.L_overlay_start_2:
0x8c: {  	(tag) =	ssettag $0x2  }
0x8d: {  	s0 =	rddreg [dreg:$0x0];
	s2 =	stileid.u32  }
0x8e: {  	s1 =	rddreg [dreg:$0x1];
	p0 =	sne.s32 s2, $0x0  }
0x8f: {  	s3 =	rddreg [dreg:$0x2];
	[bflag:$0x3] =	sbarrier.arrive $0xFFFF;
	s2 =	simm.s32 @!p0 $0x1C04  }
0x90: {  	[timem:s3], [sflag:s2] =	dma.local @!p0 [hbm:s0], s1  }
0x91: {  	s0 =	simm.s32 @!p0 $0x4  }
0x92: {  	_ =	swait.ge @!p0 [sflag:s0], s1  }
0x93: {  	s1 =	ssub.s32 @!p0 $0x0, s1;
	[sflag:s0] =	ssyncset.done @!p0 $0x0  }
0x94: {  	[sflag:s0] =	ssyncadd.s32 @!p0 s1  }
0x95: {  	[bflag:$0x3] =	sbarrier.arrive $0xFFFF  }
0x96: {  	_ =	shalt  }

// kernel: kernel.18.cloned.1.call-start
scs
__scs_entry_jumppad:
0x0: {  	(pc) =	sbr.rel $0x88, $3  }
0x1: {  	(tag) =	ssettag $0x0;
	lr =	simm.s32 $0x1  }
0x2: {  	[smem:$0x3F97] =	sst lr;
	_ =	strace $0xD0000000  }
0x3: {  	_ = 	snop  }
0x4: {  	_ = 	snop  }
0x5: {  	_ = 	snop  }
0x6: {  	_ = 	snop  }
0x7: {  	_ = 	snop  }
__scs_overlays_trampoline_lowered:
0x8: {  	[smem:$0x3FA6] =	sst s0  }
0x9: {  	[smem:$0x3FA7] =	sst s1  }
0xa: {  	[smem:$0x3FA8] =	sst s2  }
0xb: {  	[smem:$0x3FA9] =	sst s3  }
0xc: {  	[smem:$0x3FAA] =	sst s4  }
0xd: {  	[smem:$0x3FAB] =	sst s5  }
0xe: {  	[smem:$0x3FAC] =	sst s6  }
0xf: {  	[smem:$0x3FAD] =	sst s7  }
0x10: {  	[smem:$0x3FAE] =	sst s8  }
0x11: {  	[smem:$0x3FAF] =	sst s9;
	s0 =	simm.s32 @!p0 $0x0  }
0x12: {  	s1 =	sld [smem:$0x3F95];
	s0 =	simm.s32 @p0 $0x1  }
0x13: {  	[smem:$0x3FB0] =	sst s0;
	s0 =	simm.s32 @!p1 $0x0  }
0x14: {  	s2 =	sld [smem:$0x3F94];
	s0 =	simm.s32 @p1 $0x1  }
0x15: {  	[smem:$0x3FB1] =	sst s0;
	s0 =	simm.s32 @!p2 $0x0  }
0x16: {  	s3 =	sld [smem:$0x3FDB];
	s0 =	simm.s32 @p2 $0x1  }
0x17: {  	s4 =	simm.s32 $0x1BF5;
	[smem:$0x3FB3] =	sst s0  }
0x18: {  	s0 =	sld [smem:$0x3F96];
	_ =	swait.ge [sflag:s4], $0x0  }
0x19: {  	s7 =	sld [smem:$0x3F97]  }
0x1a: {  	s8 =	sadd.s32 $0xFFFFE003, lr  }
0x1b: {  	s9 =	sadd.s32 $0xFFFFFEF7, lr;
	s5 =	simm.s32 $0xFFFFFFFF;
	p2 =	slt.u32 s8, $0xFFFFF086  }
0x1c: {  	p1 =	slt.u32 s9, $0xF7A;
	s5 =	simm.s32 @!p2 $0x0  }
0x1d: {  	s5 =	simm.s32 @p1 $0x1;
	p0 =	seq.s32 s7, s2  }
0x1e: {  	s7 =	smul.u32 @!p0 $0xF7A, s2;
	p2 =	seq.s32 @!p0 s5, $0x0  }
0x1f: {  	s9 =	smul.u32 $0xF7A, s1;
	s8 =	simm.s32 @!p0 $0x1BF5;
	p2 =	por !p2, p0  }
0x20: {  	[sflag:s8] =	ssyncset.s32 @!p0 $0xFFFFF086;
	s6 =	sadd.s32 @!p0 s3, s7;
	s7 =	simm.s32 @!p0 $0x108  }
0x21: {  	s3 =	sadd.s32 s3, s9;
	s6 =	sadd.s32 @!p0 $0x88, s6;
	s7 =	simm.s32 @p2 $0x1082  }
0x22: {  	[simem:s7], [sflag:s8] =	dma.local @!p0 [hbm:s6], $0xF7A  }
0x23: {  	s9 =	sor.u32 $0xD0000000, s2;
	s6 =	simm.s32 $0x108;
	_ =	swait.ge @!p0 [sflag:s8], $0x0  }
0x24: {  	s3 =	sadd.s32 $0x88, s3;
	s6 =	simm.s32 @!p1 $0x1082;
	[sflag:s4] =	ssyncset.s32 $0xFFFFF086  }
0x25: {  	[simem:s6], [sflag:s4] =	dma.local [hbm:s3], $0xF7A  }
0x26: {  	[smem:$0x3F97] =	sst s1;
	(tag) =	ssettag s2;
	_ =	strace s9  }
0x27: {  	s1 =	sld [smem:$0x3FA7]  }
0x28: {  	s2 =	sld [smem:$0x3FA8]  }
0x29: {  	s4 =	sld [smem:$0x3FAA]  }
0x2a: {  	p0 =	seq.s32 s5, $0x0;
	s5 =	sld [smem:$0x3FAB]  }
0x2b: {  	s6 =	sld [smem:$0x3FAC]  }
0x2c: {  	s7 =	sld [smem:$0x3FAD]  }
0x2d: {  	s3 =	simm.s32 $0x108;
	s8 =	sld [smem:$0x3FAE]  }
0x2e: {  	s3 =	simm.s32 @!p0 $0x1082;
	s9 =	sld [smem:$0x3FAF]  }
0x2f: {  	lr =	sadd.s32 s0, s3;
	s0 =	sld [smem:$0x3FA6]  }
0x30: {  	s3 =	sld [smem:$0x3FA9]  }
0x31: {  	[smem:$0x3FB2] =	sst s10  }
0x32: {  	s10 =	sld [smem:$0x3FB0];
	_ =	sdelay $0x3  }
0x33: {  	p0 =	seq.s32 s10, $0x1;
	s10 =	sld [smem:$0x3FB2];
	_ =	sdelay $0x3  }
0x34: {  	[smem:$0x3FB2] =	sst s10  }
0x35: {  	s10 =	sld [smem:$0x3FB1];
	_ =	sdelay $0x3  }
0x36: {  	p1 =	seq.s32 s10, $0x1;
	s10 =	sld [smem:$0x3FB2];
	_ =	sdelay $0x3  }
0x37: {  	[smem:$0x3FB2] =	sst s10  }
0x38: {  	s10 =	sld [smem:$0x3FB3]  }
0x39: {  	_ = 	snop;
	(pc) =	sbr.ind lr, $3  }
0x3a: {  	_ = 	snop  }
0x3b: {  	_ = 	snop  }
0x3c: {  	p2 =	seq.s32 s10, $0x1;
	s10 =	sld [smem:$0x3FB2]  }
0x3d: {  	_ =	shalt  }
0x3e: {  	_ =	shalt  }
0x3f: {  	_ =	shalt  }
0x40: {  	_ =	shalt  }
0x41: {  	_ =	shalt  }
0x42: {  	_ =	shalt  }
0x43: {  	_ =	shalt  }
0x44: {  	_ =	shalt  }
0x45: {  	_ =	shalt  }
0x46: {  	_ =	shalt  }
0x47: {  	_ =	shalt  }
0x48: {  	_ =	shalt  }
0x49: {  	_ =	shalt  }
0x4a: {  	_ =	shalt  }
0x4b: {  	_ =	shalt  }
0x4c: {  	_ =	shalt  }
0x4d: {  	_ =	shalt  }
0x4e: {  	_ =	shalt  }
0x4f: {  	_ =	shalt  }
0x50: {  	_ =	shalt  }
0x51: {  	_ =	shalt  }
0x52: {  	_ =	shalt  }
0x53: {  	_ =	shalt  }
0x54: {  	_ =	shalt  }
0x55: {  	_ =	shalt  }
0x56: {  	_ =	shalt  }
0x57: {  	_ =	shalt  }
0x58: {  	_ =	shalt  }
0x59: {  	_ =	shalt  }
0x5a: {  	_ =	shalt  }
0x5b: {  	_ =	shalt  }
0x5c: {  	_ =	shalt  }
0x5d: {  	_ =	shalt  }
0x5e: {  	_ =	shalt  }
0x5f: {  	_ =	shalt  }
0x60: {  	_ =	shalt  }
0x61: {  	_ =	shalt  }
0x62: {  	_ =	shalt  }
0x63: {  	_ =	shalt  }
0x64: {  	_ =	shalt  }
0x65: {  	_ =	shalt  }
0x66: {  	_ =	shalt  }
0x67: {  	_ =	shalt  }
0x68: {  	_ =	shalt  }
0x69: {  	_ =	shalt  }
0x6a: {  	_ =	shalt  }
0x6b: {  	_ =	shalt  }
0x6c: {  	_ =	shalt  }
0x6d: {  	_ =	shalt  }
0x6e: {  	_ =	shalt  }
0x6f: {  	_ =	shalt  }
0x70: {  	_ =	shalt  }
0x71: {  	_ =	shalt  }
0x72: {  	_ =	shalt  }
0x73: {  	_ =	shalt  }
0x74: {  	_ =	shalt  }
0x75: {  	_ =	shalt  }
0x76: {  	_ =	shalt  }
0x77: {  	_ =	shalt  }
0x78: {  	_ =	shalt  }
0x79: {  	_ =	shalt  }
0x7a: {  	_ =	shalt  }
0x7b: {  	_ =	shalt  }
0x7c: {  	_ =	shalt  }
0x7d: {  	_ =	shalt  }
0x7e: {  	_ =	shalt  }
0x7f: {  	_ =	shalt  }
0x80: {  	_ =	shalt  }
0x81: {  	_ =	shalt  }
0x82: {  	_ =	shalt  }
0x83: {  	_ =	shalt  }
0x84: {  	_ =	shalt  }
0x85: {  	_ =	shalt  }
0x86: {  	_ =	shalt  }
0x87: {  	_ =	shalt  }
.Lfunc_end0:
.L_simem_size_0:
called_computation.3_lowered:
.L_overlay_start_0:
0x88: {  	s2 =	sld [smem:$0x3FD9]  }
0x89: {  	s3 =	sld [smem:$0x3FFE];
	_ =	sdelay $0x1  }
0x8a: {  	s1 =	srdreg.scid  }
0x8b: {  	s0 =	sand.u32 $0x1, s1  }
0x8c: {  	s16 =	sshll.u32 s0, $0xA;
	s2 =	sadd.s32 s3, s2  }
0x8d: {  	s2 =	sadd.s32 s2, s16  }
0x8e: {  	[smem:$0x3FBE] =	sst s2  }
0x8f: {  	_ = 	snop  }
0x90: {  	(tm) =	ssettm $0x1  }
0x91: {  	s17 =	sld [smem:$0x3FFB];
	_ =	sdelay $0x3  }
0x92: {  	_ =	strace s17  }
0x93: {  	s2 =	sld [smem:$0x3FFC];
	_ =	sdelay $0x3  }
0x94: {  	_ =	strace s2  }
0x95: {  	s2 =	sld [smem:$0x3FFD];
	_ =	sdelay $0x3  }
0x96: {  	_ =	strace s2  }
0x97: {  	_ =	strace $0x8FFFFFFF  }
0x98: {  	s18 =	sld [smem:$0x3FDB];
	_ =	sdelay $0x1  }
0x99: {  	s19 =	simm.s32 $_scs_section_size  }
0x9a: {  	s4 =	simm.s32 $_size__tile_overlayer_lowered;
	s5 =	simm.s32 $_tile_overlayer_lowered  }
0x9b: {  	s22 =	simm.s32 $0x1BFF;
	s21 =	sshll.u32 s5, $0x1;
	s2 =	sadd.s32 s19, s18  }
0x9c: {  	s6 =	simm.s32 $0x0;
	s20 =	sshll.u32 s4, $0x1;
	s4 =	sadd.s32 s21, s2  }
0x9d: {  	[timem:s6], [sflag:s22] =	dma.local [hbm:s4], s20  }
0x9e: {  	_ =	swait.ge [sflag:s22], s20  }
0x9f: {  	s3 =	ssub.s32 $0x0, s20;
	[sflag:s22] =	ssyncset.done $0x0  }
0xa0: {  	[sflag:s22] =	ssyncadd.s32 s3;
	_ =	sdelay $0x1  }
0xa1: {  	s23 =	simm.s32 $0x1B8B  }
0xa2: {  	_ =	swait.ge [sflag:s23], $0x1  }
0xa3: {  	[sflag:s23] =	ssyncset.done $0x0  }
0xa4: {  	s25 =	simm.s32 $0x1B8E;
	s24 =	sld [smem:$0x3FFE];
	[sflag:s23] =	ssyncadd.s32 $0xFFFFFFFF  }
0xa5: {  	s26 =	simm.s32 $execute0_lowered;
	[smem:$0x3FD2] =	sst s25  }
0xa6: {  	s4 =	sshll.u32 s26, $0x1;
	_ =	strace $0x8000004F;
	[dreg:$0x1] =	wrdreg $0xFFFFFFFF  }
0xa7: {  	s28 =	simm.s32 $_size_execute0_lowered;
	s2 =	sadd.s32 s2, s4;
	[dreg:$0x0] =	wrdreg $0x0  }
0xa8: {  	s4 =	sshll.u32 s28, $0x1;
	[dreg:$0x2] =	wrdreg s2  }
0xa9: {  	[dreg:$0x3] =	wrdreg s4  }
0xaa: {  	[dreg:$0x4] =	wrdreg $0xC0  }
0xab: {  	_ =	task [dreg:s6], $0x5FFFF  }
0xac: {  	[dreg:$0x1] =	wrdreg $0xFFFFFFFF  }
0xad: {  	[dreg:$0x0] =	wrdreg $0x60  }
0xae: {  	[dreg:$0x2] =	wrdreg s24  }
0xaf: {  	[dreg:$0x3] =	wrdreg $0x9  }
0xb0: {  	_ =	task.clear_ibuf [dreg:s6], $0x4FFFF;
	_ =	strace $0x9000004F  }
0xb1: {  	s29 =	simm.s32 $0x9;
	_ =	strace $0x80000051  }
0xb2: {  	_ =	swait.ge [sflag:s29], $0x1  }
0xb3: {  	[sflag:s29] =	ssyncadd.s32 $0xFFFFFFFF  }
0xb4: {  	_ =	strace $0x90000051  }
0xb5: {  	_ =	sfence  }
0xb6: {  	s30 =	sld [smem:$0x0];
	_ =	sdelay $0x2  }
0xb7: {  	s31 =	sshll.u32 s1, $0xD;
	s1 =	sshrl.u32 s1, $0x2  }
0xb8: {  	s3 =	sand.u32 $0x4000, s31;
	s1 =	sadd.s32 s1, s30  }
0xb9: {  	s0 =	sor.u32 s3, s0;
	s1 =	sshll.u32 s1, $0x11  }
0xba: {  	s0 =	sor.u32 s1, s0  }
0xbb: {  	s0 =	sadd.s32 $0x8F2B, s0  }
0xbc: {  	[sflag:s0] =	ssyncadd.remote.s32 $0x1  }
0xbd: {  	_ =	sfence.sel $0xFFFF  }
0xbe: {  	[dreg:$0x0] =	wrdreg $0xFFFFFFFF;
	(pc) =	sbr.abs _section_cstart, $3  }
0xbf: {  	[dreg:$0x1] =	wrdreg $0xFFFFFFFF  }
0xc0: {  	_ =	task.clear_ibuf [dreg:s6], $0x2FFFF;
	_ =	strace $0x9FFFFFFF  }
0xc1: {  	(tm) =	ssettm $0x7FFFFFFF  }
tec
execute0_lowered:
.L_overlay_start_1:
0x0: {  	(tag) =	ssettag $0x1  }
0x1: {  	s0 =	srdreg.scid;
	s5 =	rddreg [dreg:$0x0]  }
0x2: {  	s1 =	rddreg [dreg:$0x1];
	s12 =	simm.s32 $0xC400;
	s13 =	simm.s32 $0xCA80  }
0x3: {  	s14 =	simm.s32 $0xD100;
	s15 =	simm.s32 $0xD780;
	s16 =	simm.s32 $0x1  }
0x4: {  	s17 =	simm.s32 $0x2;
	s18 =	simm.s32 $0xDE00;
	s19 =	simm.s32 $0xE080  }
0x5: {  	s20 =	simm.s32 $0xE300;
	s21 =	simm.s32 $0x3;
	s3 =	sand.u32 $0x1, s0  }
0x6: {  	s22 =	simm.s32 $0x0;
	s0 =	stileid.u32;
	s4 =	smul.u32 $0x6200, s3  }
0x7: {  	s6 =	smul.u32 $0x620, s0;
	s2 =	sshll.u32 s3, $0x4;
	s3 =	ssub.s32 $0x2, s3  }
0x8: {  	s7 =	sor.u32 s0, s2;
	s2 =	simm.s32 $0x0;
	s31 =	sshrl.u32 s3, $0x1  }
0x9: {  	s4 =	sadd.s32 s6, s4;
	s26 =	smul.u32 $0x620, s7;
	[smem:$0x7FF] =	sst s2  }
0xa: {  	s7 =	smul.u32 $0x780, s7;
	s10 =	ssub.s32 s3, s31;
	s4 =	sshrl.u32 s4, $0x3  }
0xb: {  	_ =	strace $0x80000050;
	s10 =	smax.u32 s10, $0x1;
	s28 =	sshrl.u32 s26, $0x3  }
0xc: {  	s11 =	sadd.s32 s4, s5;
	s29 =	sshrl.u32 s7, $0x3;
	s30 =	sadd.s32 s28, s5  }
0xd: {  	s9 =	sadd.s32 s29, s5;
	s11 =	sadd.s32 $0x65A00, s11;
	s3 =	sadd.s32 $0x1F600, s30  }
0xe: {  	s4 =	sadd.s32 $0x20E80, s30;
	s5 =	sadd.s32 $0x1DC00, s30;
	s6 =	sadd.s32 $0x1C200, s30  }
0xf: {  	v0 =	vimm.f32 $0.0e+00;
	v1 =	vimm.f32 $1.000000000e+00;
	s7 =	sadd.s32 $0x2000, s9;
	s8 =	sadd.s32 $0x2050, s9;
	s9 =	sadd.s32 $0x20A0, s9  }
.LBB2_1:
0x10: {  	s23 =	simm.s32 $0x1880;
	s24 =	simm.s32 $0x0;
	s25 =	sadd.s32 $0x0, s11  }
.LBB2_2:
0x11: {  	[tilespmem:s24], [sflag:$0x1] =	stream.linear.gather [hbm4b:s25+s2], $0x620, $0x38;
	[tilespmem:$0xE580] =	vst v63  }
0x12: {  	s25 =	smov.u32 s23;
	p0 =	sne.s32 s23, $0x2F780  }
.Ltmp0:
0x13: {  	s23 =	sadd.s32 $0x1880, s23;
	(pc) =	sbr.rel @p0 .LBB2_2-.Ltmp0, $2  }
0x14: {  	_ =	sdelay $0x2  }
0x15: {  	s24 =	sshra.s32 s25, $0x2;
	s25 =	sadd.s32 s25, s11  }
0x16: {  	[tilespmem:s24], [sflag:$0x1] =	stream.linear.gather [hbm4b:s25+s2], $0x620, $0x38;
	[tilespmem:$0xE580] =	vst v63  }
0x17: {  	s23 =	simm.s32 $0x0  }
0x18: {  	[tilespmem:s12], [sflag:$0x2] =	stream.linear.gather [hbm4b:s3+s23], $0x620, $0x38;
	[tilespmem:$0xE580] =	vst v63  }
0x19: {  	_ = 	snop  }
0x1a: {  	[tilespmem:s13], [sflag:$0x2] =	stream.linear.gather [hbm4b:s4+s23], $0x620, $0x38;
	[tilespmem:$0xE580] =	vst v63  }
0x1b: {  	_ = 	snop  }
0x1c: {  	[tilespmem:s14], [sflag:$0x2] =	stream.linear.gather [hbm4b:s5+s23], $0x620, $0x38;
	[tilespmem:$0xE580] =	vst v63  }
0x1d: {  	_ = 	snop  }
0x1e: {  	[tilespmem:s15], [sflag:$0x2] =	stream.linear.gather [hbm4b:s6+s23], $0x620, $0x38;
	[tilespmem:$0xE580] =	vst v63  }
0x1f: {  	s24 =	simm.s32 $0x0;
	s23 =	simm.s32 $0x40  }
.LBB2_4:
0x20: {  	p0 =	sne.s32 s23, $0x9C0;
	[tilespmem:s24+$0xE300] =	vst v0;
	s25 =	smov.u32 s23;
	s23 =	sadd.s32 $0x40, s23  }
.Ltmp1:
0x21: {  	[tilespmem:s24+$0xDE00] =	vst v0;
	(pc) =	sbr.rel @p0 .LBB2_4-.Ltmp1, $2  }
0x22: {  	[tilespmem:s24+$0xE080] =	vst v0;
	_ =	sdelay $0x2  }
0x23: {  	s24 =	sshra.s32 s25, $0x2  }
0x24: {  	[tilespmem:s24+$0xE300] =	vst v0  }
0x25: {  	[tilespmem:s24+$0xDE00] =	vst v0  }
0x26: {  	[tilespmem:s24+$0xE080] =	vst v0  }
0x27: {  	_ =	swait.ge [sflag:s16], $0x620  }
0x28: {  	[sflag:s16] =	ssyncset.done $0x0  }
0x29: {  	[sflag:s16] =	ssyncadd.s32 $0xFFFFF9E0  }
0x2a: {  	_ =	swait.ge [sflag:s16], $0x620  }
0x2b: {  	[sflag:s16] =	ssyncset.done $0x0  }
0x2c: {  	[sflag:s16] =	ssyncadd.s32 $0xFFFFF9E0  }
0x2d: {  	_ =	swait.ge [sflag:s16], $0x620  }
0x2e: {  	[sflag:s16] =	ssyncset.done $0x0  }
0x2f: {  	[sflag:s16] =	ssyncadd.s32 $0xFFFFF9E0  }
0x30: {  	_ =	swait.ge [sflag:s16], $0x620  }
0x31: {  	[sflag:s16] =	ssyncset.done $0x0  }
0x32: {  	[sflag:s16] =	ssyncadd.s32 $0xFFFFF9E0  }
0x33: {  	_ =	swait.ge [sflag:s16], $0x620  }
0x34: {  	[sflag:s16] =	ssyncset.done $0x0  }
0x35: {  	[sflag:s16] =	ssyncadd.s32 $0xFFFFF9E0  }
0x36: {  	_ =	swait.ge [sflag:s16], $0x620  }
0x37: {  	[sflag:s16] =	ssyncset.done $0x0  }
0x38: {  	[sflag:s16] =	ssyncadd.s32 $0xFFFFF9E0  }
0x39: {  	_ =	swait.ge [sflag:s16], $0x620  }
0x3a: {  	[sflag:s16] =	ssyncset.done $0x0  }
0x3b: {  	[sflag:s16] =	ssyncadd.s32 $0xFFFFF9E0  }
0x3c: {  	_ =	swait.ge [sflag:s16], $0x620  }
0x3d: {  	[sflag:s16] =	ssyncset.done $0x0  }
0x3e: {  	[sflag:s16] =	ssyncadd.s32 $0xFFFFF9E0  }
0x3f: {  	_ =	swait.ge [sflag:s16], $0x620  }
0x40: {  	[sflag:s16] =	ssyncset.done $0x0  }
0x41: {  	[sflag:s16] =	ssyncadd.s32 $0xFFFFF9E0  }
0x42: {  	_ =	swait.ge [sflag:s16], $0x620  }
0x43: {  	[sflag:s16] =	ssyncset.done $0x0  }
0x44: {  	[sflag:s16] =	ssyncadd.s32 $0xFFFFF9E0  }
0x45: {  	_ =	swait.ge [sflag:s16], $0x620  }
0x46: {  	[sflag:s16] =	ssyncset.done $0x0  }
0x47: {  	[sflag:s16] =	ssyncadd.s32 $0xFFFFF9E0  }
0x48: {  	_ =	swait.ge [sflag:s16], $0x620  }
0x49: {  	[sflag:s16] =	ssyncset.done $0x0  }
0x4a: {  	[sflag:s16] =	ssyncadd.s32 $0xFFFFF9E0  }
0x4b: {  	_ =	swait.ge [sflag:s16], $0x620  }
0x4c: {  	[sflag:s16] =	ssyncset.done $0x0  }
0x4d: {  	[sflag:s16] =	ssyncadd.s32 $0xFFFFF9E0  }
0x4e: {  	_ =	swait.ge [sflag:s16], $0x620  }
0x4f: {  	[sflag:s16] =	ssyncset.done $0x0  }
0x50: {  	[sflag:s16] =	ssyncadd.s32 $0xFFFFF9E0  }
0x51: {  	_ =	swait.ge [sflag:s16], $0x620  }
0x52: {  	[sflag:s16] =	ssyncset.done $0x0  }
0x53: {  	[sflag:s16] =	ssyncadd.s32 $0xFFFFF9E0  }
0x54: {  	_ =	swait.ge [sflag:s16], $0x620  }
0x55: {  	[sflag:s16] =	ssyncset.done $0x0  }
0x56: {  	[sflag:s16] =	ssyncadd.s32 $0xFFFFF9E0  }
0x57: {  	_ =	swait.ge [sflag:s16], $0x620  }
0x58: {  	[sflag:s16] =	ssyncset.done $0x0  }
0x59: {  	[sflag:s16] =	ssyncadd.s32 $0xFFFFF9E0  }
0x5a: {  	_ =	swait.ge [sflag:s16], $0x620  }
0x5b: {  	[sflag:s16] =	ssyncset.done $0x0  }
0x5c: {  	[sflag:s16] =	ssyncadd.s32 $0xFFFFF9E0  }
0x5d: {  	_ =	swait.ge [sflag:s16], $0x620  }
0x5e: {  	[sflag:s16] =	ssyncset.done $0x0  }
0x5f: {  	[sflag:s16] =	ssyncadd.s32 $0xFFFFF9E0  }
0x60: {  	_ =	swait.ge [sflag:s16], $0x620  }
0x61: {  	[sflag:s16] =	ssyncset.done $0x0  }
0x62: {  	[sflag:s16] =	ssyncadd.s32 $0xFFFFF9E0  }
0x63: {  	_ =	swait.ge [sflag:s16], $0x620  }
0x64: {  	[sflag:s16] =	ssyncset.done $0x0  }
0x65: {  	[sflag:s16] =	ssyncadd.s32 $0xFFFFF9E0  }
0x66: {  	_ =	swait.ge [sflag:s16], $0x620  }
0x67: {  	[sflag:s16] =	ssyncset.done $0x0  }
0x68: {  	[sflag:s16] =	ssyncadd.s32 $0xFFFFF9E0  }
0x69: {  	_ =	swait.ge [sflag:s16], $0x620  }
0x6a: {  	[sflag:s16] =	ssyncset.done $0x0  }
0x6b: {  	[sflag:s16] =	ssyncadd.s32 $0xFFFFF9E0  }
0x6c: {  	_ =	swait.ge [sflag:s16], $0x620  }
0x6d: {  	[sflag:s16] =	ssyncset.done $0x0  }
0x6e: {  	[sflag:s16] =	ssyncadd.s32 $0xFFFFF9E0  }
0x6f: {  	_ =	swait.ge [sflag:s16], $0x620  }
0x70: {  	[sflag:s16] =	ssyncset.done $0x0  }
0x71: {  	[sflag:s16] =	ssyncadd.s32 $0xFFFFF9E0  }
0x72: {  	_ =	swait.ge [sflag:s16], $0x620  }
0x73: {  	[sflag:s16] =	ssyncset.done $0x0  }
0x74: {  	[sflag:s16] =	ssyncadd.s32 $0xFFFFF9E0  }
0x75: {  	_ =	swait.ge [sflag:s16], $0x620  }
0x76: {  	[sflag:s16] =	ssyncset.done $0x0  }
0x77: {  	[sflag:s16] =	ssyncadd.s32 $0xFFFFF9E0  }
0x78: {  	_ =	swait.ge [sflag:s16], $0x620  }
0x79: {  	[sflag:s16] =	ssyncset.done $0x0  }
0x7a: {  	[sflag:s16] =	ssyncadd.s32 $0xFFFFF9E0  }
0x7b: {  	_ =	swait.ge [sflag:s16], $0x620  }
0x7c: {  	[sflag:s16] =	ssyncset.done $0x0  }
0x7d: {  	[sflag:s16] =	ssyncadd.s32 $0xFFFFF9E0  }
0x7e: {  	_ =	swait.ge [sflag:s16], $0x620  }
0x7f: {  	[sflag:s16] =	ssyncset.done $0x0  }
0x80: {  	[sflag:s16] =	ssyncadd.s32 $0xFFFFF9E0  }
0x81: {  	_ =	swait.ge [sflag:s16], $0x620  }
0x82: {  	[sflag:s16] =	ssyncset.done $0x0  }
0x83: {  	[sflag:s16] =	ssyncadd.s32 $0xFFFFF9E0  }
0x84: {  	_ =	swait.ge [sflag:s16], $0x620  }
0x85: {  	[sflag:s16] =	ssyncset.done $0x0  }
0x86: {  	[sflag:s16] =	ssyncadd.s32 $0xFFFFF9E0  }
0x87: {  	_ =	swait.ge [sflag:s17], $0x620  }
0x88: {  	[sflag:s17] =	ssyncset.done $0x0  }
0x89: {  	[sflag:s17] =	ssyncadd.s32 $0xFFFFF9E0  }
0x8a: {  	_ =	swait.ge [sflag:s17], $0x620  }
0x8b: {  	[sflag:s17] =	ssyncset.done $0x0  }
0x8c: {  	[sflag:s17] =	ssyncadd.s32 $0xFFFFF9E0  }
0x8d: {  	_ =	swait.ge [sflag:s17], $0x620  }
0x8e: {  	[sflag:s17] =	ssyncset.done $0x0  }
0x8f: {  	[sflag:s17] =	ssyncadd.s32 $0xFFFFF9E0  }
0x90: {  	_ =	swait.ge [sflag:s17], $0x620  }
0x91: {  	s24 =	simm.s32 $0x0;
	[sflag:s17] =	ssyncset.done $0x0  }
0x92: {  	s26 =	sand.u32 $0x7F0, s24;
	[sflag:s17] =	ssyncadd.s32 $0xFFFFF9E0  }
0x93: {  	s23 =	simm.s32 $0x0;
	v2 =	vld [tilespmem:s26+$0x6200]  }
0x94: {  	v6 =	vld [tilespmem:s23+$0x0]  }
0x95: {  	v4 =	vld [tilespmem:s23+$0x6820]  }
0x96: {  	v7 =	vld [tilespmem:s23+$0x620]  }
0x97: {  	v5 =	vld [tilespmem:s23+$0xC40]  }
0x98: {  	s25 =	simm.s32 $0x40;
	v3 =	vld [tilespmem:s23+$0x6E40]  }
.LBB2_6:
0x99: {  	p0 =	sne.s32 s25, $0x1840;
	v8 =	vld [tilespmem:s23+$0x1260]  }
0x9a: {  	v9 =	vld [tilespmem:s23+$0x7460]  }
0x9b: {  	v10 =	vld [tilespmem:s26+$0x1880]  }
0x9c: {  	v6 =	vadd.f32 v7, v6;
	v7 =	vld [tilespmem:s26+$0x7A80]  }
0x9d: {  	v2 =	vadd.f32 v4, v2;
	v4 =	vld [tilespmem:s23+$0x1EA0]  }
0x9e: {  	v5 =	vadd.f32 v5, v6;
	v6 =	vld [tilespmem:s23+$0x80A0]  }
0x9f: {  	v2 =	vadd.f32 v3, v2;
	v3 =	vld [tilespmem:s23+$0x24C0]  }
0xa0: {  	v5 =	vadd.f32 v8, v5;
	v8 =	vld [tilespmem:s23+$0x86C0]  }
0xa1: {  	v2 =	vadd.f32 v9, v2;
	v9 =	vld [tilespmem:s23+$0x2AE0]  }
0xa2: {  	v5 =	vadd.f32 v10, v5;
	v10 =	vld [tilespmem:s23+$0x8CE0]  }
0xa3: {  	v2 =	vadd.f32 v7, v2;
	v7 =	vld [tilespmem:s26+$0x3100]  }
0xa4: {  	v4 =	vadd.f32 v4, v5;
	v5 =	vld [tilespmem:s26+$0x9300]  }
0xa5: {  	v2 =	vadd.f32 v6, v2;
	v6 =	vld [tilespmem:s23+$0x3720]  }
0xa6: {  	v3 =	vadd.f32 v3, v4;
	v4 =	vld [tilespmem:s23+$0x9920]  }
0xa7: {  	v2 =	vadd.f32 v8, v2;
	v8 =	vld [tilespmem:s23+$0x3D40]  }
0xa8: {  	v3 =	vadd.f32 v9, v3;
	v9 =	vld [tilespmem:s23+$0x9F40]  }
0xa9: {  	v2 =	vadd.f32 v10, v2;
	v10 =	vld [tilespmem:s23+$0x4360]  }
0xaa: {  	v3 =	vadd.f32 v7, v3;
	v7 =	vld [tilespmem:s23+$0xA560]  }
0xab: {  	v2 =	vadd.f32 v5, v2;
	v5 =	vld [tilespmem:s26+$0x4980]  }
0xac: {  	v3 =	vadd.f32 v6, v3;
	v6 =	vld [tilespmem:s26+$0xAB80]  }
0xad: {  	v2 =	vadd.f32 v4, v2;
	v4 =	vld [tilespmem:s23+$0x4FA0]  }
0xae: {  	v3 =	vadd.f32 v8, v3;
	v8 =	vld [tilespmem:s23+$0xB1A0]  }
0xaf: {  	v2 =	vadd.f32 v9, v2;
	v9 =	vld [tilespmem:s23+$0x55C0]  }
0xb0: {  	v3 =	vadd.f32 v10, v3;
	v10 =	vld [tilespmem:s23+$0xB7C0]  }
0xb1: {  	v2 =	vadd.f32 v7, v2;
	v7 =	vld [tilespmem:s23+$0x5BE0]  }
0xb2: {  	v3 =	vadd.f32 v5, v3;
	v5 =	vld [tilespmem:s23+$0xBDE0]  }
0xb3: {  	v2 =	vadd.f32 v6, v2;
	v6 =	vld [tilespmem:s23+$0xC400]  }
0xb4: {  	v3 =	vadd.f32 v4, v3;
	v4 =	vld [tilespmem:s23+$0xCA80]  }
0xb5: {  	v2 =	vadd.f32 v8, v2;
	v8 =	vld [tilespmem:s23+$0xD100]  }
0xb6: {  	v3 =	vadd.f32 v9, v3;
	v9 =	vld [tilespmem:s23+$0xD780]  }
0xb7: {  	v2 =	vadd.f32 v10, v2  }
0xb8: {  	v3 =	vadd.f32 v7, v3  }
0xb9: {  	v2 =	vadd.f32 v5, v2  }
0xba: {  	v3 =	vadd.f32 v6, v3  }
0xbb: {  	v2 =	vadd.f32 v4, v2  }
0xbc: {  	v3 =	vmul.f32 v3, v8  }
0xbd: {  	v2 =	vmul.f32 v2, v8  }
0xbe: {  	[tilespmem:v9+s18+$0x0] =	vst.idx.add.f32.msk $0xffff, v3  }
0xbf: {  	s24 =	sadd.s32 $0x10, s24;
	[tilespmem:v9+s19+$0x0] =	vst.idx.add.f32.msk $0xffff, v2  }
0xc0: {  	s26 =	sand.u32 $0x7F0, s24;
	[tilespmem:v9+s20+$0x0] =	vst.idx.add.f32.msk $0xffff, v1  }
0xc1: {  	s23 =	sshra.s32 s25, $0x2;
	v2 =	vld [tilespmem:s26+$0x6200]  }
.Ltmp2:
0xc2: {  	v6 =	vld [tilespmem:s23+$0x0];
	(pc) =	sbr.rel @p0 .LBB2_6-.Ltmp2, $4  }
0xc3: {  	v4 =	vld [tilespmem:s23+$0x6820]  }
0xc4: {  	v7 =	vld [tilespmem:s23+$0x620]  }
0xc5: {  	v5 =	vld [tilespmem:s23+$0xC40]  }
0xc6: {  	s25 =	sadd.s32 $0x40, s25;
	v3 =	vld [tilespmem:s23+$0x6E40]  }
0xc7: {  	v8 =	vld [tilespmem:s23+$0x1260]  }
0xc8: {  	v9 =	vld [tilespmem:s23+$0x7460]  }
0xc9: {  	v10 =	vld [tilespmem:s26+$0x1880];
	v6 =	vadd.f32 v7, v6  }
0xca: {  	v38 =	vld [tilespmem:s26+$0x7A80];
	v2 =	vadd.f32 v4, v2  }
0xcb: {  	v39 =	vld [tilespmem:s23+$0x1EA0];
	v5 =	vadd.f32 v5, v6  }
0xcc: {  	v40 =	vld [tilespmem:s23+$0x80A0];
	v2 =	vadd.f32 v3, v2  }
0xcd: {  	v41 =	vld [tilespmem:s23+$0x86C0];
	v5 =	vadd.f32 v8, v5  }
0xce: {  	v3 =	vld [tilespmem:s23+$0x24C0];
	v2 =	vadd.f32 v9, v2  }
0xcf: {  	v42 =	vld [tilespmem:s23+$0x2AE0];
	v5 =	vadd.f32 v10, v5  }
0xd0: {  	v43 =	vld [tilespmem:s23+$0x8CE0];
	v2 =	vadd.f32 v38, v2  }
0xd1: {  	v44 =	vld [tilespmem:s26+$0x3100];
	v4 =	vadd.f32 v39, v5  }
0xd2: {  	v45 =	vld [tilespmem:s26+$0x9300];
	v2 =	vadd.f32 v40, v2  }
0xd3: {  	v46 =	vld [tilespmem:s23+$0x3720];
	v3 =	vadd.f32 v3, v4  }
0xd4: {  	v47 =	vld [tilespmem:s23+$0x9920];
	v2 =	vadd.f32 v41, v2  }
0xd5: {  	v48 =	vld [tilespmem:s23+$0x3D40];
	v3 =	vadd.f32 v42, v3  }
0xd6: {  	v49 =	vld [tilespmem:s23+$0x9F40];
	v2 =	vadd.f32 v43, v2  }
0xd7: {  	v50 =	vld [tilespmem:s23+$0x4360];
	v3 =	vadd.f32 v44, v3  }
0xd8: {  	v51 =	vld [tilespmem:s23+$0xA560];
	v2 =	vadd.f32 v45, v2  }
0xd9: {  	v52 =	vld [tilespmem:s26+$0x4980];
	v3 =	vadd.f32 v46, v3  }
0xda: {  	v53 =	vld [tilespmem:s26+$0xAB80];
	v2 =	vadd.f32 v47, v2  }
0xdb: {  	v54 =	vld [tilespmem:s23+$0x4FA0];
	v3 =	vadd.f32 v48, v3  }
0xdc: {  	v55 =	vld [tilespmem:s23+$0xB1A0];
	v2 =	vadd.f32 v49, v2  }
0xdd: {  	v56 =	vld [tilespmem:s23+$0x55C0];
	v3 =	vadd.f32 v50, v3  }
0xde: {  	v57 =	vld [tilespmem:s23+$0xB7C0];
	v2 =	vadd.f32 v51, v2  }
0xdf: {  	v58 =	vld [tilespmem:s23+$0x5BE0];
	v3 =	vadd.f32 v52, v3  }
0xe0: {  	v59 =	vld [tilespmem:s23+$0xBDE0];
	v2 =	vadd.f32 v53, v2  }
0xe1: {  	v60 =	vld [tilespmem:s23+$0xC400];
	v3 =	vadd.f32 v54, v3  }
0xe2: {  	v61 =	vld [tilespmem:s23+$0xCA80];
	v2 =	vadd.f32 v55, v2  }
0xe3: {  	v62 =	vld [tilespmem:s23+$0xD780];
	v3 =	vadd.f32 v56, v3  }
0xe4: {  	v63 =	vld [tilespmem:s23+$0xD100];
	v2 =	vadd.f32 v57, v2  }
0xe5: {  	v3 =	vadd.f32 v58, v3  }
0xe6: {  	v2 =	vadd.f32 v59, v2  }
0xe7: {  	v3 =	vadd.f32 v60, v3  }
0xe8: {  	v2 =	vadd.f32 v61, v2  }
0xe9: {  	v3 =	vmul.f32 v3, v63  }
0xea: {  	v2 =	vmul.f32 v2, v63  }
0xeb: {  	[tilespmem:v62+s18+$0x0] =	vst.idx.add.f32.msk $0xffff, v3  }
0xec: {  	[tilespmem:v62+s19+$0x0] =	vst.idx.add.f32.msk $0xffff, v2  }
0xed: {  	[tilespmem:v62+s20+$0x0] =	vst.idx.add.f32.msk $0xffff, v1  }
0xee: {  	[hbm4b:s7+s2] =	stream.linear.scatter [tilespmem:s18], [sflag:$0x3], $0x280, $0x38;
	[tilespmem:$0xE580] =	vst v63  }
0xef: {  	_ =	swait.ge [sflag:s21], $0x280  }
0xf0: {  	[sflag:s21] =	ssyncset.done $0x0  }
0xf1: {  	[sflag:s21] =	ssyncadd.s32 $0xFFFFFD80  }
0xf2: {  	[hbm4b:s8+s2] =	stream.linear.scatter [tilespmem:s19], [sflag:$0x3], $0x280, $0x38;
	[tilespmem:$0xE580] =	vst v63  }
0xf3: {  	s22 =	sadd.s32 $0x1, s22;
	_ =	swait.ge [sflag:s21], $0x280  }
0xf4: {  	p0 =	sne.s32 s22, s10;
	[sflag:s21] =	ssyncset.done $0x0  }
.Ltmp3:
0xf5: {  	[sflag:s21] =	ssyncadd.s32 $0xFFFFFD80;
	(pc) =	sbr.rel @p0 .LBB2_1-.Ltmp3, $4  }
0xf6: {  	[hbm4b:s9+s2] =	stream.linear.scatter [tilespmem:s20], [sflag:$0x3], $0x280, $0x38;
	[tilespmem:$0xE580] =	vst v63  }
0xf7: {  	_ =	swait.ge [sflag:s21], $0x280  }
0xf8: {  	[sflag:s21] =	ssyncset.done $0x0  }
0xf9: {  	[sflag:s21] =	ssyncadd.s32 $0xFFFFFD80  }
0xfa: {  	_ =	sfence.sel $0x180000  }
0xfb: {  	[bflag:$0x0] =	sbarrier.arrive $0xFFFF  }
0xfc: {  	p0 =	sne.s32 s0, $0x0;
	_ =	strace $0x90000050  }
0xfd: {  	s0 =	sadd.s32 @!p0 $0x100000, s1;
	[bflag:$0x2] =	sbarrier.arrive $0xFFFF  }
0xfe: {  	[sflag:s0] =	ssyncadd.tile.s32 @!p0 $0x1;
	_ =	shalt  }
.Lfunc_end2:
_tile_overlayer_lowered:
.L_overlay_start_2:
0xff: {  	(tag) =	ssettag $0x2  }
0x100: {  	s0 =	rddreg [dreg:$0x0];
	s2 =	stileid.u32  }
0x101: {  	s1 =	rddreg [dreg:$0x1];
	p0 =	sne.s32 s2, $0x0  }
0x102: {  	s3 =	rddreg [dreg:$0x2];
	[bflag:$0x3] =	sbarrier.arrive $0xFFFF;
	s2 =	simm.s32 @!p0 $0x1C03  }
0x103: {  	[timem:s3], [sflag:s2] =	dma.local @!p0 [hbm:s0], s1  }
0x104: {  	s0 =	simm.s32 @!p0 $0x3  }
0x105: {  	_ =	swait.ge @!p0 [sflag:s0], s1  }
0x106: {  	s1 =	ssub.s32 @!p0 $0x0, s1;
	[sflag:s0] =	ssyncset.done @!p0 $0x0  }
0x107: {  	[sflag:s0] =	ssyncadd.s32 @!p0 s1  }
0x108: {  	[bflag:$0x3] =	sbarrier.arrive $0xFFFF  }
0x109: {  	_ =	shalt  }

// kernel: kernel.9.cloned.1.call-start
scs
__scs_entry_jumppad:
0x0: {  	(pc) =	sbr.rel $0x88, $3  }
0x1: {  	(tag) =	ssettag $0x0;
	lr =	simm.s32 $0x1  }
0x2: {  	[smem:$0x3F97] =	sst lr;
	_ =	strace $0xD0000000  }
0x3: {  	_ = 	snop  }
0x4: {  	_ = 	snop  }
0x5: {  	_ = 	snop  }
0x6: {  	_ = 	snop  }
0x7: {  	_ = 	snop  }
__scs_overlays_trampoline_lowered:
0x8: {  	[smem:$0x3FA6] =	sst s0  }
0x9: {  	[smem:$0x3FA7] =	sst s1  }
0xa: {  	[smem:$0x3FA8] =	sst s2  }
0xb: {  	[smem:$0x3FA9] =	sst s3  }
0xc: {  	[smem:$0x3FAA] =	sst s4  }
0xd: {  	[smem:$0x3FAB] =	sst s5  }
0xe: {  	[smem:$0x3FAC] =	sst s6  }
0xf: {  	[smem:$0x3FAD] =	sst s7  }
0x10: {  	[smem:$0x3FAE] =	sst s8  }
0x11: {  	[smem:$0x3FAF] =	sst s9;
	s0 =	simm.s32 @!p0 $0x0  }
0x12: {  	s1 =	sld [smem:$0x3F95];
	s0 =	simm.s32 @p0 $0x1  }
0x13: {  	[smem:$0x3FB0] =	sst s0;
	s0 =	simm.s32 @!p1 $0x0  }
0x14: {  	s2 =	sld [smem:$0x3F94];
	s0 =	simm.s32 @p1 $0x1  }
0x15: {  	[smem:$0x3FB1] =	sst s0;
	s0 =	simm.s32 @!p2 $0x0  }
0x16: {  	s3 =	sld [smem:$0x3FDB];
	s0 =	simm.s32 @p2 $0x1  }
0x17: {  	s4 =	simm.s32 $0x1BF5;
	[smem:$0x3FB3] =	sst s0  }
0x18: {  	s0 =	sld [smem:$0x3F96];
	_ =	swait.ge [sflag:s4], $0x0  }
0x19: {  	s7 =	sld [smem:$0x3F97]  }
0x1a: {  	s8 =	sadd.s32 $0xFFFFE003, lr  }
0x1b: {  	s9 =	sadd.s32 $0xFFFFFEF7, lr;
	s5 =	simm.s32 $0xFFFFFFFF;
	p2 =	slt.u32 s8, $0xFFFFF086  }
0x1c: {  	p1 =	slt.u32 s9, $0xF7A;
	s5 =	simm.s32 @!p2 $0x0  }
0x1d: {  	s5 =	simm.s32 @p1 $0x1;
	p0 =	seq.s32 s7, s2  }
0x1e: {  	s7 =	smul.u32 @!p0 $0xF7A, s2;
	p2 =	seq.s32 @!p0 s5, $0x0  }
0x1f: {  	s9 =	smul.u32 $0xF7A, s1;
	s8 =	simm.s32 @!p0 $0x1BF5;
	p2 =	por !p2, p0  }
0x20: {  	[sflag:s8] =	ssyncset.s32 @!p0 $0xFFFFF086;
	s6 =	sadd.s32 @!p0 s3, s7;
	s7 =	simm.s32 @!p0 $0x108  }
0x21: {  	s3 =	sadd.s32 s3, s9;
	s6 =	sadd.s32 @!p0 $0x88, s6;
	s7 =	simm.s32 @p2 $0x1082  }
0x22: {  	[simem:s7], [sflag:s8] =	dma.local @!p0 [hbm:s6], $0xF7A  }
0x23: {  	s9 =	sor.u32 $0xD0000000, s2;
	s6 =	simm.s32 $0x108;
	_ =	swait.ge @!p0 [sflag:s8], $0x0  }
0x24: {  	s3 =	sadd.s32 $0x88, s3;
	s6 =	simm.s32 @!p1 $0x1082;
	[sflag:s4] =	ssyncset.s32 $0xFFFFF086  }
0x25: {  	[simem:s6], [sflag:s4] =	dma.local [hbm:s3], $0xF7A  }
0x26: {  	[smem:$0x3F97] =	sst s1;
	(tag) =	ssettag s2;
	_ =	strace s9  }
0x27: {  	s1 =	sld [smem:$0x3FA7]  }
0x28: {  	s2 =	sld [smem:$0x3FA8]  }
0x29: {  	s4 =	sld [smem:$0x3FAA]  }
0x2a: {  	p0 =	seq.s32 s5, $0x0;
	s5 =	sld [smem:$0x3FAB]  }
0x2b: {  	s6 =	sld [smem:$0x3FAC]  }
0x2c: {  	s7 =	sld [smem:$0x3FAD]  }
0x2d: {  	s3 =	simm.s32 $0x108;
	s8 =	sld [smem:$0x3FAE]  }
0x2e: {  	s3 =	simm.s32 @!p0 $0x1082;
	s9 =	sld [smem:$0x3FAF]  }
0x2f: {  	lr =	sadd.s32 s0, s3;
	s0 =	sld [smem:$0x3FA6]  }
0x30: {  	s3 =	sld [smem:$0x3FA9]  }
0x31: {  	[smem:$0x3FB2] =	sst s10  }
0x32: {  	s10 =	sld [smem:$0x3FB0];
	_ =	sdelay $0x3  }
0x33: {  	p0 =	seq.s32 s10, $0x1;
	s10 =	sld [smem:$0x3FB2];
	_ =	sdelay $0x3  }
0x34: {  	[smem:$0x3FB2] =	sst s10  }
0x35: {  	s10 =	sld [smem:$0x3FB1];
	_ =	sdelay $0x3  }
0x36: {  	p1 =	seq.s32 s10, $0x1;
	s10 =	sld [smem:$0x3FB2];
	_ =	sdelay $0x3  }
0x37: {  	[smem:$0x3FB2] =	sst s10  }
0x38: {  	s10 =	sld [smem:$0x3FB3]  }
0x39: {  	_ = 	snop;
	(pc) =	sbr.ind lr, $3  }
0x3a: {  	_ = 	snop  }
0x3b: {  	_ = 	snop  }
0x3c: {  	p2 =	seq.s32 s10, $0x1;
	s10 =	sld [smem:$0x3FB2]  }
0x3d: {  	_ =	shalt  }
0x3e: {  	_ =	shalt  }
0x3f: {  	_ =	shalt  }
0x40: {  	_ =	shalt  }
0x41: {  	_ =	shalt  }
0x42: {  	_ =	shalt  }
0x43: {  	_ =	shalt  }
0x44: {  	_ =	shalt  }
0x45: {  	_ =	shalt  }
0x46: {  	_ =	shalt  }
0x47: {  	_ =	shalt  }
0x48: {  	_ =	shalt  }
0x49: {  	_ =	shalt  }
0x4a: {  	_ =	shalt  }
0x4b: {  	_ =	shalt  }
0x4c: {  	_ =	shalt  }
0x4d: {  	_ =	shalt  }
0x4e: {  	_ =	shalt  }
0x4f: {  	_ =	shalt  }
0x50: {  	_ =	shalt  }
0x51: {  	_ =	shalt  }
0x52: {  	_ =	shalt  }
0x53: {  	_ =	shalt  }
0x54: {  	_ =	shalt  }
0x55: {  	_ =	shalt  }
0x56: {  	_ =	shalt  }
0x57: {  	_ =	shalt  }
0x58: {  	_ =	shalt  }
0x59: {  	_ =	shalt  }
0x5a: {  	_ =	shalt  }
0x5b: {  	_ =	shalt  }
0x5c: {  	_ =	shalt  }
0x5d: {  	_ =	shalt  }
0x5e: {  	_ =	shalt  }
0x5f: {  	_ =	shalt  }
0x60: {  	_ =	shalt  }
0x61: {  	_ =	shalt  }
0x62: {  	_ =	shalt  }
0x63: {  	_ =	shalt  }
0x64: {  	_ =	shalt  }
0x65: {  	_ =	shalt  }
0x66: {  	_ =	shalt  }
0x67: {  	_ =	shalt  }
0x68: {  	_ =	shalt  }
0x69: {  	_ =	shalt  }
0x6a: {  	_ =	shalt  }
0x6b: {  	_ =	shalt  }
0x6c: {  	_ =	shalt  }
0x6d: {  	_ =	shalt  }
0x6e: {  	_ =	shalt  }
0x6f: {  	_ =	shalt  }
0x70: {  	_ =	shalt  }
0x71: {  	_ =	shalt  }
0x72: {  	_ =	shalt  }
0x73: {  	_ =	shalt  }
0x74: {  	_ =	shalt  }
0x75: {  	_ =	shalt  }
0x76: {  	_ =	shalt  }
0x77: {  	_ =	shalt  }
0x78: {  	_ =	shalt  }
0x79: {  	_ =	shalt  }
0x7a: {  	_ =	shalt  }
0x7b: {  	_ =	shalt  }
0x7c: {  	_ =	shalt  }
0x7d: {  	_ =	shalt  }
0x7e: {  	_ =	shalt  }
0x7f: {  	_ =	shalt  }
0x80: {  	_ =	shalt  }
0x81: {  	_ =	shalt  }
0x82: {  	_ =	shalt  }
0x83: {  	_ =	shalt  }
0x84: {  	_ =	shalt  }
0x85: {  	_ =	shalt  }
0x86: {  	_ =	shalt  }
0x87: {  	_ =	shalt  }
.Lfunc_end0:
.L_simem_size_0:
called_computation_lowered:
.L_overlay_start_0:
0x88: {  	s2 =	sld [smem:$0x3FD9]  }
0x89: {  	s3 =	sld [smem:$0x3FFE];
	_ =	sdelay $0x1  }
0x8a: {  	s1 =	srdreg.scid  }
0x8b: {  	s0 =	sand.u32 $0x1, s1  }
0x8c: {  	s16 =	sshll.u32 s0, $0xA;
	s2 =	sadd.s32 s3, s2  }
0x8d: {  	s2 =	sadd.s32 s2, s16  }
0x8e: {  	[smem:$0x3FBE] =	sst s2  }
0x8f: {  	_ = 	snop  }
0x90: {  	(tm) =	ssettm $0x1  }
0x91: {  	s17 =	sld [smem:$0x3FFB];
	_ =	sdelay $0x3  }
0x92: {  	_ =	strace s17  }
0x93: {  	s2 =	sld [smem:$0x3FFC];
	_ =	sdelay $0x3  }
0x94: {  	_ =	strace s2  }
0x95: {  	s2 =	sld [smem:$0x3FFD];
	_ =	sdelay $0x3  }
0x96: {  	_ =	strace s2  }
0x97: {  	_ =	strace $0x8FFFFFFF  }
0x98: {  	s18 =	sld [smem:$0x3FDB];
	_ =	sdelay $0x1  }
0x99: {  	s19 =	simm.s32 $_scs_section_size  }
0x9a: {  	s4 =	simm.s32 $_size__tile_overlayer_lowered;
	s5 =	simm.s32 $_tile_overlayer_lowered  }
0x9b: {  	s22 =	simm.s32 $0x1BFF;
	s21 =	sshll.u32 s5, $0x1;
	s2 =	sadd.s32 s19, s18  }
0x9c: {  	s6 =	simm.s32 $0x0;
	s20 =	sshll.u32 s4, $0x1;
	s4 =	sadd.s32 s21, s2  }
0x9d: {  	[timem:s6], [sflag:s22] =	dma.local [hbm:s4], s20  }
0x9e: {  	_ =	swait.ge [sflag:s22], s20  }
0x9f: {  	s3 =	ssub.s32 $0x0, s20;
	[sflag:s22] =	ssyncset.done $0x0  }
0xa0: {  	[sflag:s22] =	ssyncadd.s32 s3;
	_ =	sdelay $0x1  }
0xa1: {  	s23 =	simm.s32 $0x1B8B  }
0xa2: {  	_ =	swait.ge [sflag:s23], $0x1  }
0xa3: {  	[sflag:s23] =	ssyncset.done $0x0  }
0xa4: {  	s25 =	simm.s32 $0x1B8E;
	s24 =	sld [smem:$0x3FFE];
	[sflag:s23] =	ssyncadd.s32 $0xFFFFFFFF  }
0xa5: {  	s26 =	simm.s32 $execute0_lowered;
	[smem:$0x3FD2] =	sst s25  }
0xa6: {  	s4 =	sshll.u32 s26, $0x1;
	_ =	strace $0x80000046;
	[dreg:$0x1] =	wrdreg $0xFFFFFFFF  }
0xa7: {  	s28 =	simm.s32 $_size_execute0_lowered;
	s2 =	sadd.s32 s2, s4;
	[dreg:$0x0] =	wrdreg $0x0  }
0xa8: {  	s4 =	sshll.u32 s28, $0x1;
	[dreg:$0x2] =	wrdreg s2  }
0xa9: {  	[dreg:$0x3] =	wrdreg s4  }
0xaa: {  	[dreg:$0x4] =	wrdreg $0xC0  }
0xab: {  	_ =	task [dreg:s6], $0x5FFFF  }
0xac: {  	[dreg:$0x1] =	wrdreg $0xFFFFFFFF  }
0xad: {  	[dreg:$0x0] =	wrdreg $0x60  }
0xae: {  	[dreg:$0x2] =	wrdreg s24  }
0xaf: {  	[dreg:$0x3] =	wrdreg $0x9  }
0xb0: {  	_ =	task.clear_ibuf [dreg:s6], $0x4FFFF;
	_ =	strace $0x90000046  }
0xb1: {  	s29 =	simm.s32 $0x9;
	_ =	strace $0x80000048  }
0xb2: {  	_ =	swait.ge [sflag:s29], $0x1  }
0xb3: {  	[sflag:s29] =	ssyncadd.s32 $0xFFFFFFFF  }
0xb4: {  	_ =	strace $0x90000048  }
0xb5: {  	_ =	sfence  }
0xb6: {  	s30 =	sld [smem:$0x0];
	_ =	sdelay $0x2  }
0xb7: {  	s31 =	sshll.u32 s1, $0xD;
	s1 =	sshrl.u32 s1, $0x2  }
0xb8: {  	s3 =	sand.u32 $0x4000, s31;
	s1 =	sadd.s32 s1, s30  }
0xb9: {  	s0 =	sor.u32 s3, s0;
	s1 =	sshll.u32 s1, $0x11  }
0xba: {  	s0 =	sor.u32 s1, s0  }
0xbb: {  	s0 =	sadd.s32 $0x8F2B, s0  }
0xbc: {  	[sflag:s0] =	ssyncadd.remote.s32 $0x1  }
0xbd: {  	_ =	sfence.sel $0xFFFF  }
0xbe: {  	[dreg:$0x0] =	wrdreg $0xFFFFFFFF;
	(pc) =	sbr.abs _section_cstart, $3  }
0xbf: {  	[dreg:$0x1] =	wrdreg $0xFFFFFFFF  }
0xc0: {  	_ =	task.clear_ibuf [dreg:s6], $0x2FFFF;
	_ =	strace $0x9FFFFFFF  }
0xc1: {  	(tm) =	ssettm $0x7FFFFFFF  }
tec
execute0_lowered:
.L_overlay_start_1:
0x0: {  	(tag) =	ssettag $0x1  }
0x1: {  	s0 =	srdreg.scid;
	s4 =	rddreg [dreg:$0x0]  }
0x2: {  	s1 =	stileid.u32;
	s2 =	simm.s32 $0x0;
	s10 =	simm.s32 $0xC400  }
0x3: {  	s11 =	simm.s32 $0x1;
	s12 =	simm.s32 $0xDC80;
	s3 =	sand.u32 $0x1, s0  }
0x4: {  	s13 =	simm.s32 $0x2;
	s14 =	simm.s32 $0x3;
	s5 =	sshll.u32 s3, $0x4  }
0x5: {  	s15 =	simm.s32 $0x4;
	s0 =	rddreg [dreg:$0x1];
	s5 =	sor.u32 s1, s5  }
0x6: {  	s16 =	simm.s32 $0x0;
	[smem:$0x7FF] =	sst s2;
	s6 =	smul.u32 $0x6200, s5  }
0x7: {  	_ =	strace $0x80000047;
	s7 =	ssub.s32 $0x2, s3;
	s5 =	smul.u32 $0x1880, s5  }
0x8: {  	s3 =	sadd.s32 $0x1A800, s4;
	s31 =	sshrl.u32 s7, $0x1;
	s6 =	sshrl.u32 s6, $0x3  }
0x9: {  	s7 =	ssub.s32 s7, s31;
	s8 =	sadd.s32 s5, s4;
	s9 =	sadd.s32 s6, s4  }
0xa: {  	s7 =	smax.u32 s7, $0x1;
	s6 =	sadd.s32 $0x1C200, s8;
	s4 =	sadd.s32 $0x2000, s9  }
0xb: {  	v0 =	vimm.f32 $1.000000000e+00;
	s5 =	sadd.s32 $0x2620, s9;
	s8 =	sadd.s32 $0x2310, s9;
	s9 =	sadd.s32 $0x2930, s9  }
.LBB2_1:
0xc: {  	[tilespmem:s2], [sflag:$0x1] =	stream.linear.gather [hbm4b:s3+s2], $0xC400, $0x38;
	[tilespmem:$0xF500] =	vst v63  }
0xd: {  	_ = 	snop  }
0xe: {  	[tilespmem:s10], [sflag:$0x2] =	stream.linear.gather [hbm4b:s4+s2], $0x1880, $0x38;
	[tilespmem:$0xF500] =	vst v63  }
0xf: {  	_ =	swait.ge [sflag:s11], $0xC400  }
0x10: {  	[sflag:s11] =	ssyncset.done $0x0  }
0x11: {  	[sflag:s11] =	ssyncadd.s32 $0xFFFF3C00  }
0x12: {  	[tilespmem:s12], [sflag:$0x3] =	stream.linear.gather [hbm4b:s8+s2], $0x1880, $0x38;
	[tilespmem:$0xF500] =	vst v63  }
0x13: {  	_ =	swait.ge [sflag:s13], $0x1880  }
0x14: {  	[sflag:s13] =	ssyncset.done $0x0  }
0x15: {  	s17 =	simm.s32 $0x0;
	[sflag:s13] =	ssyncadd.s32 $0xFFFFE780  }
.LBB2_2:
0x16: {  	s18 =	sshra.s32 s17, $0x2  }
0x17: {  	v1 =	vld [tilespmem:s18+$0xC400];
	_ =	sdelay $0x7  }
0x18: {  	[tilespmem:v1+s2+$0x0] =	vst.idx.add.f32.msk $0xffff, v0  }
0x19: {  	v1 =	vld [tilespmem:s18+$0xC410];
	_ =	sdelay $0x7  }
0x1a: {  	[tilespmem:v1+s2+$0x0] =	vst.idx.add.f32.msk $0xffff, v0  }
0x1b: {  	v1 =	vld [tilespmem:s18+$0xC420];
	_ =	sdelay $0x7  }
0x1c: {  	[tilespmem:v1+s2+$0x0] =	vst.idx.add.f32.msk $0xffff, v0  }
0x1d: {  	v1 =	vld [tilespmem:s18+$0xC430];
	_ =	sdelay $0x7  }
0x1e: {  	[tilespmem:v1+s2+$0x0] =	vst.idx.add.f32.msk $0xffff, v0  }
0x1f: {  	v1 =	vld [tilespmem:s18+$0xC440];
	_ =	sdelay $0x7  }
0x20: {  	[tilespmem:v1+s2+$0x0] =	vst.idx.add.f32.msk $0xffff, v0  }
0x21: {  	v1 =	vld [tilespmem:s18+$0xC450];
	_ =	sdelay $0x7  }
0x22: {  	[tilespmem:v1+s2+$0x0] =	vst.idx.add.f32.msk $0xffff, v0  }
0x23: {  	v1 =	vld [tilespmem:s18+$0xC460];
	_ =	sdelay $0x7  }
0x24: {  	[tilespmem:v1+s2+$0x0] =	vst.idx.add.f32.msk $0xffff, v0  }
0x25: {  	v1 =	vld [tilespmem:s18+$0xC470];
	_ =	sdelay $0x2  }
0x26: {  	p0 =	sne.s32 s17, $0x6000  }
.Ltmp0:
0x27: {  	_ = 	snop;
	(pc) =	sbr.rel @p0 .LBB2_2-.Ltmp0, $2  }
0x28: {  	_ =	sdelay $0x2  }
0x29: {  	s17 =	sadd.s32 $0x200, s17;
	[tilespmem:v1+s2+$0x0] =	vst.idx.add.f32.msk $0xffff, v0  }
0x2a: {  	s17 =	simm.s32 $0x0  }
0x2b: {  	[tilespmem:s10], [sflag:$0x2] =	stream.linear.gather [hbm4b:s5+s17], $0x1880, $0x38;
	[tilespmem:$0xF500] =	vst v63  }
0x2c: {  	_ =	swait.ge [sflag:s14], $0x1880  }
0x2d: {  	[sflag:s14] =	ssyncset.done $0x0  }
0x2e: {  	[sflag:s14] =	ssyncadd.s32 $0xFFFFE780  }
.LBB2_4:
0x2f: {  	s18 =	sshra.s32 s17, $0x2  }
0x30: {  	v1 =	vld [tilespmem:s18+$0xDC80];
	_ =	sdelay $0x7  }
0x31: {  	[tilespmem:v1+s2+$0x0] =	vst.idx.add.f32.msk $0xffff, v0  }
0x32: {  	v1 =	vld [tilespmem:s18+$0xDC90];
	_ =	sdelay $0x7  }
0x33: {  	[tilespmem:v1+s2+$0x0] =	vst.idx.add.f32.msk $0xffff, v0  }
0x34: {  	v1 =	vld [tilespmem:s18+$0xDCA0];
	_ =	sdelay $0x7  }
0x35: {  	[tilespmem:v1+s2+$0x0] =	vst.idx.add.f32.msk $0xffff, v0  }
0x36: {  	v1 =	vld [tilespmem:s18+$0xDCB0];
	_ =	sdelay $0x7  }
0x37: {  	[tilespmem:v1+s2+$0x0] =	vst.idx.add.f32.msk $0xffff, v0  }
0x38: {  	v1 =	vld [tilespmem:s18+$0xDCC0];
	_ =	sdelay $0x7  }
0x39: {  	[tilespmem:v1+s2+$0x0] =	vst.idx.add.f32.msk $0xffff, v0  }
0x3a: {  	v1 =	vld [tilespmem:s18+$0xDCD0];
	_ =	sdelay $0x7  }
0x3b: {  	[tilespmem:v1+s2+$0x0] =	vst.idx.add.f32.msk $0xffff, v0  }
0x3c: {  	v1 =	vld [tilespmem:s18+$0xDCE0];
	_ =	sdelay $0x7  }
0x3d: {  	[tilespmem:v1+s2+$0x0] =	vst.idx.add.f32.msk $0xffff, v0  }
0x3e: {  	v1 =	vld [tilespmem:s18+$0xDCF0];
	_ =	sdelay $0x2  }
0x3f: {  	p0 =	sne.s32 s17, $0x6000  }
.Ltmp1:
0x40: {  	_ = 	snop;
	(pc) =	sbr.rel @p0 .LBB2_4-.Ltmp1, $2  }
0x41: {  	_ =	sdelay $0x2  }
0x42: {  	s17 =	sadd.s32 $0x200, s17;
	[tilespmem:v1+s2+$0x0] =	vst.idx.add.f32.msk $0xffff, v0  }
0x43: {  	s17 =	simm.s32 $0x0  }
0x44: {  	[tilespmem:s12], [sflag:$0x3] =	stream.linear.gather [hbm4b:s9+s17], $0x1880, $0x38;
	[tilespmem:$0xF500] =	vst v63  }
0x45: {  	_ =	swait.ge [sflag:s13], $0x1880  }
0x46: {  	[sflag:s13] =	ssyncset.done $0x0  }
0x47: {  	[sflag:s13] =	ssyncadd.s32 $0xFFFFE780  }
.LBB2_6:
0x48: {  	s18 =	sshra.s32 s17, $0x2  }
0x49: {  	v1 =	vld [tilespmem:s18+$0xC400];
	_ =	sdelay $0x7  }
0x4a: {  	[tilespmem:v1+s2+$0x0] =	vst.idx.add.f32.msk $0xffff, v0  }
0x4b: {  	v1 =	vld [tilespmem:s18+$0xC410];
	_ =	sdelay $0x7  }
0x4c: {  	[tilespmem:v1+s2+$0x0] =	vst.idx.add.f32.msk $0xffff, v0  }
0x4d: {  	v1 =	vld [tilespmem:s18+$0xC420];
	_ =	sdelay $0x7  }
0x4e: {  	[tilespmem:v1+s2+$0x0] =	vst.idx.add.f32.msk $0xffff, v0  }
0x4f: {  	v1 =	vld [tilespmem:s18+$0xC430];
	_ =	sdelay $0x7  }
0x50: {  	[tilespmem:v1+s2+$0x0] =	vst.idx.add.f32.msk $0xffff, v0  }
0x51: {  	v1 =	vld [tilespmem:s18+$0xC440];
	_ =	sdelay $0x7  }
0x52: {  	[tilespmem:v1+s2+$0x0] =	vst.idx.add.f32.msk $0xffff, v0  }
0x53: {  	v1 =	vld [tilespmem:s18+$0xC450];
	_ =	sdelay $0x7  }
0x54: {  	[tilespmem:v1+s2+$0x0] =	vst.idx.add.f32.msk $0xffff, v0  }
0x55: {  	v1 =	vld [tilespmem:s18+$0xC460];
	_ =	sdelay $0x7  }
0x56: {  	[tilespmem:v1+s2+$0x0] =	vst.idx.add.f32.msk $0xffff, v0  }
0x57: {  	v1 =	vld [tilespmem:s18+$0xC470];
	_ =	sdelay $0x2  }
0x58: {  	p0 =	sne.s32 s17, $0x6000  }
.Ltmp2:
0x59: {  	_ = 	snop;
	(pc) =	sbr.rel @p0 .LBB2_6-.Ltmp2, $2  }
0x5a: {  	_ =	sdelay $0x2  }
0x5b: {  	s17 =	sadd.s32 $0x200, s17;
	[tilespmem:v1+s2+$0x0] =	vst.idx.add.f32.msk $0xffff, v0  }
0x5c: {  	_ =	swait.ge [sflag:s14], $0x1880  }
0x5d: {  	[sflag:s14] =	ssyncset.done $0x0  }
0x5e: {  	s17 =	simm.s32 $0x0;
	[sflag:s14] =	ssyncadd.s32 $0xFFFFE780  }
.LBB2_8:
0x5f: {  	s18 =	sshra.s32 s17, $0x2  }
0x60: {  	v1 =	vld [tilespmem:s18+$0xDC80];
	_ =	sdelay $0x7  }
0x61: {  	[tilespmem:v1+s2+$0x0] =	vst.idx.add.f32.msk $0xffff, v0  }
0x62: {  	v1 =	vld [tilespmem:s18+$0xDC90];
	_ =	sdelay $0x7  }
0x63: {  	[tilespmem:v1+s2+$0x0] =	vst.idx.add.f32.msk $0xffff, v0  }
0x64: {  	v1 =	vld [tilespmem:s18+$0xDCA0];
	_ =	sdelay $0x7  }
0x65: {  	[tilespmem:v1+s2+$0x0] =	vst.idx.add.f32.msk $0xffff, v0  }
0x66: {  	v1 =	vld [tilespmem:s18+$0xDCB0];
	_ =	sdelay $0x7  }
0x67: {  	[tilespmem:v1+s2+$0x0] =	vst.idx.add.f32.msk $0xffff, v0  }
0x68: {  	v1 =	vld [tilespmem:s18+$0xDCC0];
	_ =	sdelay $0x7  }
0x69: {  	[tilespmem:v1+s2+$0x0] =	vst.idx.add.f32.msk $0xffff, v0  }
0x6a: {  	v1 =	vld [tilespmem:s18+$0xDCD0];
	_ =	sdelay $0x7  }
0x6b: {  	[tilespmem:v1+s2+$0x0] =	vst.idx.add.f32.msk $0xffff, v0  }
0x6c: {  	v1 =	vld [tilespmem:s18+$0xDCE0];
	_ =	sdelay $0x7  }
0x6d: {  	[tilespmem:v1+s2+$0x0] =	vst.idx.add.f32.msk $0xffff, v0  }
0x6e: {  	v1 =	vld [tilespmem:s18+$0xDCF0];
	_ =	sdelay $0x2  }
0x6f: {  	p0 =	sne.s32 s17, $0x6000  }
.Ltmp3:
0x70: {  	_ = 	snop;
	(pc) =	sbr.rel @p0 .LBB2_8-.Ltmp3, $2  }
0x71: {  	_ =	sdelay $0x2  }
0x72: {  	s17 =	sadd.s32 $0x200, s17;
	[tilespmem:v1+s2+$0x0] =	vst.idx.add.f32.msk $0xffff, v0  }
0x73: {  	s16 =	sadd.s32 $0x1, s16  }
0x74: {  	p0 =	sne.s32 s16, s7  }
.Ltmp4:
0x75: {  	_ = 	snop;
	(pc) =	sbr.rel @p0 .LBB2_1-.Ltmp4, $4  }
0x76: {  	[hbm4b:s6+s2] =	stream.linear.scatter [tilespmem:s2], [sflag:$0x4], $0xC400, $0x38;
	[tilespmem:$0xF500] =	vst v63  }
0x77: {  	_ =	swait.ge [sflag:s15], $0xC400  }
0x78: {  	[sflag:s15] =	ssyncset.done $0x0  }
0x79: {  	[sflag:s15] =	ssyncadd.s32 $0xFFFF3C00  }
0x7a: {  	_ =	sfence.sel $0x180000  }
0x7b: {  	[bflag:$0x0] =	sbarrier.arrive $0xFFFF  }
0x7c: {  	p0 =	sne.s32 s1, $0x0;
	_ =	strace $0x90000047  }
0x7d: {  	s0 =	sadd.s32 @!p0 $0x100000, s0;
	[bflag:$0x2] =	sbarrier.arrive $0xFFFF  }
0x7e: {  	[sflag:s0] =	ssyncadd.tile.s32 @!p0 $0x1;
	_ =	shalt  }
.Lfunc_end2:
_tile_overlayer_lowered:
.L_overlay_start_2:
0x7f: {  	(tag) =	ssettag $0x2  }
0x80: {  	s0 =	rddreg [dreg:$0x0];
	s2 =	stileid.u32  }
0x81: {  	s1 =	rddreg [dreg:$0x1];
	p0 =	sne.s32 s2, $0x0  }
0x82: {  	s3 =	rddreg [dreg:$0x2];
	[bflag:$0x3] =	sbarrier.arrive $0xFFFF;
	s2 =	simm.s32 @!p0 $0x1C04  }
0x83: {  	[timem:s3], [sflag:s2] =	dma.local @!p0 [hbm:s0], s1  }
0x84: {  	s0 =	simm.s32 @!p0 $0x4  }
0x85: {  	_ =	swait.ge @!p0 [sflag:s0], s1  }
0x86: {  	s1 =	ssub.s32 @!p0 $0x0, s1;
	[sflag:s0] =	ssyncset.done @!p0 $0x0  }
0x87: {  	[sflag:s0] =	ssyncadd.s32 @!p0 s1  }
0x88: {  	[bflag:$0x3] =	sbarrier.arrive $0xFFFF  }
0x89: {  	_ =	shalt  }

</sc_bundles>
